<compile_context>
chip_gen: v7x
topology: tpu7x:2x2x1
jax: 0.10.2.dev20260603
libtpu: 0.0.44.dev20260713+nightly
codegen_flags: <defaults>
</compile_context>

<pallas_src>
import functools

import jax
import jax.numpy as jnp
from jax import lax
from jax.experimental import pallas as pl
from jax.experimental.pallas import tpu as pltpu
from jax.experimental.pallas import tpu_sc as plsc

_LANES = 16


def _sc_mesh():
    return plsc.VectorSubcoreMesh(core_axis_name="c", subcore_axis_name="s")


def _build_hist(n, nw, ns, nit):

    @functools.partial(
        pl.kernel,
        out_type=jax.ShapeDtypeStruct((nw, n), jnp.float32),
        mesh=_sc_mesh(),
        scratch_types=[
            pltpu.VMEM((nit, _LANES), jnp.int32),
            pltpu.VMEM((n,), jnp.float32),
        ],
        compiler_params=pltpu.CompilerParams(needs_layout_passes=False),
    )
    def hist(dst_hbm, out_hbm, idx_v, hist_v):
        cid = lax.axis_index("c")
        sid = lax.axis_index("s")
        wid = cid * ns + sid
        pltpu.sync_copy(dst_hbm.at[wid], idx_v)

        zero16 = jnp.zeros((_LANES,), jnp.float32)

        def zbody(i, carry):
            hist_v[pl.ds(i * _LANES, _LANES)] = zero16
            return carry

        lax.fori_loop(0, n // _LANES, zbody, 0)

        ones16 = jnp.ones((_LANES,), jnp.float32)

        def body(i, carry):
            idx = idx_v[i, :]
            plsc.addupdate_scatter(hist_v, [idx], ones16)
            return carry

        lax.fori_loop(0, nit, body, 0)
        pltpu.sync_copy(hist_v, out_hbm.at[wid])

    return hist


def _build_scatter(n_pad, f, nc, ns, ch, k):
    rows_per_tile = n_pad // ns
    zrows = 128
    qch = 16
    nq = ch // qch

    @functools.partial(
        pl.kernel,
        out_type=jax.ShapeDtypeStruct((nc, n_pad, f), jnp.float32),
        mesh=_sc_mesh(),
        scratch_types=[
            pltpu.VMEM((2, qch, k), jnp.int32),
            pltpu.VMEM((2, qch, k), jnp.int32),
            pltpu.VMEM((zrows, f), jnp.float32),
            pltpu.VMEM((k, f), jnp.float32),
            pltpu.VMEM_SHARED((n_pad, f), jnp.float32),
            pltpu.SemaphoreType.DMA,
            pltpu.SemaphoreType.DMA,
            pltpu.SemaphoreType.DMA,
        ],
    )
    def scat(y_hbm, src_hbm, dst_hbm, out_hbm, src_v, dst_v, rows0, rows1,
             agg_sh, sem0, sem1, semi):
        cid = lax.axis_index("c")
        sid = lax.axis_index("s")
        wid = cid * ns + sid

        pltpu.async_copy(src_hbm.at[wid, pl.ds(0, qch)], src_v.at[0], semi)
        pltpu.async_copy(dst_hbm.at[wid, pl.ds(0, qch)], dst_v.at[0], semi)

        zero16 = jnp.zeros((_LANES,), jnp.float32)
        fparts = f // _LANES

        def zbody(i, carry):
            r = i // fparts
            c = i % fparts
            rows0[r, pl.ds(c * _LANES, _LANES)] = zero16
            return carry

        lax.fori_loop(0, zrows * fparts, zbody, 0)

        base = sid * rows_per_tile
        for j in range(rows_per_tile // zrows):
            pltpu.async_copy(rows0, agg_sh.at[pl.ds(base + j * zrows, zrows)],
                             sem1)
        pltpu.make_async_copy(src_hbm.at[wid, pl.ds(0, qch)], src_v.at[0],
                              semi).wait()
        pltpu.make_async_copy(dst_hbm.at[wid, pl.ds(0, qch)], dst_v.at[0],
                              semi).wait()
        for j in range(rows_per_tile // zrows):
            pltpu.make_async_copy(rows0,
                                  agg_sh.at[pl.ds(base + j * zrows, zrows)],
                                  sem1).wait()
        plsc.subcore_barrier()

        rows0k = rows0.at[pl.ds(0, k)]

        pltpu.async_copy(y_hbm.at[src_v.at[0].at[0]], rows0k, sem0)
        for q in range(nq):
            p = q % 2
            pn = (q + 1) % 2
            sq = src_v.at[p]
            dq = dst_v.at[p]
            if q + 1 < nq:
                pltpu.async_copy(
                    src_hbm.at[wid, pl.ds((q + 1) * qch, qch)],
                    src_v.at[pn], semi)
                pltpu.async_copy(
                    dst_hbm.at[wid, pl.ds((q + 1) * qch, qch)],
                    dst_v.at[pn], semi)

            def pair(jj, carry):
                j0 = 2 * jj
                pltpu.make_async_copy(y_hbm.at[sq.at[j0]], rows0k,
                                      sem0).wait()
                pltpu.async_copy(y_hbm.at[sq.at[j0 + 1]], rows1, sem1)
                pltpu.sync_copy(rows0k, agg_sh.at[dq.at[j0]], add=True)
                pltpu.make_async_copy(y_hbm.at[sq.at[j0 + 1]], rows1,
                                      sem1).wait()
                pltpu.async_copy(y_hbm.at[sq.at[j0 + 2]], rows0k, sem0)
                pltpu.sync_copy(rows1, agg_sh.at[dq.at[j0 + 1]], add=True)
                return carry

            lax.fori_loop(0, qch // 2 - 1, pair, 0)

            j0 = qch - 2
            pltpu.make_async_copy(y_hbm.at[sq.at[j0]], rows0k, sem0).wait()
            pltpu.async_copy(y_hbm.at[sq.at[j0 + 1]], rows1, sem1)
            pltpu.sync_copy(rows0k, agg_sh.at[dq.at[j0]], add=True)
            pltpu.make_async_copy(y_hbm.at[sq.at[j0 + 1]], rows1,
                                  sem1).wait()
            if q + 1 < nq:
                pltpu.make_async_copy(
                    src_hbm.at[wid, pl.ds((q + 1) * qch, qch)],
                    src_v.at[pn], semi).wait()
                pltpu.make_async_copy(
                    dst_hbm.at[wid, pl.ds((q + 1) * qch, qch)],
                    dst_v.at[pn], semi).wait()
                pltpu.async_copy(y_hbm.at[src_v.at[pn].at[0]], rows0k, sem0)
            pltpu.sync_copy(rows1, agg_sh.at[dq.at[j0 + 1]], add=True)

        plsc.subcore_barrier()
        pltpu.sync_copy(
            agg_sh.at[pl.ds(base, rows_per_tile)],
            out_hbm.at[cid, pl.ds(base, rows_per_tile)],
        )

    return scat


def _b_body(deg_ref, f_ref, w_ref, y_ref):
    deg = jnp.sum(deg_ref[...], axis=0) + 1.0
    dinv = lax.rsqrt(deg)
    x = jnp.dot(f_ref[...], w_ref[...], preferred_element_type=jnp.float32)
    y_ref[...] = x * dinv[:, None]


def _d_body(s_ref, y_ref, deg_ref, b_ref, xo_ref, h_ref):
    n = y_ref.shape[0]
    deg = jnp.sum(deg_ref[...], axis=0) + 1.0
    dinv = lax.rsqrt(deg)
    tot = (s_ref[0, :n, :] + s_ref[1, :n, :] + y_ref[...]) * dinv[:, None] \
        + b_ref[...][None, :]
    xo = jnp.maximum(tot, 0.0)
    xo_ref[...] = xo
    h_ref[...] = jax.nn.sigmoid(jnp.mean(xo, axis=0, keepdims=True))


def kernel(feature, edge_index, W, b):
    n, f_in = feature.shape
    f_out = W.shape[1]
    e = edge_index.shape[1]

    info = plsc.get_sparse_core_info()
    nc, ns = info.num_cores, info.num_subcores
    nw = nc * ns
    epw = e // nw
    k = 125
    ch = epw // k
    align = ns * 128
    n_pad = (n + align - 1) // align * align
    assert epw * nw == e and ch * k == epw and ch % 16 == 0
    assert f_out % _LANES == 0

    src3 = edge_index[0].reshape(nw, ch, k)
    dst3 = edge_index[1].reshape(nw, ch, k)
    nit = epw // _LANES
    dst_h = edge_index[1].reshape(nw, nit, _LANES)

    deg_parts = _build_hist(n, nw, ns, nit)(dst_h)

    y = pl.pallas_call(
        _b_body,
        out_shape=jax.ShapeDtypeStruct((n, f_out), jnp.float32),
    )(deg_parts, feature, W)

    s_parts = _build_scatter(n_pad, f_out, nc, ns, ch, k)(y, src3, dst3)

    x_out, h = pl.pallas_call(
        _d_body,
        out_shape=(
            jax.ShapeDtypeStruct((n, f_out), jnp.float32),
            jax.ShapeDtypeStruct((1, f_out), jnp.float32),
        ),
    )(s_parts, y, deg_parts, b)
    return (x_out, h.reshape(f_out))

# --- scband reference (transcript-rebuilt; emitter-appended) ---
"""Pipeline reference for scband-net2-43207370997828 (READ-ONLY COPY).

The authoritative reference and input builder live on the scoring server;
editing this copy changes nothing except your own understanding.
"""

import jax, jax.numpy as jnp
import numpy as np

N = 10000
E = 320000
F_IN = 128
F_OUT = 128

def setup_inputs(seed: int = 0) -> dict:
    key = jax.random.key(seed)
    k1, k2, k3 = jax.random.split(key, 3)
    feature = jax.random.normal(k1, (N, F_IN), dtype=jnp.float32)
    edge_index = jax.random.randint(k2, (2, E), 0, N, dtype=jnp.int32)
    W = jax.random.normal(k3, (F_IN, F_OUT), dtype=jnp.float32) * (1.0 / np.sqrt(F_IN))
    b = jnp.zeros((F_OUT,), dtype=jnp.float32)
    return {"feature": feature, "edge_index": edge_index, "W": W, "b": b}

def reference(feature, edge_index, W, b):
    n = feature.shape[0]
    # GCNConv: linear transform
    x = feature @ W
    # add self loops
    loop = jnp.arange(n, dtype=edge_index.dtype)
    src = jnp.concatenate([edge_index[0], loop])
    dst = jnp.concatenate([edge_index[1], loop])
    # symmetric normalization D^{-1/2} (A+I) D^{-1/2}
    deg = jnp.zeros((n,), dtype=feature.dtype).at[dst].add(1.0)
    d_inv_sqrt = jnp.where(deg > 0, 1.0 / jnp.sqrt(deg), 0.0)
    norm = d_inv_sqrt[src] * d_inv_sqrt[dst]
    # gather messages from source nodes, scale, scatter-add to dst
    msgs = x[src] * norm[:, None]
    agg = jnp.zeros((n, x.shape[1]), dtype=x.dtype).at[dst].add(msgs)
    conv_out = agg + b
    # Net2.forward: relu, mean over nodes, sigmoid
    x_out = jax.nn.relu(conv_out)
    h = jax.nn.sigmoid(jnp.mean(x_out, axis=0))
    return (x_out, h)

if __name__ == "__main__":
    import jax
    _d = setup_inputs()
    print(jax.jit(kernel)(*tuple(_d.values())))

</pallas_src>

<mosaic_0001>
#map = affine_map<(d0, d1) -> (0, 0)>
#map1 = affine_map<(d0, d1) -> (0, 0, 0)>
module attributes {stable_mosaic.version = 14 : i64} {
  func.func @scat(%arg0: i32, %arg1: i32, %arg2: memref<10000x128xf32, #tpu.memory_space<hbm>>, %arg3: memref<32x80x125xi32, #tpu.memory_space<hbm>>, %arg4: memref<32x80x125xi32, #tpu.memory_space<hbm>>, %arg5: memref<2x10240x128xf32, #tpu.memory_space<hbm>>, %arg6: memref<2x16x125xi32, #tpu.memory_space<vmem>>, %arg7: memref<2x16x125xi32, #tpu.memory_space<vmem>>, %arg8: memref<128x128xf32, #tpu.memory_space<vmem>>, %arg9: memref<125x128xf32, #tpu.memory_space<vmem>>, %arg10: memref<10240x128xf32, #tpu.memory_space<vmem_shared>>, %arg11: memref<!tpu.dma_semaphore, #tpu.memory_space<semaphore_mem>>, %arg12: memref<!tpu.dma_semaphore, #tpu.memory_space<semaphore_mem>>, %arg13: memref<!tpu.dma_semaphore, #tpu.memory_space<semaphore_mem>>) attributes {dimension_semantics = [#tpu.dimension_semantics<core_parallel>, #tpu.dimension_semantics<subcore_parallel>], iteration_bounds = array<i64: 2, 16>, scalar_prefetch = 0 : i64, scratch_operands = 8 : i64, tpu.core_type = #tpu.core_type<sc_vector_subcore>, window_params = [{transform_indices = #map}, {transform_indices = #map1}, {transform_indices = #map1}, {transform_indices = #map1}]} {
    %mul3A = arith.constant 16 : i32
    %mul3A_0 = arith.muli %arg0, %mul3A : i32
    %add3A = arith.addi %mul3A_0, %arg1 : i32
    %dma_start3A = arith.constant 0 : i32
    %dma_start3A_1 = arith.constant 0 : i32
    %dma_start3A_2 = arith.constant 0 : i32
    %dma_start3A_3 = tpu.memref_slice %arg6[%dma_start3A, %dma_start3A_1, %dma_start3A_2] : memref<2x16x125xi32, #tpu.memory_space<vmem>> -> memref<1x16x125xi32, #tpu.memory_space<vmem>>
    %dma_start3A_4 = tpu.memref_squeeze %dma_start3A_3 : memref<1x16x125xi32, #tpu.memory_space<vmem>> -> memref<16x125xi32, #tpu.memory_space<vmem>>
    %dma_start3A_5 = arith.constant 0 : i32
    %dma_start3A_6 = arith.constant 0 : i32
    %dma_start3A_7 = tpu.memref_slice %arg3[%add3A, %dma_start3A_5, %dma_start3A_6] : memref<32x80x125xi32, #tpu.memory_space<hbm>> -> memref<1x16x125xi32, #tpu.memory_space<hbm>>
    %dma_start3A_8 = tpu.memref_squeeze %dma_start3A_7 : memref<1x16x125xi32, #tpu.memory_space<hbm>> -> memref<16x125xi32, #tpu.memory_space<hbm>>
    %dma_start3A_9 = arith.constant 0 : i32
    %dma_start3A_10 = arith.constant 0 : i32
    %dma_start3A_11 = tpu.memref_slice %arg6[%dma_start3A, %dma_start3A_9, %dma_start3A_10] : memref<2x16x125xi32, #tpu.memory_space<vmem>> -> memref<1x16x125xi32, #tpu.memory_space<vmem>>
    %dma_start3A_12 = tpu.memref_squeeze %dma_start3A_11 : memref<1x16x125xi32, #tpu.memory_space<vmem>> -> memref<16x125xi32, #tpu.memory_space<vmem>>
    %dma_start3A_13 = arith.constant 0 : i32
    %dma_start3A_14 = arith.constant 0 : i32
    %dma_start3A_15 = tpu.memref_slice %arg3[%add3A, %dma_start3A_13, %dma_start3A_14] : memref<32x80x125xi32, #tpu.memory_space<hbm>> -> memref<1x16x125xi32, #tpu.memory_space<hbm>>
    %dma_start3A_16 = tpu.memref_squeeze %dma_start3A_15 : memref<1x16x125xi32, #tpu.memory_space<hbm>> -> memref<16x125xi32, #tpu.memory_space<hbm>>
    tpu.enqueue_dma source(%dma_start3A_16 : memref<16x125xi32, #tpu.memory_space<hbm>>) target(%dma_start3A_12 : memref<16x125xi32, #tpu.memory_space<vmem>>) target_semaphore(%arg13 : memref<!tpu.dma_semaphore, #tpu.memory_space<semaphore_mem>>)
    %dma_start3A_17 = arith.constant 0 : i32
    %dma_start3A_18 = arith.constant 0 : i32
    %dma_start3A_19 = arith.constant 0 : i32
    %dma_start3A_20 = tpu.memref_slice %arg7[%dma_start3A_17, %dma_start3A_18, %dma_start3A_19] : memref<2x16x125xi32, #tpu.memory_space<vmem>> -> memref<1x16x125xi32, #tpu.memory_space<vmem>>
    %dma_start3A_21 = tpu.memref_squeeze %dma_start3A_20 : memref<1x16x125xi32, #tpu.memory_space<vmem>> -> memref<16x125xi32, #tpu.memory_space<vmem>>
    %dma_start3A_22 = arith.constant 0 : i32
    %dma_start3A_23 = arith.constant 0 : i32
    %dma_start3A_24 = tpu.memref_slice %arg4[%add3A, %dma_start3A_22, %dma_start3A_23] : memref<32x80x125xi32, #tpu.memory_space<hbm>> -> memref<1x16x125xi32, #tpu.memory_space<hbm>>
    %dma_start3A_25 = tpu.memref_squeeze %dma_start3A_24 : memref<1x16x125xi32, #tpu.memory_space<hbm>> -> memref<16x125xi32, #tpu.memory_space<hbm>>
    %dma_start3A_26 = arith.constant 0 : i32
    %dma_start3A_27 = arith.constant 0 : i32
    %dma_start3A_28 = tpu.memref_slice %arg7[%dma_start3A_17, %dma_start3A_26, %dma_start3A_27] : memref<2x16x125xi32, #tpu.memory_space<vmem>> -> memref<1x16x125xi32, #tpu.memory_space<vmem>>
    %dma_start3A_29 = tpu.memref_squeeze %dma_start3A_28 : memref<1x16x125xi32, #tpu.memory_space<vmem>> -> memref<16x125xi32, #tpu.memory_space<vmem>>
    %dma_start3A_30 = arith.constant 0 : i32
    %dma_start3A_31 = arith.constant 0 : i32
    %dma_start3A_32 = tpu.memref_slice %arg4[%add3A, %dma_start3A_30, %dma_start3A_31] : memref<32x80x125xi32, #tpu.memory_space<hbm>> -> memref<1x16x125xi32, #tpu.memory_space<hbm>>
    %dma_start3A_33 = tpu.memref_squeeze %dma_start3A_32 : memref<1x16x125xi32, #tpu.memory_space<hbm>> -> memref<16x125xi32, #tpu.memory_space<hbm>>
    tpu.enqueue_dma source(%dma_start3A_33 : memref<16x125xi32, #tpu.memory_space<hbm>>) target(%dma_start3A_29 : memref<16x125xi32, #tpu.memory_space<vmem>>) target_semaphore(%arg13 : memref<!tpu.dma_semaphore, #tpu.memory_space<semaphore_mem>>)
    %broadcast_in_dim3A = arith.constant 0.000000e+00 : f32
    %broadcast_in_dim3A_34 = vector.broadcast %broadcast_in_dim3A : f32 to vector<16xf32>
    %scan3A = arith.constant 0 : i32
    %scan3A_35 = arith.constant 0 : i32
    %scan3A_36 = arith.constant 1024 : i32
    %scan3A_37 = arith.addi %scan3A_35, %scan3A_36 : i32
    %scan3A_38 = arith.constant 1 : i32
    scf.for %scan3A_737 = %scan3A_35 to %scan3A_37 step %scan3A_38  : i32 {
      %jit3A = arith.constant 8 : i32
      %div3A = arith.divsi %scan3A_737, %jit3A : i32
      %sign3A = arith.constant 0 : i32
      %sign3A_738 = arith.cmpi sgt, %scan3A_737, %sign3A : i32
      %sign3A_739 = arith.extui %sign3A_738 : i1 to i32
      %sign3A_740 = arith.constant 0 : i32
      %sign3A_741 = arith.cmpi slt, %scan3A_737, %sign3A_740 : i32
      %sign3A_742 = arith.extui %sign3A_741 : i1 to i32
      %sign3A_743 = arith.subi %sign3A_739, %sign3A_742 : i32
      %sign3A_744 = arith.constant 0 : i32
      %sign3A_745 = arith.cmpi sgt, %jit3A, %sign3A_744 : i32
      %sign3A_746 = arith.extui %sign3A_745 : i1 to i32
      %sign3A_747 = arith.constant 0 : i32
      %sign3A_748 = arith.cmpi slt, %jit3A, %sign3A_747 : i32
      %sign3A_749 = arith.extui %sign3A_748 : i1 to i32
      %sign3A_750 = arith.subi %sign3A_746, %sign3A_749 : i32
      %ne3A = arith.cmpi ne, %sign3A_743, %sign3A_750 : i32
      %rem3A = arith.remsi %scan3A_737, %jit3A : i32
      %ne3A_751 = arith.constant 0 : i32
      %ne3A_752 = arith.cmpi ne, %rem3A, %ne3A_751 : i32
      %and3A = arith.andi %ne3A, %ne3A_752 : i1
      %sub3A = arith.constant 1 : i32
      %sub3A_753 = arith.subi %div3A, %sub3A : i32
      %select_n3A = arith.select %and3A, %sub3A_753, %div3A : i32
      %jit3A_754 = arith.constant 8 : i32
      %eq3A = arith.constant 0 : i32
      %eq3A_755 = arith.cmpi eq, %jit3A_754, %eq3A : i32
      %jit3A_756 = arith.constant 1 : i32
      %select_n3A_757 = arith.select %eq3A_755, %jit3A_756, %jit3A_754 : i32
      %rem3A_758 = arith.remsi %scan3A_737, %select_n3A_757 : i32
      %ne3A_759 = arith.constant 0 : i32
      %ne3A_760 = arith.cmpi ne, %rem3A_758, %ne3A_759 : i32
      %lt3A = arith.constant 0 : i32
      %lt3A_761 = arith.cmpi slt, %rem3A_758, %lt3A : i32
      %lt3A_762 = arith.constant 0 : i32
      %lt3A_763 = arith.cmpi slt, %select_n3A_757, %lt3A_762 : i32
      %ne3A_764 = arith.xori %lt3A_761, %lt3A_763 : i1
      %and3A_765 = arith.andi %ne3A_764, %ne3A_760 : i1
      %add3A_766 = arith.addi %rem3A_758, %select_n3A_757 : i32
      %select_n3A_767 = arith.select %and3A_765, %add3A_766, %rem3A_758 : i32
      %mul3A_768 = arith.constant 16 : i32
      %mul3A_769 = arith.muli %select_n3A_767, %mul3A_768 : i32
      %swap3A = arith.index_cast %select_n3A : i32 to index
      %swap3A_770 = arith.index_cast %mul3A_769 : i32 to index
      %swap3A_771 = tpu.vector_load %arg8[%swap3A, %swap3A_770] {strides = array<i32>} : memref<128x128xf32, #tpu.memory_space<vmem>>, vector<1x16xf32>,
      %swap3A_772 = vector.shape_cast %swap3A_771 : vector<1x16xf32> to vector<16xf32>
      %swap3A_773 = vector.shape_cast %broadcast_in_dim3A_34 : vector<16xf32> to vector<1x16xf32>
      tpu.vector_store %arg8[%swap3A, %swap3A_770], %swap3A_773 {strides = array<i32>} : memref<128x128xf32, #tpu.memory_space<vmem>>, vector<1x16xf32>,
    }
    %scan3A_39 = arith.constant 1024 : i32
    %mul3A_40 = arith.constant 640 : i32
    %mul3A_41 = arith.muli %arg1, %mul3A_40 : i32
    %add3A_42 = arith.constant 0 : i32
    %add3A_43 = arith.addi %mul3A_41, %add3A_42 : i32
    %dma_start3A_44 = arith.constant 0 : i32
    %dma_start3A_45 = tpu.memref_slice %arg10[%add3A_43, %dma_start3A_44] : memref<10240x128xf32, #tpu.memory_space<vmem_shared>> -> memref<128x128xf32, #tpu.memory_space<vmem_shared>>
    %dma_start3A_46 = arith.constant 0 : i32
    %dma_start3A_47 = tpu.memref_slice %arg10[%add3A_43, %dma_start3A_46] : memref<10240x128xf32, #tpu.memory_space<vmem_shared>> -> memref<128x128xf32, #tpu.memory_space<vmem_shared>>
    tpu.enqueue_dma source(%arg8 : memref<128x128xf32, #tpu.memory_space<vmem>>) target(%dma_start3A_47 : memref<128x128xf32, #tpu.memory_space<vmem_shared>>) target_semaphore(%arg12 : memref<!tpu.dma_semaphore, #tpu.memory_space<semaphore_mem>>)
    %add3A_48 = arith.constant 128 : i32
    %add3A_49 = arith.addi %mul3A_41, %add3A_48 : i32
    %dma_start3A_50 = arith.constant 0 : i32
    %dma_start3A_51 = tpu.memref_slice %arg10[%add3A_49, %dma_start3A_50] : memref<10240x128xf32, #tpu.memory_space<vmem_shared>> -> memref<128x128xf32, #tpu.memory_space<vmem_shared>>
    %dma_start3A_52 = arith.constant 0 : i32
    %dma_start3A_53 = tpu.memref_slice %arg10[%add3A_49, %dma_start3A_52] : memref<10240x128xf32, #tpu.memory_space<vmem_shared>> -> memref<128x128xf32, #tpu.memory_space<vmem_shared>>
    tpu.enqueue_dma source(%arg8 : memref<128x128xf32, #tpu.memory_space<vmem>>) target(%dma_start3A_53 : memref<128x128xf32, #tpu.memory_space<vmem_shared>>) target_semaphore(%arg12 : memref<!tpu.dma_semaphore, #tpu.memory_space<semaphore_mem>>)
    %add3A_54 = arith.constant 256 : i32
    %add3A_55 = arith.addi %mul3A_41, %add3A_54 : i32
    %dma_start3A_56 = arith.constant 0 : i32
    %dma_start3A_57 = tpu.memref_slice %arg10[%add3A_55, %dma_start3A_56] : memref<10240x128xf32, #tpu.memory_space<vmem_shared>> -> memref<128x128xf32, #tpu.memory_space<vmem_shared>>
    %dma_start3A_58 = arith.constant 0 : i32
    %dma_start3A_59 = tpu.memref_slice %arg10[%add3A_55, %dma_start3A_58] : memref<10240x128xf32, #tpu.memory_space<vmem_shared>> -> memref<128x128xf32, #tpu.memory_space<vmem_shared>>
    tpu.enqueue_dma source(%arg8 : memref<128x128xf32, #tpu.memory_space<vmem>>) target(%dma_start3A_59 : memref<128x128xf32, #tpu.memory_space<vmem_shared>>) target_semaphore(%arg12 : memref<!tpu.dma_semaphore, #tpu.memory_space<semaphore_mem>>)
    %add3A_60 = arith.constant 384 : i32
    %add3A_61 = arith.addi %mul3A_41, %add3A_60 : i32
    %dma_start3A_62 = arith.constant 0 : i32
    %dma_start3A_63 = tpu.memref_slice %arg10[%add3A_61, %dma_start3A_62] : memref<10240x128xf32, #tpu.memory_space<vmem_shared>> -> memref<128x128xf32, #tpu.memory_space<vmem_shared>>
    %dma_start3A_64 = arith.constant 0 : i32
    %dma_start3A_65 = tpu.memref_slice %arg10[%add3A_61, %dma_start3A_64] : memref<10240x128xf32, #tpu.memory_space<vmem_shared>> -> memref<128x128xf32, #tpu.memory_space<vmem_shared>>
    tpu.enqueue_dma source(%arg8 : memref<128x128xf32, #tpu.memory_space<vmem>>) target(%dma_start3A_65 : memref<128x128xf32, #tpu.memory_space<vmem_shared>>) target_semaphore(%arg12 : memref<!tpu.dma_semaphore, #tpu.memory_space<semaphore_mem>>)
    %add3A_66 = arith.constant 512 : i32
    %add3A_67 = arith.addi %mul3A_41, %add3A_66 : i32
    %dma_start3A_68 = arith.constant 0 : i32
    %dma_start3A_69 = tpu.memref_slice %arg10[%add3A_67, %dma_start3A_68] : memref<10240x128xf32, #tpu.memory_space<vmem_shared>> -> memref<128x128xf32, #tpu.memory_space<vmem_shared>>
    %dma_start3A_70 = arith.constant 0 : i32
    %dma_start3A_71 = tpu.memref_slice %arg10[%add3A_67, %dma_start3A_70] : memref<10240x128xf32, #tpu.memory_space<vmem_shared>> -> memref<128x128xf32, #tpu.memory_space<vmem_shared>>
    tpu.enqueue_dma source(%arg8 : memref<128x128xf32, #tpu.memory_space<vmem>>) target(%dma_start3A_71 : memref<128x128xf32, #tpu.memory_space<vmem_shared>>) target_semaphore(%arg12 : memref<!tpu.dma_semaphore, #tpu.memory_space<semaphore_mem>>)
    %dma_wait3A = arith.constant 0 : i32
    %dma_wait3A_72 = arith.constant 0 : i32
    %dma_wait3A_73 = arith.constant 0 : i32
    %dma_wait3A_74 = tpu.memref_slice %arg6[%dma_wait3A, %dma_wait3A_72, %dma_wait3A_73] : memref<2x16x125xi32, #tpu.memory_space<vmem>> -> memref<1x16x125xi32, #tpu.memory_space<vmem>>
    %dma_wait3A_75 = tpu.memref_squeeze %dma_wait3A_74 : memref<1x16x125xi32, #tpu.memory_space<vmem>> -> memref<16x125xi32, #tpu.memory_space<vmem>>
    %dma_wait3A_76 = arith.constant 0 : i32
    %dma_wait3A_77 = arith.constant 0 : i32
    %dma_wait3A_78 = tpu.memref_slice %arg3[%add3A, %dma_wait3A_76, %dma_wait3A_77] : memref<32x80x125xi32, #tpu.memory_space<hbm>> -> memref<1x16x125xi32, #tpu.memory_space<hbm>>
    %dma_wait3A_79 = tpu.memref_squeeze %dma_wait3A_78 : memref<1x16x125xi32, #tpu.memory_space<hbm>> -> memref<16x125xi32, #tpu.memory_space<hbm>>
    %dma_wait3A_80 = arith.constant 0 : i32
    %dma_wait3A_81 = arith.constant 0 : i32
    %dma_wait3A_82 = tpu.memref_slice %arg6[%dma_wait3A, %dma_wait3A_80, %dma_wait3A_81] : memref<2x16x125xi32, #tpu.memory_space<vmem>> -> memref<1x16x125xi32, #tpu.memory_space<vmem>>
    %dma_wait3A_83 = tpu.memref_squeeze %dma_wait3A_82 : memref<1x16x125xi32, #tpu.memory_space<vmem>> -> memref<16x125xi32, #tpu.memory_space<vmem>>
    %dma_wait3A_84 = arith.constant 0 : i32
    %dma_wait3A_85 = arith.constant 0 : i32
    %dma_wait3A_86 = tpu.memref_slice %arg3[%add3A, %dma_wait3A_84, %dma_wait3A_85] : memref<32x80x125xi32, #tpu.memory_space<hbm>> -> memref<1x16x125xi32, #tpu.memory_space<hbm>>
    %dma_wait3A_87 = tpu.memref_squeeze %dma_wait3A_86 : memref<1x16x125xi32, #tpu.memory_space<hbm>> -> memref<16x125xi32, #tpu.memory_space<hbm>>
    tpu.wait_dma2 semaphore(%arg13 : memref<!tpu.dma_semaphore, #tpu.memory_space<semaphore_mem>>) src(%dma_wait3A_87 : memref<16x125xi32, #tpu.memory_space<hbm>>) dst(%dma_wait3A_83 : memref<16x125xi32, #tpu.memory_space<vmem>>)
    %dma_wait3A_88 = arith.constant 0 : i32
    %dma_wait3A_89 = arith.constant 0 : i32
    %dma_wait3A_90 = arith.constant 0 : i32
    %dma_wait3A_91 = tpu.memref_slice %arg7[%dma_wait3A_88, %dma_wait3A_89, %dma_wait3A_90] : memref<2x16x125xi32, #tpu.memory_space<vmem>> -> memref<1x16x125xi32, #tpu.memory_space<vmem>>
    %dma_wait3A_92 = tpu.memref_squeeze %dma_wait3A_91 : memref<1x16x125xi32, #tpu.memory_space<vmem>> -> memref<16x125xi32, #tpu.memory_space<vmem>>
    %dma_wait3A_93 = arith.constant 0 : i32
    %dma_wait3A_94 = arith.constant 0 : i32
    %dma_wait3A_95 = tpu.memref_slice %arg4[%add3A, %dma_wait3A_93, %dma_wait3A_94] : memref<32x80x125xi32, #tpu.memory_space<hbm>> -> memref<1x16x125xi32, #tpu.memory_space<hbm>>
    %dma_wait3A_96 = tpu.memref_squeeze %dma_wait3A_95 : memref<1x16x125xi32, #tpu.memory_space<hbm>> -> memref<16x125xi32, #tpu.memory_space<hbm>>
    %dma_wait3A_97 = arith.constant 0 : i32
    %dma_wait3A_98 = arith.constant 0 : i32
    %dma_wait3A_99 = tpu.memref_slice %arg7[%dma_wait3A_88, %dma_wait3A_97, %dma_wait3A_98] : memref<2x16x125xi32, #tpu.memory_space<vmem>> -> memref<1x16x125xi32, #tpu.memory_space<vmem>>
    %dma_wait3A_100 = tpu.memref_squeeze %dma_wait3A_99 : memref<1x16x125xi32, #tpu.memory_space<vmem>> -> memref<16x125xi32, #tpu.memory_space<vmem>>
    %dma_wait3A_101 = arith.constant 0 : i32
    %dma_wait3A_102 = arith.constant 0 : i32
    %dma_wait3A_103 = tpu.memref_slice %arg4[%add3A, %dma_wait3A_101, %dma_wait3A_102] : memref<32x80x125xi32, #tpu.memory_space<hbm>> -> memref<1x16x125xi32, #tpu.memory_space<hbm>>
    %dma_wait3A_104 = tpu.memref_squeeze %dma_wait3A_103 : memref<1x16x125xi32, #tpu.memory_space<hbm>> -> memref<16x125xi32, #tpu.memory_space<hbm>>
    tpu.wait_dma2 semaphore(%arg13 : memref<!tpu.dma_semaphore, #tpu.memory_space<semaphore_mem>>) src(%dma_wait3A_104 : memref<16x125xi32, #tpu.memory_space<hbm>>) dst(%dma_wait3A_100 : memref<16x125xi32, #tpu.memory_space<vmem>>)
    %add3A_105 = arith.constant 0 : i32
    %add3A_106 = arith.addi %mul3A_41, %add3A_105 : i32
    %dma_wait3A_107 = arith.constant 0 : i32
    %dma_wait3A_108 = tpu.memref_slice %arg10[%add3A_106, %dma_wait3A_107] : memref<10240x128xf32, #tpu.memory_space<vmem_shared>> -> memref<128x128xf32, #tpu.memory_space<vmem_shared>>
    %dma_wait3A_109 = arith.constant 0 : i32
    %dma_wait3A_110 = tpu.memref_slice %arg10[%add3A_106, %dma_wait3A_109] : memref<10240x128xf32, #tpu.memory_space<vmem_shared>> -> memref<128x128xf32, #tpu.memory_space<vmem_shared>>
    tpu.wait_dma2 semaphore(%arg12 : memref<!tpu.dma_semaphore, #tpu.memory_space<semaphore_mem>>) src(%arg8 : memref<128x128xf32, #tpu.memory_space<vmem>>) dst(%dma_wait3A_110 : memref<128x128xf32, #tpu.memory_space<vmem_shared>>)
    %add3A_111 = arith.constant 128 : i32
    %add3A_112 = arith.addi %mul3A_41, %add3A_111 : i32
    %dma_wait3A_113 = arith.constant 0 : i32
    %dma_wait3A_114 = tpu.memref_slice %arg10[%add3A_112, %dma_wait3A_113] : memref<10240x128xf32, #tpu.memory_space<vmem_shared>> -> memref<128x128xf32, #tpu.memory_space<vmem_shared>>
    %dma_wait3A_115 = arith.constant 0 : i32
    %dma_wait3A_116 = tpu.memref_slice %arg10[%add3A_112, %dma_wait3A_115] : memref<10240x128xf32, #tpu.memory_space<vmem_shared>> -> memref<128x128xf32, #tpu.memory_space<vmem_shared>>
    tpu.wait_dma2 semaphore(%arg12 : memref<!tpu.dma_semaphore, #tpu.memory_space<semaphore_mem>>) src(%arg8 : memref<128x128xf32, #tpu.memory_space<vmem>>) dst(%dma_wait3A_116 : memref<128x128xf32, #tpu.memory_space<vmem_shared>>)
    %add3A_117 = arith.constant 256 : i32
    %add3A_118 = arith.addi %mul3A_41, %add3A_117 : i32
    %dma_wait3A_119 = arith.constant 0 : i32
    %dma_wait3A_120 = tpu.memref_slice %arg10[%add3A_118, %dma_wait3A_119] : memref<10240x128xf32, #tpu.memory_space<vmem_shared>> -> memref<128x128xf32, #tpu.memory_space<vmem_shared>>
    %dma_wait3A_121 = arith.constant 0 : i32
    %dma_wait3A_122 = tpu.memref_slice %arg10[%add3A_118, %dma_wait3A_121] : memref<10240x128xf32, #tpu.memory_space<vmem_shared>> -> memref<128x128xf32, #tpu.memory_space<vmem_shared>>
    tpu.wait_dma2 semaphore(%arg12 : memref<!tpu.dma_semaphore, #tpu.memory_space<semaphore_mem>>) src(%arg8 : memref<128x128xf32, #tpu.memory_space<vmem>>) dst(%dma_wait3A_122 : memref<128x128xf32, #tpu.memory_space<vmem_shared>>)
    %add3A_123 = arith.constant 384 : i32
    %add3A_124 = arith.addi %mul3A_41, %add3A_123 : i32
    %dma_wait3A_125 = arith.constant 0 : i32
    %dma_wait3A_126 = tpu.memref_slice %arg10[%add3A_124, %dma_wait3A_125] : memref<10240x128xf32, #tpu.memory_space<vmem_shared>> -> memref<128x128xf32, #tpu.memory_space<vmem_shared>>
    %dma_wait3A_127 = arith.constant 0 : i32
    %dma_wait3A_128 = tpu.memref_slice %arg10[%add3A_124, %dma_wait3A_127] : memref<10240x128xf32, #tpu.memory_space<vmem_shared>> -> memref<128x128xf32, #tpu.memory_space<vmem_shared>>
    tpu.wait_dma2 semaphore(%arg12 : memref<!tpu.dma_semaphore, #tpu.memory_space<semaphore_mem>>) src(%arg8 : memref<128x128xf32, #tpu.memory_space<vmem>>) dst(%dma_wait3A_128 : memref<128x128xf32, #tpu.memory_space<vmem_shared>>)
    %add3A_129 = arith.constant 512 : i32
    %add3A_130 = arith.addi %mul3A_41, %add3A_129 : i32
    %dma_wait3A_131 = arith.constant 0 : i32
    %dma_wait3A_132 = tpu.memref_slice %arg10[%add3A_130, %dma_wait3A_131] : memref<10240x128xf32, #tpu.memory_space<vmem_shared>> -> memref<128x128xf32, #tpu.memory_space<vmem_shared>>
    %dma_wait3A_133 = arith.constant 0 : i32
    %dma_wait3A_134 = tpu.memref_slice %arg10[%add3A_130, %dma_wait3A_133] : memref<10240x128xf32, #tpu.memory_space<vmem_shared>> -> memref<128x128xf32, #tpu.memory_space<vmem_shared>>
    tpu.wait_dma2 semaphore(%arg12 : memref<!tpu.dma_semaphore, #tpu.memory_space<semaphore_mem>>) src(%arg8 : memref<128x128xf32, #tpu.memory_space<vmem>>) dst(%dma_wait3A_134 : memref<128x128xf32, #tpu.memory_space<vmem_shared>>)
    %barrier3A = arith.constant 0 : index
    tpu.barrier barrier_id(%barrier3A)
    %dma_start3A_135 = arith.constant 0 : i32
    %dma_start3A_136 = arith.constant 0 : i32
    %dma_start3A_137 = arith.constant 0 : i32
    %dma_start3A_138 = arith.constant 0 : i32
    %dma_start3A_139 = tpu.memref_slice %arg8[%dma_start3A_137, %dma_start3A_138] : memref<128x128xf32, #tpu.memory_space<vmem>> -> memref<125x128xf32, #tpu.memory_space<vmem>>
    %dma_start3A_140 = arith.constant 0 : i32
    %dma_start3A_141 = arith.constant 0 : i32
    %dma_start3A_142 = tpu.memref_slice %arg6[%dma_start3A_135, %dma_start3A_140, %dma_start3A_141] : memref<2x16x125xi32, #tpu.memory_space<vmem>> -> memref<1x16x125xi32, #tpu.memory_space<vmem>>
    %dma_start3A_143 = tpu.memref_squeeze %dma_start3A_142 : memref<1x16x125xi32, #tpu.memory_space<vmem>> -> memref<16x125xi32, #tpu.memory_space<vmem>>
    %dma_start3A_144 = arith.constant 0 : i32
    %dma_start3A_145 = tpu.memref_slice %dma_start3A_143[%dma_start3A_136, %dma_start3A_144] : memref<16x125xi32, #tpu.memory_space<vmem>> -> memref<1x125xi32, #tpu.memory_space<vmem>>
    %dma_start3A_146 = tpu.memref_squeeze %dma_start3A_145 : memref<1x125xi32, #tpu.memory_space<vmem>> -> memref<125xi32, #tpu.memory_space<vmem>>
    %dma_start3A_147 = arith.constant 0 : i32
    %dma_start3A_148 = arith.constant 0 : i32
    %dma_start3A_149 = tpu.memref_slice %arg2[%dma_start3A_147, %dma_start3A_148] : memref<10000x128xf32, #tpu.memory_space<hbm>> -> memref<10000x128xf32, #tpu.memory_space<hbm>>
    tpu.enqueue_indirect_dma source(%dma_start3A_149 : memref<10000x128xf32, #tpu.memory_space<hbm>>) target(%dma_start3A_139 : memref<125x128xf32, #tpu.memory_space<vmem>>) offsets(%dma_start3A_146 : memref<125xi32, #tpu.memory_space<vmem>>) semaphore(%arg11 : memref<!tpu.dma_semaphore, #tpu.memory_space<semaphore_mem>>)
    %dma_start3A_150 = arith.constant 1 : i32
    %dma_start3A_151 = arith.constant 0 : i32
    %dma_start3A_152 = arith.constant 0 : i32
    %dma_start3A_153 = tpu.memref_slice %arg6[%dma_start3A_150, %dma_start3A_151, %dma_start3A_152] : memref<2x16x125xi32, #tpu.memory_space<vmem>> -> memref<1x16x125xi32, #tpu.memory_space<vmem>>
    %dma_start3A_154 = tpu.memref_squeeze %dma_start3A_153 : memref<1x16x125xi32, #tpu.memory_space<vmem>> -> memref<16x125xi32, #tpu.memory_space<vmem>>
    %dma_start3A_155 = arith.constant 16 : i32
    %dma_start3A_156 = arith.constant 0 : i32
    %dma_start3A_157 = tpu.memref_slice %arg3[%add3A, %dma_start3A_155, %dma_start3A_156] : memref<32x80x125xi32, #tpu.memory_space<hbm>> -> memref<1x16x125xi32, #tpu.memory_space<hbm>>
    %dma_start3A_158 = tpu.memref_squeeze %dma_start3A_157 : memref<1x16x125xi32, #tpu.memory_space<hbm>> -> memref<16x125xi32, #tpu.memory_space<hbm>>
    %dma_start3A_159 = arith.constant 0 : i32
    %dma_start3A_160 = arith.constant 0 : i32
    %dma_start3A_161 = tpu.memref_slice %arg6[%dma_start3A_150, %dma_start3A_159, %dma_start3A_160] : memref<2x16x125xi32, #tpu.memory_space<vmem>> -> memref<1x16x125xi32, #tpu.memory_space<vmem>>
    %dma_start3A_162 = tpu.memref_squeeze %dma_start3A_161 : memref<1x16x125xi32, #tpu.memory_space<vmem>> -> memref<16x125xi32, #tpu.memory_space<vmem>>
    %dma_start3A_163 = arith.constant 16 : i32
    %dma_start3A_164 = arith.constant 0 : i32
    %dma_start3A_165 = tpu.memref_slice %arg3[%add3A, %dma_start3A_163, %dma_start3A_164] : memref<32x80x125xi32, #tpu.memory_space<hbm>> -> memref<1x16x125xi32, #tpu.memory_space<hbm>>
    %dma_start3A_166 = tpu.memref_squeeze %dma_start3A_165 : memref<1x16x125xi32, #tpu.memory_space<hbm>> -> memref<16x125xi32, #tpu.memory_space<hbm>>
    tpu.enqueue_dma source(%dma_start3A_166 : memref<16x125xi32, #tpu.memory_space<hbm>>) target(%dma_start3A_162 : memref<16x125xi32, #tpu.memory_space<vmem>>) target_semaphore(%arg13 : memref<!tpu.dma_semaphore, #tpu.memory_space<semaphore_mem>>)
    %dma_start3A_167 = arith.constant 1 : i32
    %dma_start3A_168 = arith.constant 0 : i32
    %dma_start3A_169 = arith.constant 0 : i32
    %dma_start3A_170 = tpu.memref_slice %arg7[%dma_start3A_167, %dma_start3A_168, %dma_start3A_169] : memref<2x16x125xi32, #tpu.memory_space<vmem>> -> memref<1x16x125xi32, #tpu.memory_space<vmem>>
    %dma_start3A_171 = tpu.memref_squeeze %dma_start3A_170 : memref<1x16x125xi32, #tpu.memory_space<vmem>> -> memref<16x125xi32, #tpu.memory_space<vmem>>
    %dma_start3A_172 = arith.constant 16 : i32
    %dma_start3A_173 = arith.constant 0 : i32
    %dma_start3A_174 = tpu.memref_slice %arg4[%add3A, %dma_start3A_172, %dma_start3A_173] : memref<32x80x125xi32, #tpu.memory_space<hbm>> -> memref<1x16x125xi32, #tpu.memory_space<hbm>>
    %dma_start3A_175 = tpu.memref_squeeze %dma_start3A_174 : memref<1x16x125xi32, #tpu.memory_space<hbm>> -> memref<16x125xi32, #tpu.memory_space<hbm>>
    %dma_start3A_176 = arith.constant 0 : i32
    %dma_start3A_177 = arith.constant 0 : i32
    %dma_start3A_178 = tpu.memref_slice %arg7[%dma_start3A_167, %dma_start3A_176, %dma_start3A_177] : memref<2x16x125xi32, #tpu.memory_space<vmem>> -> memref<1x16x125xi32, #tpu.memory_space<vmem>>
    %dma_start3A_179 = tpu.memref_squeeze %dma_start3A_178 : memref<1x16x125xi32, #tpu.memory_space<vmem>> -> memref<16x125xi32, #tpu.memory_space<vmem>>
    %dma_start3A_180 = arith.constant 16 : i32
    %dma_start3A_181 = arith.constant 0 : i32
    %dma_start3A_182 = tpu.memref_slice %arg4[%add3A, %dma_start3A_180, %dma_start3A_181] : memref<32x80x125xi32, #tpu.memory_space<hbm>> -> memref<1x16x125xi32, #tpu.memory_space<hbm>>
    %dma_start3A_183 = tpu.memref_squeeze %dma_start3A_182 : memref<1x16x125xi32, #tpu.memory_space<hbm>> -> memref<16x125xi32, #tpu.memory_space<hbm>>
    tpu.enqueue_dma source(%dma_start3A_183 : memref<16x125xi32, #tpu.memory_space<hbm>>) target(%dma_start3A_179 : memref<16x125xi32, #tpu.memory_space<vmem>>) target_semaphore(%arg13 : memref<!tpu.dma_semaphore, #tpu.memory_space<semaphore_mem>>)
    %scan3A_184 = arith.constant 0 : i32
    %scan3A_185 = arith.constant 0 : i32
    %scan3A_186 = arith.constant 0 : i32
    %scan3A_187 = arith.constant 0 : i32
    %scan3A_188 = arith.constant 7 : i32
    %scan3A_189 = arith.addi %scan3A_187, %scan3A_188 : i32
    %scan3A_190 = arith.constant 1 : i32
    scf.for %scan3A_737 = %scan3A_187 to %scan3A_189 step %scan3A_190  : i32 {
      %mul3A_738 = arith.constant 2 : i32
      %mul3A_739 = arith.muli %mul3A_738, %scan3A_737 : i32
      %dma_wait3A_740 = arith.constant 0 : i32
      %dma_wait3A_741 = arith.constant 0 : i32
      %dma_wait3A_742 = tpu.memref_slice %arg8[%dma_wait3A_740, %dma_wait3A_741] : memref<128x128xf32, #tpu.memory_space<vmem>> -> memref<125x128xf32, #tpu.memory_space<vmem>>
      %dma_wait3A_743 = arith.constant 0 : i32
      %dma_wait3A_744 = arith.constant 0 : i32
      %dma_wait3A_745 = tpu.memref_slice %arg6[%scan3A_185, %dma_wait3A_743, %dma_wait3A_744] : memref<2x16x125xi32, #tpu.memory_space<vmem>> -> memref<1x16x125xi32, #tpu.memory_space<vmem>>
      %dma_wait3A_746 = tpu.memref_squeeze %dma_wait3A_745 : memref<1x16x125xi32, #tpu.memory_space<vmem>> -> memref<16x125xi32, #tpu.memory_space<vmem>>
      %dma_wait3A_747 = arith.constant 0 : i32
      %dma_wait3A_748 = tpu.memref_slice %dma_wait3A_746[%mul3A_739, %dma_wait3A_747] : memref<16x125xi32, #tpu.memory_space<vmem>> -> memref<1x125xi32, #tpu.memory_space<vmem>>
      %dma_wait3A_749 = tpu.memref_squeeze %dma_wait3A_748 : memref<1x125xi32, #tpu.memory_space<vmem>> -> memref<125xi32, #tpu.memory_space<vmem>>
      %dma_wait3A_750 = arith.constant 0 : i32
      %dma_wait3A_751 = arith.constant 0 : i32
      %dma_wait3A_752 = tpu.memref_slice %arg2[%dma_wait3A_750, %dma_wait3A_751] : memref<10000x128xf32, #tpu.memory_space<hbm>> -> memref<10000x128xf32, #tpu.memory_space<hbm>>
      tpu.wait_indirect_dma semaphore(%arg11 : memref<!tpu.dma_semaphore, #tpu.memory_space<semaphore_mem>>) src(%dma_wait3A_752 : memref<10000x128xf32, #tpu.memory_space<hbm>>) dst(%dma_wait3A_742 : memref<125x128xf32, #tpu.memory_space<vmem>>)
      %add3A_753 = arith.constant 1 : i32
      %add3A_754 = arith.addi %mul3A_739, %add3A_753 : i32
      %dma_start3A_755 = arith.constant 0 : i32
      %dma_start3A_756 = arith.constant 0 : i32
      %dma_start3A_757 = tpu.memref_slice %arg6[%scan3A_185, %dma_start3A_755, %dma_start3A_756] : memref<2x16x125xi32, #tpu.memory_space<vmem>> -> memref<1x16x125xi32, #tpu.memory_space<vmem>>
      %dma_start3A_758 = tpu.memref_squeeze %dma_start3A_757 : memref<1x16x125xi32, #tpu.memory_space<vmem>> -> memref<16x125xi32, #tpu.memory_space<vmem>>
      %dma_start3A_759 = arith.constant 0 : i32
      %dma_start3A_760 = tpu.memref_slice %dma_start3A_758[%add3A_754, %dma_start3A_759] : memref<16x125xi32, #tpu.memory_space<vmem>> -> memref<1x125xi32, #tpu.memory_space<vmem>>
      %dma_start3A_761 = tpu.memref_squeeze %dma_start3A_760 : memref<1x125xi32, #tpu.memory_space<vmem>> -> memref<125xi32, #tpu.memory_space<vmem>>
      %dma_start3A_762 = arith.constant 0 : i32
      %dma_start3A_763 = arith.constant 0 : i32
      %dma_start3A_764 = tpu.memref_slice %arg2[%dma_start3A_762, %dma_start3A_763] : memref<10000x128xf32, #tpu.memory_space<hbm>> -> memref<10000x128xf32, #tpu.memory_space<hbm>>
      tpu.enqueue_indirect_dma source(%dma_start3A_764 : memref<10000x128xf32, #tpu.memory_space<hbm>>) target(%arg9 : memref<125x128xf32, #tpu.memory_space<vmem>>) offsets(%dma_start3A_761 : memref<125xi32, #tpu.memory_space<vmem>>) semaphore(%arg12 : memref<!tpu.dma_semaphore, #tpu.memory_space<semaphore_mem>>)
      "tpu.region"() ({
        %run_scoped3A_794 = tpu.sem_alloc : memref<!tpu.dma_semaphore, #tpu.memory_space<semaphore_mem>>
        %dma_start3A_795 = arith.constant 0 : i32
        %dma_start3A_796 = arith.constant 0 : i32
        %dma_start3A_797 = tpu.memref_slice %arg8[%dma_start3A_795, %dma_start3A_796] : memref<128x128xf32, #tpu.memory_space<vmem>> -> memref<125x128xf32, #tpu.memory_space<vmem>>
        %dma_start3A_798 = arith.constant 0 : i32
        %dma_start3A_799 = arith.constant 0 : i32
        %dma_start3A_800 = tpu.memref_slice %arg7[%scan3A_186, %dma_start3A_798, %dma_start3A_799] : memref<2x16x125xi32, #tpu.memory_space<vmem>> -> memref<1x16x125xi32, #tpu.memory_space<vmem>>
        %dma_start3A_801 = tpu.memref_squeeze %dma_start3A_800 : memref<1x16x125xi32, #tpu.memory_space<vmem>> -> memref<16x125xi32, #tpu.memory_space<vmem>>
        %dma_start3A_802 = arith.constant 0 : i32
        %dma_start3A_803 = tpu.memref_slice %dma_start3A_801[%mul3A_739, %dma_start3A_802] : memref<16x125xi32, #tpu.memory_space<vmem>> -> memref<1x125xi32, #tpu.memory_space<vmem>>
        %dma_start3A_804 = tpu.memref_squeeze %dma_start3A_803 : memref<1x125xi32, #tpu.memory_space<vmem>> -> memref<125xi32, #tpu.memory_space<vmem>>
        %dma_start3A_805 = arith.constant 0 : i32
        %dma_start3A_806 = arith.constant 0 : i32
        %dma_start3A_807 = tpu.memref_slice %arg10[%dma_start3A_805, %dma_start3A_806] : memref<10240x128xf32, #tpu.memory_space<vmem_shared>> -> memref<10240x128xf32, #tpu.memory_space<vmem_shared>>
        tpu.enqueue_indirect_dma source(%dma_start3A_797 : memref<125x128xf32, #tpu.memory_space<vmem>>) target(%dma_start3A_807 : memref<10240x128xf32, #tpu.memory_space<vmem_shared>>) offsets(%dma_start3A_804 : memref<125xi32, #tpu.memory_space<vmem>>) semaphore(%run_scoped3A_794 : memref<!tpu.dma_semaphore, #tpu.memory_space<semaphore_mem>>) {add = true}
        %dma_wait3A_808 = arith.constant 0 : i32
        %dma_wait3A_809 = arith.constant 0 : i32
        %dma_wait3A_810 = tpu.memref_slice %arg8[%dma_wait3A_808, %dma_wait3A_809] : memref<128x128xf32, #tpu.memory_space<vmem>> -> memref<125x128xf32, #tpu.memory_space<vmem>>
        %dma_wait3A_811 = arith.constant 0 : i32
        %dma_wait3A_812 = arith.constant 0 : i32
        %dma_wait3A_813 = tpu.memref_slice %arg7[%scan3A_186, %dma_wait3A_811, %dma_wait3A_812] : memref<2x16x125xi32, #tpu.memory_space<vmem>> -> memref<1x16x125xi32, #tpu.memory_space<vmem>>
        %dma_wait3A_814 = tpu.memref_squeeze %dma_wait3A_813 : memref<1x16x125xi32, #tpu.memory_space<vmem>> -> memref<16x125xi32, #tpu.memory_space<vmem>>
        %dma_wait3A_815 = arith.constant 0 : i32
        %dma_wait3A_816 = tpu.memref_slice %dma_wait3A_814[%mul3A_739, %dma_wait3A_815] : memref<16x125xi32, #tpu.memory_space<vmem>> -> memref<1x125xi32, #tpu.memory_space<vmem>>
        %dma_wait3A_817 = tpu.memref_squeeze %dma_wait3A_816 : memref<1x125xi32, #tpu.memory_space<vmem>> -> memref<125xi32, #tpu.memory_space<vmem>>
        %dma_wait3A_818 = arith.constant 0 : i32
        %dma_wait3A_819 = arith.constant 0 : i32
        %dma_wait3A_820 = tpu.memref_slice %arg10[%dma_wait3A_818, %dma_wait3A_819] : memref<10240x128xf32, #tpu.memory_space<vmem_shared>> -> memref<10240x128xf32, #tpu.memory_space<vmem_shared>>
        tpu.wait_indirect_dma semaphore(%run_scoped3A_794 : memref<!tpu.dma_semaphore, #tpu.memory_space<semaphore_mem>>) src(%dma_wait3A_810 : memref<125x128xf32, #tpu.memory_space<vmem>>) dst(%dma_wait3A_820 : memref<10240x128xf32, #tpu.memory_space<vmem_shared>>)
        tpu.yield
      }) : () -> ()
      %add3A_765 = arith.constant 1 : i32
      %add3A_766 = arith.addi %mul3A_739, %add3A_765 : i32
      %dma_wait3A_767 = arith.constant 0 : i32
      %dma_wait3A_768 = arith.constant 0 : i32
      %dma_wait3A_769 = tpu.memref_slice %arg6[%scan3A_185, %dma_wait3A_767, %dma_wait3A_768] : memref<2x16x125xi32, #tpu.memory_space<vmem>> -> memref<1x16x125xi32, #tpu.memory_space<vmem>>
      %dma_wait3A_770 = tpu.memref_squeeze %dma_wait3A_769 : memref<1x16x125xi32, #tpu.memory_space<vmem>> -> memref<16x125xi32, #tpu.memory_space<vmem>>
      %dma_wait3A_771 = arith.constant 0 : i32
      %dma_wait3A_772 = tpu.memref_slice %dma_wait3A_770[%add3A_766, %dma_wait3A_771] : memref<16x125xi32, #tpu.memory_space<vmem>> -> memref<1x125xi32, #tpu.memory_space<vmem>>
      %dma_wait3A_773 = tpu.memref_squeeze %dma_wait3A_772 : memref<1x125xi32, #tpu.memory_space<vmem>> -> memref<125xi32, #tpu.memory_space<vmem>>
      %dma_wait3A_774 = arith.constant 0 : i32
      %dma_wait3A_775 = arith.constant 0 : i32
      %dma_wait3A_776 = tpu.memref_slice %arg2[%dma_wait3A_774, %dma_wait3A_775] : memref<10000x128xf32, #tpu.memory_space<hbm>> -> memref<10000x128xf32, #tpu.memory_space<hbm>>
      tpu.wait_indirect_dma semaphore(%arg12 : memref<!tpu.dma_semaphore, #tpu.memory_space<semaphore_mem>>) src(%dma_wait3A_776 : memref<10000x128xf32, #tpu.memory_space<hbm>>) dst(%arg9 : memref<125x128xf32, #tpu.memory_space<vmem>>)
      %add3A_777 = arith.constant 2 : i32
      %add3A_778 = arith.addi %mul3A_739, %add3A_777 : i32
      %dma_start3A_779 = arith.constant 0 : i32
      %dma_start3A_780 = arith.constant 0 : i32
      %dma_start3A_781 = tpu.memref_slice %arg8[%dma_start3A_779, %dma_start3A_780] : memref<128x128xf32, #tpu.memory_space<vmem>> -> memref<125x128xf32, #tpu.memory_space<vmem>>
      %dma_start3A_782 = arith.constant 0 : i32
      %dma_start3A_783 = arith.constant 0 : i32
      %dma_start3A_784 = tpu.memref_slice %arg6[%scan3A_185, %dma_start3A_782, %dma_start3A_783] : memref<2x16x125xi32, #tpu.memory_space<vmem>> -> memref<1x16x125xi32, #tpu.memory_space<vmem>>
      %dma_start3A_785 = tpu.memref_squeeze %dma_start3A_784 : memref<1x16x125xi32, #tpu.memory_space<vmem>> -> memref<16x125xi32, #tpu.memory_space<vmem>>
      %dma_start3A_786 = arith.constant 0 : i32
      %dma_start3A_787 = tpu.memref_slice %dma_start3A_785[%add3A_778, %dma_start3A_786] : memref<16x125xi32, #tpu.memory_space<vmem>> -> memref<1x125xi32, #tpu.memory_space<vmem>>
      %dma_start3A_788 = tpu.memref_squeeze %dma_start3A_787 : memref<1x125xi32, #tpu.memory_space<vmem>> -> memref<125xi32, #tpu.memory_space<vmem>>
      %dma_start3A_789 = arith.constant 0 : i32
      %dma_start3A_790 = arith.constant 0 : i32
      %dma_start3A_791 = tpu.memref_slice %arg2[%dma_start3A_789, %dma_start3A_790] : memref<10000x128xf32, #tpu.memory_space<hbm>> -> memref<10000x128xf32, #tpu.memory_space<hbm>>
      tpu.enqueue_indirect_dma source(%dma_start3A_791 : memref<10000x128xf32, #tpu.memory_space<hbm>>) target(%dma_start3A_781 : memref<125x128xf32, #tpu.memory_space<vmem>>) offsets(%dma_start3A_788 : memref<125xi32, #tpu.memory_space<vmem>>) semaphore(%arg11 : memref<!tpu.dma_semaphore, #tpu.memory_space<semaphore_mem>>)
      %add3A_792 = arith.constant 1 : i32
      %add3A_793 = arith.addi %mul3A_739, %add3A_792 : i32
      "tpu.region"() ({
        %run_scoped3A_794 = tpu.sem_alloc : memref<!tpu.dma_semaphore, #tpu.memory_space<semaphore_mem>>
        %dma_start3A_795 = arith.constant 0 : i32
        %dma_start3A_796 = arith.constant 0 : i32
        %dma_start3A_797 = tpu.memref_slice %arg7[%scan3A_186, %dma_start3A_795, %dma_start3A_796] : memref<2x16x125xi32, #tpu.memory_space<vmem>> -> memref<1x16x125xi32, #tpu.memory_space<vmem>>
        %dma_start3A_798 = tpu.memref_squeeze %dma_start3A_797 : memref<1x16x125xi32, #tpu.memory_space<vmem>> -> memref<16x125xi32, #tpu.memory_space<vmem>>
        %dma_start3A_799 = arith.constant 0 : i32
        %dma_start3A_800 = tpu.memref_slice %dma_start3A_798[%add3A_793, %dma_start3A_799] : memref<16x125xi32, #tpu.memory_space<vmem>> -> memref<1x125xi32, #tpu.memory_space<vmem>>
        %dma_start3A_801 = tpu.memref_squeeze %dma_start3A_800 : memref<1x125xi32, #tpu.memory_space<vmem>> -> memref<125xi32, #tpu.memory_space<vmem>>
        %dma_start3A_802 = arith.constant 0 : i32
        %dma_start3A_803 = arith.constant 0 : i32
        %dma_start3A_804 = tpu.memref_slice %arg10[%dma_start3A_802, %dma_start3A_803] : memref<10240x128xf32, #tpu.memory_space<vmem_shared>> -> memref<10240x128xf32, #tpu.memory_space<vmem_shared>>
        tpu.enqueue_indirect_dma source(%arg9 : memref<125x128xf32, #tpu.memory_space<vmem>>) target(%dma_start3A_804 : memref<10240x128xf32, #tpu.memory_space<vmem_shared>>) offsets(%dma_start3A_801 : memref<125xi32, #tpu.memory_space<vmem>>) semaphore(%run_scoped3A_794 : memref<!tpu.dma_semaphore, #tpu.memory_space<semaphore_mem>>) {add = true}
        %dma_wait3A_805 = arith.constant 0 : i32
        %dma_wait3A_806 = arith.constant 0 : i32
        %dma_wait3A_807 = tpu.memref_slice %arg7[%scan3A_186, %dma_wait3A_805, %dma_wait3A_806] : memref<2x16x125xi32, #tpu.memory_space<vmem>> -> memref<1x16x125xi32, #tpu.memory_space<vmem>>
        %dma_wait3A_808 = tpu.memref_squeeze %dma_wait3A_807 : memref<1x16x125xi32, #tpu.memory_space<vmem>> -> memref<16x125xi32, #tpu.memory_space<vmem>>
        %dma_wait3A_809 = arith.constant 0 : i32
        %dma_wait3A_810 = tpu.memref_slice %dma_wait3A_808[%add3A_793, %dma_wait3A_809] : memref<16x125xi32, #tpu.memory_space<vmem>> -> memref<1x125xi32, #tpu.memory_space<vmem>>
        %dma_wait3A_811 = tpu.memref_squeeze %dma_wait3A_810 : memref<1x125xi32, #tpu.memory_space<vmem>> -> memref<125xi32, #tpu.memory_space<vmem>>
        %dma_wait3A_812 = arith.constant 0 : i32
        %dma_wait3A_813 = arith.constant 0 : i32
        %dma_wait3A_814 = tpu.memref_slice %arg10[%dma_wait3A_812, %dma_wait3A_813] : memref<10240x128xf32, #tpu.memory_space<vmem_shared>> -> memref<10240x128xf32, #tpu.memory_space<vmem_shared>>
        tpu.wait_indirect_dma semaphore(%run_scoped3A_794 : memref<!tpu.dma_semaphore, #tpu.memory_space<semaphore_mem>>) src(%arg9 : memref<125x128xf32, #tpu.memory_space<vmem>>) dst(%dma_wait3A_814 : memref<10240x128xf32, #tpu.memory_space<vmem_shared>>)
        tpu.yield
      }) : () -> ()
    }
    %scan3A_191 = arith.constant 7 : i32
    %dma_wait3A_192 = arith.constant 0 : i32
    %dma_wait3A_193 = arith.constant 14 : i32
    %dma_wait3A_194 = arith.constant 0 : i32
    %dma_wait3A_195 = arith.constant 0 : i32
    %dma_wait3A_196 = tpu.memref_slice %arg8[%dma_wait3A_194, %dma_wait3A_195] : memref<128x128xf32, #tpu.memory_space<vmem>> -> memref<125x128xf32, #tpu.memory_space<vmem>>
    %dma_wait3A_197 = arith.constant 0 : i32
    %dma_wait3A_198 = arith.constant 0 : i32
    %dma_wait3A_199 = tpu.memref_slice %arg6[%dma_wait3A_192, %dma_wait3A_197, %dma_wait3A_198] : memref<2x16x125xi32, #tpu.memory_space<vmem>> -> memref<1x16x125xi32, #tpu.memory_space<vmem>>
    %dma_wait3A_200 = tpu.memref_squeeze %dma_wait3A_199 : memref<1x16x125xi32, #tpu.memory_space<vmem>> -> memref<16x125xi32, #tpu.memory_space<vmem>>
    %dma_wait3A_201 = arith.constant 0 : i32
    %dma_wait3A_202 = tpu.memref_slice %dma_wait3A_200[%dma_wait3A_193, %dma_wait3A_201] : memref<16x125xi32, #tpu.memory_space<vmem>> -> memref<1x125xi32, #tpu.memory_space<vmem>>
    %dma_wait3A_203 = tpu.memref_squeeze %dma_wait3A_202 : memref<1x125xi32, #tpu.memory_space<vmem>> -> memref<125xi32, #tpu.memory_space<vmem>>
    %dma_wait3A_204 = arith.constant 0 : i32
    %dma_wait3A_205 = arith.constant 0 : i32
    %dma_wait3A_206 = tpu.memref_slice %arg2[%dma_wait3A_204, %dma_wait3A_205] : memref<10000x128xf32, #tpu.memory_space<hbm>> -> memref<10000x128xf32, #tpu.memory_space<hbm>>
    tpu.wait_indirect_dma semaphore(%arg11 : memref<!tpu.dma_semaphore, #tpu.memory_space<semaphore_mem>>) src(%dma_wait3A_206 : memref<10000x128xf32, #tpu.memory_space<hbm>>) dst(%dma_wait3A_196 : memref<125x128xf32, #tpu.memory_space<vmem>>)
    %dma_start3A_207 = arith.constant 0 : i32
    %dma_start3A_208 = arith.constant 15 : i32
    %dma_start3A_209 = arith.constant 0 : i32
    %dma_start3A_210 = arith.constant 0 : i32
    %dma_start3A_211 = tpu.memref_slice %arg6[%dma_start3A_207, %dma_start3A_209, %dma_start3A_210] : memref<2x16x125xi32, #tpu.memory_space<vmem>> -> memref<1x16x125xi32, #tpu.memory_space<vmem>>
    %dma_start3A_212 = tpu.memref_squeeze %dma_start3A_211 : memref<1x16x125xi32, #tpu.memory_space<vmem>> -> memref<16x125xi32, #tpu.memory_space<vmem>>
    %dma_start3A_213 = arith.constant 0 : i32
    %dma_start3A_214 = tpu.memref_slice %dma_start3A_212[%dma_start3A_208, %dma_start3A_213] : memref<16x125xi32, #tpu.memory_space<vmem>> -> memref<1x125xi32, #tpu.memory_space<vmem>>
    %dma_start3A_215 = tpu.memref_squeeze %dma_start3A_214 : memref<1x125xi32, #tpu.memory_space<vmem>> -> memref<125xi32, #tpu.memory_space<vmem>>
    %dma_start3A_216 = arith.constant 0 : i32
    %dma_start3A_217 = arith.constant 0 : i32
    %dma_start3A_218 = tpu.memref_slice %arg2[%dma_start3A_216, %dma_start3A_217] : memref<10000x128xf32, #tpu.memory_space<hbm>> -> memref<10000x128xf32, #tpu.memory_space<hbm>>
    tpu.enqueue_indirect_dma source(%dma_start3A_218 : memref<10000x128xf32, #tpu.memory_space<hbm>>) target(%arg9 : memref<125x128xf32, #tpu.memory_space<vmem>>) offsets(%dma_start3A_215 : memref<125xi32, #tpu.memory_space<vmem>>) semaphore(%arg12 : memref<!tpu.dma_semaphore, #tpu.memory_space<semaphore_mem>>)
    %run_scoped3A = arith.constant 0 : i32
    %run_scoped3A_219 = arith.constant 14 : i32
    "tpu.region"() ({
      %run_scoped3A_737 = tpu.sem_alloc : memref<!tpu.dma_semaphore, #tpu.memory_space<semaphore_mem>>
      %dma_start3A_738 = arith.constant 0 : i32
      %dma_start3A_739 = arith.constant 0 : i32
      %dma_start3A_740 = tpu.memref_slice %arg8[%dma_start3A_738, %dma_start3A_739] : memref<128x128xf32, #tpu.memory_space<vmem>> -> memref<125x128xf32, #tpu.memory_space<vmem>>
      %dma_start3A_741 = arith.constant 0 : i32
      %dma_start3A_742 = arith.constant 0 : i32
      %dma_start3A_743 = tpu.memref_slice %arg7[%run_scoped3A, %dma_start3A_741, %dma_start3A_742] : memref<2x16x125xi32, #tpu.memory_space<vmem>> -> memref<1x16x125xi32, #tpu.memory_space<vmem>>
      %dma_start3A_744 = tpu.memref_squeeze %dma_start3A_743 : memref<1x16x125xi32, #tpu.memory_space<vmem>> -> memref<16x125xi32, #tpu.memory_space<vmem>>
      %dma_start3A_745 = arith.constant 0 : i32
      %dma_start3A_746 = tpu.memref_slice %dma_start3A_744[%run_scoped3A_219, %dma_start3A_745] : memref<16x125xi32, #tpu.memory_space<vmem>> -> memref<1x125xi32, #tpu.memory_space<vmem>>
      %dma_start3A_747 = tpu.memref_squeeze %dma_start3A_746 : memref<1x125xi32, #tpu.memory_space<vmem>> -> memref<125xi32, #tpu.memory_space<vmem>>
      %dma_start3A_748 = arith.constant 0 : i32
      %dma_start3A_749 = arith.constant 0 : i32
      %dma_start3A_750 = tpu.memref_slice %arg10[%dma_start3A_748, %dma_start3A_749] : memref<10240x128xf32, #tpu.memory_space<vmem_shared>> -> memref<10240x128xf32, #tpu.memory_space<vmem_shared>>
      tpu.enqueue_indirect_dma source(%dma_start3A_740 : memref<125x128xf32, #tpu.memory_space<vmem>>) target(%dma_start3A_750 : memref<10240x128xf32, #tpu.memory_space<vmem_shared>>) offsets(%dma_start3A_747 : memref<125xi32, #tpu.memory_space<vmem>>) semaphore(%run_scoped3A_737 : memref<!tpu.dma_semaphore, #tpu.memory_space<semaphore_mem>>) {add = true}
      %dma_wait3A_751 = arith.constant 0 : i32
      %dma_wait3A_752 = arith.constant 0 : i32
      %dma_wait3A_753 = tpu.memref_slice %arg8[%dma_wait3A_751, %dma_wait3A_752] : memref<128x128xf32, #tpu.memory_space<vmem>> -> memref<125x128xf32, #tpu.memory_space<vmem>>
      %dma_wait3A_754 = arith.constant 0 : i32
      %dma_wait3A_755 = arith.constant 0 : i32
      %dma_wait3A_756 = tpu.memref_slice %arg7[%run_scoped3A, %dma_wait3A_754, %dma_wait3A_755] : memref<2x16x125xi32, #tpu.memory_space<vmem>> -> memref<1x16x125xi32, #tpu.memory_space<vmem>>
      %dma_wait3A_757 = tpu.memref_squeeze %dma_wait3A_756 : memref<1x16x125xi32, #tpu.memory_space<vmem>> -> memref<16x125xi32, #tpu.memory_space<vmem>>
      %dma_wait3A_758 = arith.constant 0 : i32
      %dma_wait3A_759 = tpu.memref_slice %dma_wait3A_757[%run_scoped3A_219, %dma_wait3A_758] : memref<16x125xi32, #tpu.memory_space<vmem>> -> memref<1x125xi32, #tpu.memory_space<vmem>>
      %dma_wait3A_760 = tpu.memref_squeeze %dma_wait3A_759 : memref<1x125xi32, #tpu.memory_space<vmem>> -> memref<125xi32, #tpu.memory_space<vmem>>
      %dma_wait3A_761 = arith.constant 0 : i32
      %dma_wait3A_762 = arith.constant 0 : i32
      %dma_wait3A_763 = tpu.memref_slice %arg10[%dma_wait3A_761, %dma_wait3A_762] : memref<10240x128xf32, #tpu.memory_space<vmem_shared>> -> memref<10240x128xf32, #tpu.memory_space<vmem_shared>>
      tpu.wait_indirect_dma semaphore(%run_scoped3A_737 : memref<!tpu.dma_semaphore, #tpu.memory_space<semaphore_mem>>) src(%dma_wait3A_753 : memref<125x128xf32, #tpu.memory_space<vmem>>) dst(%dma_wait3A_763 : memref<10240x128xf32, #tpu.memory_space<vmem_shared>>)
      tpu.yield
    }) : () -> ()
    %dma_wait3A_220 = arith.constant 0 : i32
    %dma_wait3A_221 = arith.constant 15 : i32
    %dma_wait3A_222 = arith.constant 0 : i32
    %dma_wait3A_223 = arith.constant 0 : i32
    %dma_wait3A_224 = tpu.memref_slice %arg6[%dma_wait3A_220, %dma_wait3A_222, %dma_wait3A_223] : memref<2x16x125xi32, #tpu.memory_space<vmem>> -> memref<1x16x125xi32, #tpu.memory_space<vmem>>
    %dma_wait3A_225 = tpu.memref_squeeze %dma_wait3A_224 : memref<1x16x125xi32, #tpu.memory_space<vmem>> -> memref<16x125xi32, #tpu.memory_space<vmem>>
    %dma_wait3A_226 = arith.constant 0 : i32
    %dma_wait3A_227 = tpu.memref_slice %dma_wait3A_225[%dma_wait3A_221, %dma_wait3A_226] : memref<16x125xi32, #tpu.memory_space<vmem>> -> memref<1x125xi32, #tpu.memory_space<vmem>>
    %dma_wait3A_228 = tpu.memref_squeeze %dma_wait3A_227 : memref<1x125xi32, #tpu.memory_space<vmem>> -> memref<125xi32, #tpu.memory_space<vmem>>
    %dma_wait3A_229 = arith.constant 0 : i32
    %dma_wait3A_230 = arith.constant 0 : i32
    %dma_wait3A_231 = tpu.memref_slice %arg2[%dma_wait3A_229, %dma_wait3A_230] : memref<10000x128xf32, #tpu.memory_space<hbm>> -> memref<10000x128xf32, #tpu.memory_space<hbm>>
    tpu.wait_indirect_dma semaphore(%arg12 : memref<!tpu.dma_semaphore, #tpu.memory_space<semaphore_mem>>) src(%dma_wait3A_231 : memref<10000x128xf32, #tpu.memory_space<hbm>>) dst(%arg9 : memref<125x128xf32, #tpu.memory_space<vmem>>)
    %dma_wait3A_232 = arith.constant 1 : i32
    %dma_wait3A_233 = arith.constant 0 : i32
    %dma_wait3A_234 = arith.constant 0 : i32
    %dma_wait3A_235 = tpu.memref_slice %arg6[%dma_wait3A_232, %dma_wait3A_233, %dma_wait3A_234] : memref<2x16x125xi32, #tpu.memory_space<vmem>> -> memref<1x16x125xi32, #tpu.memory_space<vmem>>
    %dma_wait3A_236 = tpu.memref_squeeze %dma_wait3A_235 : memref<1x16x125xi32, #tpu.memory_space<vmem>> -> memref<16x125xi32, #tpu.memory_space<vmem>>
    %dma_wait3A_237 = arith.constant 16 : i32
    %dma_wait3A_238 = arith.constant 0 : i32
    %dma_wait3A_239 = tpu.memref_slice %arg3[%add3A, %dma_wait3A_237, %dma_wait3A_238] : memref<32x80x125xi32, #tpu.memory_space<hbm>> -> memref<1x16x125xi32, #tpu.memory_space<hbm>>
    %dma_wait3A_240 = tpu.memref_squeeze %dma_wait3A_239 : memref<1x16x125xi32, #tpu.memory_space<hbm>> -> memref<16x125xi32, #tpu.memory_space<hbm>>
    %dma_wait3A_241 = arith.constant 0 : i32
    %dma_wait3A_242 = arith.constant 0 : i32
    %dma_wait3A_243 = tpu.memref_slice %arg6[%dma_wait3A_232, %dma_wait3A_241, %dma_wait3A_242] : memref<2x16x125xi32, #tpu.memory_space<vmem>> -> memref<1x16x125xi32, #tpu.memory_space<vmem>>
    %dma_wait3A_244 = tpu.memref_squeeze %dma_wait3A_243 : memref<1x16x125xi32, #tpu.memory_space<vmem>> -> memref<16x125xi32, #tpu.memory_space<vmem>>
    %dma_wait3A_245 = arith.constant 16 : i32
    %dma_wait3A_246 = arith.constant 0 : i32
    %dma_wait3A_247 = tpu.memref_slice %arg3[%add3A, %dma_wait3A_245, %dma_wait3A_246] : memref<32x80x125xi32, #tpu.memory_space<hbm>> -> memref<1x16x125xi32, #tpu.memory_space<hbm>>
    %dma_wait3A_248 = tpu.memref_squeeze %dma_wait3A_247 : memref<1x16x125xi32, #tpu.memory_space<hbm>> -> memref<16x125xi32, #tpu.memory_space<hbm>>
    tpu.wait_dma2 semaphore(%arg13 : memref<!tpu.dma_semaphore, #tpu.memory_space<semaphore_mem>>) src(%dma_wait3A_248 : memref<16x125xi32, #tpu.memory_space<hbm>>) dst(%dma_wait3A_244 : memref<16x125xi32, #tpu.memory_space<vmem>>)
    %dma_wait3A_249 = arith.constant 1 : i32
    %dma_wait3A_250 = arith.constant 0 : i32
    %dma_wait3A_251 = arith.constant 0 : i32
    %dma_wait3A_252 = tpu.memref_slice %arg7[%dma_wait3A_249, %dma_wait3A_250, %dma_wait3A_251] : memref<2x16x125xi32, #tpu.memory_space<vmem>> -> memref<1x16x125xi32, #tpu.memory_space<vmem>>
    %dma_wait3A_253 = tpu.memref_squeeze %dma_wait3A_252 : memref<1x16x125xi32, #tpu.memory_space<vmem>> -> memref<16x125xi32, #tpu.memory_space<vmem>>
    %dma_wait3A_254 = arith.constant 16 : i32
    %dma_wait3A_255 = arith.constant 0 : i32
    %dma_wait3A_256 = tpu.memref_slice %arg4[%add3A, %dma_wait3A_254, %dma_wait3A_255] : memref<32x80x125xi32, #tpu.memory_space<hbm>> -> memref<1x16x125xi32, #tpu.memory_space<hbm>>
    %dma_wait3A_257 = tpu.memref_squeeze %dma_wait3A_256 : memref<1x16x125xi32, #tpu.memory_space<hbm>> -> memref<16x125xi32, #tpu.memory_space<hbm>>
    %dma_wait3A_258 = arith.constant 0 : i32
    %dma_wait3A_259 = arith.constant 0 : i32
    %dma_wait3A_260 = tpu.memref_slice %arg7[%dma_wait3A_249, %dma_wait3A_258, %dma_wait3A_259] : memref<2x16x125xi32, #tpu.memory_space<vmem>> -> memref<1x16x125xi32, #tpu.memory_space<vmem>>
    %dma_wait3A_261 = tpu.memref_squeeze %dma_wait3A_260 : memref<1x16x125xi32, #tpu.memory_space<vmem>> -> memref<16x125xi32, #tpu.memory_space<vmem>>
    %dma_wait3A_262 = arith.constant 16 : i32
    %dma_wait3A_263 = arith.constant 0 : i32
    %dma_wait3A_264 = tpu.memref_slice %arg4[%add3A, %dma_wait3A_262, %dma_wait3A_263] : memref<32x80x125xi32, #tpu.memory_space<hbm>> -> memref<1x16x125xi32, #tpu.memory_space<hbm>>
    %dma_wait3A_265 = tpu.memref_squeeze %dma_wait3A_264 : memref<1x16x125xi32, #tpu.memory_space<hbm>> -> memref<16x125xi32, #tpu.memory_space<hbm>>
    tpu.wait_dma2 semaphore(%arg13 : memref<!tpu.dma_semaphore, #tpu.memory_space<semaphore_mem>>) src(%dma_wait3A_265 : memref<16x125xi32, #tpu.memory_space<hbm>>) dst(%dma_wait3A_261 : memref<16x125xi32, #tpu.memory_space<vmem>>)
    %dma_start3A_266 = arith.constant 1 : i32
    %dma_start3A_267 = arith.constant 0 : i32
    %dma_start3A_268 = arith.constant 0 : i32
    %dma_start3A_269 = arith.constant 0 : i32
    %dma_start3A_270 = tpu.memref_slice %arg8[%dma_start3A_268, %dma_start3A_269] : memref<128x128xf32, #tpu.memory_space<vmem>> -> memref<125x128xf32, #tpu.memory_space<vmem>>
    %dma_start3A_271 = arith.constant 0 : i32
    %dma_start3A_272 = arith.constant 0 : i32
    %dma_start3A_273 = tpu.memref_slice %arg6[%dma_start3A_266, %dma_start3A_271, %dma_start3A_272] : memref<2x16x125xi32, #tpu.memory_space<vmem>> -> memref<1x16x125xi32, #tpu.memory_space<vmem>>
    %dma_start3A_274 = tpu.memref_squeeze %dma_start3A_273 : memref<1x16x125xi32, #tpu.memory_space<vmem>> -> memref<16x125xi32, #tpu.memory_space<vmem>>
    %dma_start3A_275 = arith.constant 0 : i32
    %dma_start3A_276 = tpu.memref_slice %dma_start3A_274[%dma_start3A_267, %dma_start3A_275] : memref<16x125xi32, #tpu.memory_space<vmem>> -> memref<1x125xi32, #tpu.memory_space<vmem>>
    %dma_start3A_277 = tpu.memref_squeeze %dma_start3A_276 : memref<1x125xi32, #tpu.memory_space<vmem>> -> memref<125xi32, #tpu.memory_space<vmem>>
    %dma_start3A_278 = arith.constant 0 : i32
    %dma_start3A_279 = arith.constant 0 : i32
    %dma_start3A_280 = tpu.memref_slice %arg2[%dma_start3A_278, %dma_start3A_279] : memref<10000x128xf32, #tpu.memory_space<hbm>> -> memref<10000x128xf32, #tpu.memory_space<hbm>>
    tpu.enqueue_indirect_dma source(%dma_start3A_280 : memref<10000x128xf32, #tpu.memory_space<hbm>>) target(%dma_start3A_270 : memref<125x128xf32, #tpu.memory_space<vmem>>) offsets(%dma_start3A_277 : memref<125xi32, #tpu.memory_space<vmem>>) semaphore(%arg11 : memref<!tpu.dma_semaphore, #tpu.memory_space<semaphore_mem>>)
    %run_scoped3A_281 = arith.constant 0 : i32
    %run_scoped3A_282 = arith.constant 15 : i32
    "tpu.region"() ({
      %run_scoped3A_737 = tpu.sem_alloc : memref<!tpu.dma_semaphore, #tpu.memory_space<semaphore_mem>>
      %dma_start3A_738 = arith.constant 0 : i32
      %dma_start3A_739 = arith.constant 0 : i32
      %dma_start3A_740 = tpu.memref_slice %arg7[%run_scoped3A_281, %dma_start3A_738, %dma_start3A_739] : memref<2x16x125xi32, #tpu.memory_space<vmem>> -> memref<1x16x125xi32, #tpu.memory_space<vmem>>
      %dma_start3A_741 = tpu.memref_squeeze %dma_start3A_740 : memref<1x16x125xi32, #tpu.memory_space<vmem>> -> memref<16x125xi32, #tpu.memory_space<vmem>>
      %dma_start3A_742 = arith.constant 0 : i32
      %dma_start3A_743 = tpu.memref_slice %dma_start3A_741[%run_scoped3A_282, %dma_start3A_742] : memref<16x125xi32, #tpu.memory_space<vmem>> -> memref<1x125xi32, #tpu.memory_space<vmem>>
      %dma_start3A_744 = tpu.memref_squeeze %dma_start3A_743 : memref<1x125xi32, #tpu.memory_space<vmem>> -> memref<125xi32, #tpu.memory_space<vmem>>
      %dma_start3A_745 = arith.constant 0 : i32
      %dma_start3A_746 = arith.constant 0 : i32
      %dma_start3A_747 = tpu.memref_slice %arg10[%dma_start3A_745, %dma_start3A_746] : memref<10240x128xf32, #tpu.memory_space<vmem_shared>> -> memref<10240x128xf32, #tpu.memory_space<vmem_shared>>
      tpu.enqueue_indirect_dma source(%arg9 : memref<125x128xf32, #tpu.memory_space<vmem>>) target(%dma_start3A_747 : memref<10240x128xf32, #tpu.memory_space<vmem_shared>>) offsets(%dma_start3A_744 : memref<125xi32, #tpu.memory_space<vmem>>) semaphore(%run_scoped3A_737 : memref<!tpu.dma_semaphore, #tpu.memory_space<semaphore_mem>>) {add = true}
      %dma_wait3A_748 = arith.constant 0 : i32
      %dma_wait3A_749 = arith.constant 0 : i32
      %dma_wait3A_750 = tpu.memref_slice %arg7[%run_scoped3A_281, %dma_wait3A_748, %dma_wait3A_749] : memref<2x16x125xi32, #tpu.memory_space<vmem>> -> memref<1x16x125xi32, #tpu.memory_space<vmem>>
      %dma_wait3A_751 = tpu.memref_squeeze %dma_wait3A_750 : memref<1x16x125xi32, #tpu.memory_space<vmem>> -> memref<16x125xi32, #tpu.memory_space<vmem>>
      %dma_wait3A_752 = arith.constant 0 : i32
      %dma_wait3A_753 = tpu.memref_slice %dma_wait3A_751[%run_scoped3A_282, %dma_wait3A_752] : memref<16x125xi32, #tpu.memory_space<vmem>> -> memref<1x125xi32, #tpu.memory_space<vmem>>
      %dma_wait3A_754 = tpu.memref_squeeze %dma_wait3A_753 : memref<1x125xi32, #tpu.memory_space<vmem>> -> memref<125xi32, #tpu.memory_space<vmem>>
      %dma_wait3A_755 = arith.constant 0 : i32
      %dma_wait3A_756 = arith.constant 0 : i32
      %dma_wait3A_757 = tpu.memref_slice %arg10[%dma_wait3A_755, %dma_wait3A_756] : memref<10240x128xf32, #tpu.memory_space<vmem_shared>> -> memref<10240x128xf32, #tpu.memory_space<vmem_shared>>
      tpu.wait_indirect_dma semaphore(%run_scoped3A_737 : memref<!tpu.dma_semaphore, #tpu.memory_space<semaphore_mem>>) src(%arg9 : memref<125x128xf32, #tpu.memory_space<vmem>>) dst(%dma_wait3A_757 : memref<10240x128xf32, #tpu.memory_space<vmem_shared>>)
      tpu.yield
    }) : () -> ()
    %dma_start3A_283 = arith.constant 0 : i32
    %dma_start3A_284 = arith.constant 0 : i32
    %dma_start3A_285 = arith.constant 0 : i32
    %dma_start3A_286 = tpu.memref_slice %arg6[%dma_start3A_283, %dma_start3A_284, %dma_start3A_285] : memref<2x16x125xi32, #tpu.memory_space<vmem>> -> memref<1x16x125xi32, #tpu.memory_space<vmem>>
    %dma_start3A_287 = tpu.memref_squeeze %dma_start3A_286 : memref<1x16x125xi32, #tpu.memory_space<vmem>> -> memref<16x125xi32, #tpu.memory_space<vmem>>
    %dma_start3A_288 = arith.constant 32 : i32
    %dma_start3A_289 = arith.constant 0 : i32
    %dma_start3A_290 = tpu.memref_slice %arg3[%add3A, %dma_start3A_288, %dma_start3A_289] : memref<32x80x125xi32, #tpu.memory_space<hbm>> -> memref<1x16x125xi32, #tpu.memory_space<hbm>>
    %dma_start3A_291 = tpu.memref_squeeze %dma_start3A_290 : memref<1x16x125xi32, #tpu.memory_space<hbm>> -> memref<16x125xi32, #tpu.memory_space<hbm>>
    %dma_start3A_292 = arith.constant 0 : i32
    %dma_start3A_293 = arith.constant 0 : i32
    %dma_start3A_294 = tpu.memref_slice %arg6[%dma_start3A_283, %dma_start3A_292, %dma_start3A_293] : memref<2x16x125xi32, #tpu.memory_space<vmem>> -> memref<1x16x125xi32, #tpu.memory_space<vmem>>
    %dma_start3A_295 = tpu.memref_squeeze %dma_start3A_294 : memref<1x16x125xi32, #tpu.memory_space<vmem>> -> memref<16x125xi32, #tpu.memory_space<vmem>>
    %dma_start3A_296 = arith.constant 32 : i32
    %dma_start3A_297 = arith.constant 0 : i32
    %dma_start3A_298 = tpu.memref_slice %arg3[%add3A, %dma_start3A_296, %dma_start3A_297] : memref<32x80x125xi32, #tpu.memory_space<hbm>> -> memref<1x16x125xi32, #tpu.memory_space<hbm>>
    %dma_start3A_299 = tpu.memref_squeeze %dma_start3A_298 : memref<1x16x125xi32, #tpu.memory_space<hbm>> -> memref<16x125xi32, #tpu.memory_space<hbm>>
    tpu.enqueue_dma source(%dma_start3A_299 : memref<16x125xi32, #tpu.memory_space<hbm>>) target(%dma_start3A_295 : memref<16x125xi32, #tpu.memory_space<vmem>>) target_semaphore(%arg13 : memref<!tpu.dma_semaphore, #tpu.memory_space<semaphore_mem>>)
    %dma_start3A_300 = arith.constant 0 : i32
    %dma_start3A_301 = arith.constant 0 : i32
    %dma_start3A_302 = arith.constant 0 : i32
    %dma_start3A_303 = tpu.memref_slice %arg7[%dma_start3A_300, %dma_start3A_301, %dma_start3A_302] : memref<2x16x125xi32, #tpu.memory_space<vmem>> -> memref<1x16x125xi32, #tpu.memory_space<vmem>>
    %dma_start3A_304 = tpu.memref_squeeze %dma_start3A_303 : memref<1x16x125xi32, #tpu.memory_space<vmem>> -> memref<16x125xi32, #tpu.memory_space<vmem>>
    %dma_start3A_305 = arith.constant 32 : i32
    %dma_start3A_306 = arith.constant 0 : i32
    %dma_start3A_307 = tpu.memref_slice %arg4[%add3A, %dma_start3A_305, %dma_start3A_306] : memref<32x80x125xi32, #tpu.memory_space<hbm>> -> memref<1x16x125xi32, #tpu.memory_space<hbm>>
    %dma_start3A_308 = tpu.memref_squeeze %dma_start3A_307 : memref<1x16x125xi32, #tpu.memory_space<hbm>> -> memref<16x125xi32, #tpu.memory_space<hbm>>
    %dma_start3A_309 = arith.constant 0 : i32
    %dma_start3A_310 = arith.constant 0 : i32
    %dma_start3A_311 = tpu.memref_slice %arg7[%dma_start3A_300, %dma_start3A_309, %dma_start3A_310] : memref<2x16x125xi32, #tpu.memory_space<vmem>> -> memref<1x16x125xi32, #tpu.memory_space<vmem>>
    %dma_start3A_312 = tpu.memref_squeeze %dma_start3A_311 : memref<1x16x125xi32, #tpu.memory_space<vmem>> -> memref<16x125xi32, #tpu.memory_space<vmem>>
    %dma_start3A_313 = arith.constant 32 : i32
    %dma_start3A_314 = arith.constant 0 : i32
    %dma_start3A_315 = tpu.memref_slice %arg4[%add3A, %dma_start3A_313, %dma_start3A_314] : memref<32x80x125xi32, #tpu.memory_space<hbm>> -> memref<1x16x125xi32, #tpu.memory_space<hbm>>
    %dma_start3A_316 = tpu.memref_squeeze %dma_start3A_315 : memref<1x16x125xi32, #tpu.memory_space<hbm>> -> memref<16x125xi32, #tpu.memory_space<hbm>>
    tpu.enqueue_dma source(%dma_start3A_316 : memref<16x125xi32, #tpu.memory_space<hbm>>) target(%dma_start3A_312 : memref<16x125xi32, #tpu.memory_space<vmem>>) target_semaphore(%arg13 : memref<!tpu.dma_semaphore, #tpu.memory_space<semaphore_mem>>)
    %scan3A_317 = arith.constant 0 : i32
    %scan3A_318 = arith.constant 1 : i32
    %scan3A_319 = arith.constant 1 : i32
    %scan3A_320 = arith.constant 0 : i32
    %scan3A_321 = arith.constant 7 : i32
    %scan3A_322 = arith.addi %scan3A_320, %scan3A_321 : i32
    %scan3A_323 = arith.constant 1 : i32
    scf.for %scan3A_737 = %scan3A_320 to %scan3A_322 step %scan3A_323  : i32 {
      %mul3A_738 = arith.constant 2 : i32
      %mul3A_739 = arith.muli %mul3A_738, %scan3A_737 : i32
      %dma_wait3A_740 = arith.constant 0 : i32
      %dma_wait3A_741 = arith.constant 0 : i32
      %dma_wait3A_742 = tpu.memref_slice %arg8[%dma_wait3A_740, %dma_wait3A_741] : memref<128x128xf32, #tpu.memory_space<vmem>> -> memref<125x128xf32, #tpu.memory_space<vmem>>
      %dma_wait3A_743 = arith.constant 0 : i32
      %dma_wait3A_744 = arith.constant 0 : i32
      %dma_wait3A_745 = tpu.memref_slice %arg6[%scan3A_318, %dma_wait3A_743, %dma_wait3A_744] : memref<2x16x125xi32, #tpu.memory_space<vmem>> -> memref<1x16x125xi32, #tpu.memory_space<vmem>>
      %dma_wait3A_746 = tpu.memref_squeeze %dma_wait3A_745 : memref<1x16x125xi32, #tpu.memory_space<vmem>> -> memref<16x125xi32, #tpu.memory_space<vmem>>
      %dma_wait3A_747 = arith.constant 0 : i32
      %dma_wait3A_748 = tpu.memref_slice %dma_wait3A_746[%mul3A_739, %dma_wait3A_747] : memref<16x125xi32, #tpu.memory_space<vmem>> -> memref<1x125xi32, #tpu.memory_space<vmem>>
      %dma_wait3A_749 = tpu.memref_squeeze %dma_wait3A_748 : memref<1x125xi32, #tpu.memory_space<vmem>> -> memref<125xi32, #tpu.memory_space<vmem>>
      %dma_wait3A_750 = arith.constant 0 : i32
      %dma_wait3A_751 = arith.constant 0 : i32
      %dma_wait3A_752 = tpu.memref_slice %arg2[%dma_wait3A_750, %dma_wait3A_751] : memref<10000x128xf32, #tpu.memory_space<hbm>> -> memref<10000x128xf32, #tpu.memory_space<hbm>>
      tpu.wait_indirect_dma semaphore(%arg11 : memref<!tpu.dma_semaphore, #tpu.memory_space<semaphore_mem>>) src(%dma_wait3A_752 : memref<10000x128xf32, #tpu.memory_space<hbm>>) dst(%dma_wait3A_742 : memref<125x128xf32, #tpu.memory_space<vmem>>)
      %add3A_753 = arith.constant 1 : i32
      %add3A_754 = arith.addi %mul3A_739, %add3A_753 : i32
      %dma_start3A_755 = arith.constant 0 : i32
      %dma_start3A_756 = arith.constant 0 : i32
      %dma_start3A_757 = tpu.memref_slice %arg6[%scan3A_318, %dma_start3A_755, %dma_start3A_756] : memref<2x16x125xi32, #tpu.memory_space<vmem>> -> memref<1x16x125xi32, #tpu.memory_space<vmem>>
      %dma_start3A_758 = tpu.memref_squeeze %dma_start3A_757 : memref<1x16x125xi32, #tpu.memory_space<vmem>> -> memref<16x125xi32, #tpu.memory_space<vmem>>
      %dma_start3A_759 = arith.constant 0 : i32
      %dma_start3A_760 = tpu.memref_slice %dma_start3A_758[%add3A_754, %dma_start3A_759] : memref<16x125xi32, #tpu.memory_space<vmem>> -> memref<1x125xi32, #tpu.memory_space<vmem>>
      %dma_start3A_761 = tpu.memref_squeeze %dma_start3A_760 : memref<1x125xi32, #tpu.memory_space<vmem>> -> memref<125xi32, #tpu.memory_space<vmem>>
      %dma_start3A_762 = arith.constant 0 : i32
      %dma_start3A_763 = arith.constant 0 : i32
      %dma_start3A_764 = tpu.memref_slice %arg2[%dma_start3A_762, %dma_start3A_763] : memref<10000x128xf32, #tpu.memory_space<hbm>> -> memref<10000x128xf32, #tpu.memory_space<hbm>>
      tpu.enqueue_indirect_dma source(%dma_start3A_764 : memref<10000x128xf32, #tpu.memory_space<hbm>>) target(%arg9 : memref<125x128xf32, #tpu.memory_space<vmem>>) offsets(%dma_start3A_761 : memref<125xi32, #tpu.memory_space<vmem>>) semaphore(%arg12 : memref<!tpu.dma_semaphore, #tpu.memory_space<semaphore_mem>>)
      "tpu.region"() ({
        %run_scoped3A_794 = tpu.sem_alloc : memref<!tpu.dma_semaphore, #tpu.memory_space<semaphore_mem>>
        %dma_start3A_795 = arith.constant 0 : i32
        %dma_start3A_796 = arith.constant 0 : i32
        %dma_start3A_797 = tpu.memref_slice %arg8[%dma_start3A_795, %dma_start3A_796] : memref<128x128xf32, #tpu.memory_space<vmem>> -> memref<125x128xf32, #tpu.memory_space<vmem>>
        %dma_start3A_798 = arith.constant 0 : i32
        %dma_start3A_799 = arith.constant 0 : i32
        %dma_start3A_800 = tpu.memref_slice %arg7[%scan3A_319, %dma_start3A_798, %dma_start3A_799] : memref<2x16x125xi32, #tpu.memory_space<vmem>> -> memref<1x16x125xi32, #tpu.memory_space<vmem>>
        %dma_start3A_801 = tpu.memref_squeeze %dma_start3A_800 : memref<1x16x125xi32, #tpu.memory_space<vmem>> -> memref<16x125xi32, #tpu.memory_space<vmem>>
        %dma_start3A_802 = arith.constant 0 : i32
        %dma_start3A_803 = tpu.memref_slice %dma_start3A_801[%mul3A_739, %dma_start3A_802] : memref<16x125xi32, #tpu.memory_space<vmem>> -> memref<1x125xi32, #tpu.memory_space<vmem>>
        %dma_start3A_804 = tpu.memref_squeeze %dma_start3A_803 : memref<1x125xi32, #tpu.memory_space<vmem>> -> memref<125xi32, #tpu.memory_space<vmem>>
        %dma_start3A_805 = arith.constant 0 : i32
        %dma_start3A_806 = arith.constant 0 : i32
        %dma_start3A_807 = tpu.memref_slice %arg10[%dma_start3A_805, %dma_start3A_806] : memref<10240x128xf32, #tpu.memory_space<vmem_shared>> -> memref<10240x128xf32, #tpu.memory_space<vmem_shared>>
        tpu.enqueue_indirect_dma source(%dma_start3A_797 : memref<125x128xf32, #tpu.memory_space<vmem>>) target(%dma_start3A_807 : memref<10240x128xf32, #tpu.memory_space<vmem_shared>>) offsets(%dma_start3A_804 : memref<125xi32, #tpu.memory_space<vmem>>) semaphore(%run_scoped3A_794 : memref<!tpu.dma_semaphore, #tpu.memory_space<semaphore_mem>>) {add = true}
        %dma_wait3A_808 = arith.constant 0 : i32
        %dma_wait3A_809 = arith.constant 0 : i32
        %dma_wait3A_810 = tpu.memref_slice %arg8[%dma_wait3A_808, %dma_wait3A_809] : memref<128x128xf32, #tpu.memory_space<vmem>> -> memref<125x128xf32, #tpu.memory_space<vmem>>
        %dma_wait3A_811 = arith.constant 0 : i32
        %dma_wait3A_812 = arith.constant 0 : i32
        %dma_wait3A_813 = tpu.memref_slice %arg7[%scan3A_319, %dma_wait3A_811, %dma_wait3A_812] : memref<2x16x125xi32, #tpu.memory_space<vmem>> -> memref<1x16x125xi32, #tpu.memory_space<vmem>>
        %dma_wait3A_814 = tpu.memref_squeeze %dma_wait3A_813 : memref<1x16x125xi32, #tpu.memory_space<vmem>> -> memref<16x125xi32, #tpu.memory_space<vmem>>
        %dma_wait3A_815 = arith.constant 0 : i32
        %dma_wait3A_816 = tpu.memref_slice %dma_wait3A_814[%mul3A_739, %dma_wait3A_815] : memref<16x125xi32, #tpu.memory_space<vmem>> -> memref<1x125xi32, #tpu.memory_space<vmem>>
        %dma_wait3A_817 = tpu.memref_squeeze %dma_wait3A_816 : memref<1x125xi32, #tpu.memory_space<vmem>> -> memref<125xi32, #tpu.memory_space<vmem>>
        %dma_wait3A_818 = arith.constant 0 : i32
        %dma_wait3A_819 = arith.constant 0 : i32
        %dma_wait3A_820 = tpu.memref_slice %arg10[%dma_wait3A_818, %dma_wait3A_819] : memref<10240x128xf32, #tpu.memory_space<vmem_shared>> -> memref<10240x128xf32, #tpu.memory_space<vmem_shared>>
        tpu.wait_indirect_dma semaphore(%run_scoped3A_794 : memref<!tpu.dma_semaphore, #tpu.memory_space<semaphore_mem>>) src(%dma_wait3A_810 : memref<125x128xf32, #tpu.memory_space<vmem>>) dst(%dma_wait3A_820 : memref<10240x128xf32, #tpu.memory_space<vmem_shared>>)
        tpu.yield
      }) : () -> ()
      %add3A_765 = arith.constant 1 : i32
      %add3A_766 = arith.addi %mul3A_739, %add3A_765 : i32
      %dma_wait3A_767 = arith.constant 0 : i32
      %dma_wait3A_768 = arith.constant 0 : i32
      %dma_wait3A_769 = tpu.memref_slice %arg6[%scan3A_318, %dma_wait3A_767, %dma_wait3A_768] : memref<2x16x125xi32, #tpu.memory_space<vmem>> -> memref<1x16x125xi32, #tpu.memory_space<vmem>>
      %dma_wait3A_770 = tpu.memref_squeeze %dma_wait3A_769 : memref<1x16x125xi32, #tpu.memory_space<vmem>> -> memref<16x125xi32, #tpu.memory_space<vmem>>
      %dma_wait3A_771 = arith.constant 0 : i32
      %dma_wait3A_772 = tpu.memref_slice %dma_wait3A_770[%add3A_766, %dma_wait3A_771] : memref<16x125xi32, #tpu.memory_space<vmem>> -> memref<1x125xi32, #tpu.memory_space<vmem>>
      %dma_wait3A_773 = tpu.memref_squeeze %dma_wait3A_772 : memref<1x125xi32, #tpu.memory_space<vmem>> -> memref<125xi32, #tpu.memory_space<vmem>>
      %dma_wait3A_774 = arith.constant 0 : i32
      %dma_wait3A_775 = arith.constant 0 : i32
      %dma_wait3A_776 = tpu.memref_slice %arg2[%dma_wait3A_774, %dma_wait3A_775] : memref<10000x128xf32, #tpu.memory_space<hbm>> -> memref<10000x128xf32, #tpu.memory_space<hbm>>
      tpu.wait_indirect_dma semaphore(%arg12 : memref<!tpu.dma_semaphore, #tpu.memory_space<semaphore_mem>>) src(%dma_wait3A_776 : memref<10000x128xf32, #tpu.memory_space<hbm>>) dst(%arg9 : memref<125x128xf32, #tpu.memory_space<vmem>>)
      %add3A_777 = arith.constant 2 : i32
      %add3A_778 = arith.addi %mul3A_739, %add3A_777 : i32
      %dma_start3A_779 = arith.constant 0 : i32
      %dma_start3A_780 = arith.constant 0 : i32
      %dma_start3A_781 = tpu.memref_slice %arg8[%dma_start3A_779, %dma_start3A_780] : memref<128x128xf32, #tpu.memory_space<vmem>> -> memref<125x128xf32, #tpu.memory_space<vmem>>
      %dma_start3A_782 = arith.constant 0 : i32
      %dma_start3A_783 = arith.constant 0 : i32
      %dma_start3A_784 = tpu.memref_slice %arg6[%scan3A_318, %dma_start3A_782, %dma_start3A_783] : memref<2x16x125xi32, #tpu.memory_space<vmem>> -> memref<1x16x125xi32, #tpu.memory_space<vmem>>
      %dma_start3A_785 = tpu.memref_squeeze %dma_start3A_784 : memref<1x16x125xi32, #tpu.memory_space<vmem>> -> memref<16x125xi32, #tpu.memory_space<vmem>>
      %dma_start3A_786 = arith.constant 0 : i32
      %dma_start3A_787 = tpu.memref_slice %dma_start3A_785[%add3A_778, %dma_start3A_786] : memref<16x125xi32, #tpu.memory_space<vmem>> -> memref<1x125xi32, #tpu.memory_space<vmem>>
      %dma_start3A_788 = tpu.memref_squeeze %dma_start3A_787 : memref<1x125xi32, #tpu.memory_space<vmem>> -> memref<125xi32, #tpu.memory_space<vmem>>
      %dma_start3A_789 = arith.constant 0 : i32
      %dma_start3A_790 = arith.constant 0 : i32
      %dma_start3A_791 = tpu.memref_slice %arg2[%dma_start3A_789, %dma_start3A_790] : memref<10000x128xf32, #tpu.memory_space<hbm>> -> memref<10000x128xf32, #tpu.memory_space<hbm>>
      tpu.enqueue_indirect_dma source(%dma_start3A_791 : memref<10000x128xf32, #tpu.memory_space<hbm>>) target(%dma_start3A_781 : memref<125x128xf32, #tpu.memory_space<vmem>>) offsets(%dma_start3A_788 : memref<125xi32, #tpu.memory_space<vmem>>) semaphore(%arg11 : memref<!tpu.dma_semaphore, #tpu.memory_space<semaphore_mem>>)
      %add3A_792 = arith.constant 1 : i32
      %add3A_793 = arith.addi %mul3A_739, %add3A_792 : i32
      "tpu.region"() ({
        %run_scoped3A_794 = tpu.sem_alloc : memref<!tpu.dma_semaphore, #tpu.memory_space<semaphore_mem>>
        %dma_start3A_795 = arith.constant 0 : i32
        %dma_start3A_796 = arith.constant 0 : i32
        %dma_start3A_797 = tpu.memref_slice %arg7[%scan3A_319, %dma_start3A_795, %dma_start3A_796] : memref<2x16x125xi32, #tpu.memory_space<vmem>> -> memref<1x16x125xi32, #tpu.memory_space<vmem>>
        %dma_start3A_798 = tpu.memref_squeeze %dma_start3A_797 : memref<1x16x125xi32, #tpu.memory_space<vmem>> -> memref<16x125xi32, #tpu.memory_space<vmem>>
        %dma_start3A_799 = arith.constant 0 : i32
        %dma_start3A_800 = tpu.memref_slice %dma_start3A_798[%add3A_793, %dma_start3A_799] : memref<16x125xi32, #tpu.memory_space<vmem>> -> memref<1x125xi32, #tpu.memory_space<vmem>>
        %dma_start3A_801 = tpu.memref_squeeze %dma_start3A_800 : memref<1x125xi32, #tpu.memory_space<vmem>> -> memref<125xi32, #tpu.memory_space<vmem>>
        %dma_start3A_802 = arith.constant 0 : i32
        %dma_start3A_803 = arith.constant 0 : i32
        %dma_start3A_804 = tpu.memref_slice %arg10[%dma_start3A_802, %dma_start3A_803] : memref<10240x128xf32, #tpu.memory_space<vmem_shared>> -> memref<10240x128xf32, #tpu.memory_space<vmem_shared>>
        tpu.enqueue_indirect_dma source(%arg9 : memref<125x128xf32, #tpu.memory_space<vmem>>) target(%dma_start3A_804 : memref<10240x128xf32, #tpu.memory_space<vmem_shared>>) offsets(%dma_start3A_801 : memref<125xi32, #tpu.memory_space<vmem>>) semaphore(%run_scoped3A_794 : memref<!tpu.dma_semaphore, #tpu.memory_space<semaphore_mem>>) {add = true}
        %dma_wait3A_805 = arith.constant 0 : i32
        %dma_wait3A_806 = arith.constant 0 : i32
        %dma_wait3A_807 = tpu.memref_slice %arg7[%scan3A_319, %dma_wait3A_805, %dma_wait3A_806] : memref<2x16x125xi32, #tpu.memory_space<vmem>> -> memref<1x16x125xi32, #tpu.memory_space<vmem>>
        %dma_wait3A_808 = tpu.memref_squeeze %dma_wait3A_807 : memref<1x16x125xi32, #tpu.memory_space<vmem>> -> memref<16x125xi32, #tpu.memory_space<vmem>>
        %dma_wait3A_809 = arith.constant 0 : i32
        %dma_wait3A_810 = tpu.memref_slice %dma_wait3A_808[%add3A_793, %dma_wait3A_809] : memref<16x125xi32, #tpu.memory_space<vmem>> -> memref<1x125xi32, #tpu.memory_space<vmem>>
        %dma_wait3A_811 = tpu.memref_squeeze %dma_wait3A_810 : memref<1x125xi32, #tpu.memory_space<vmem>> -> memref<125xi32, #tpu.memory_space<vmem>>
        %dma_wait3A_812 = arith.constant 0 : i32
        %dma_wait3A_813 = arith.constant 0 : i32
        %dma_wait3A_814 = tpu.memref_slice %arg10[%dma_wait3A_812, %dma_wait3A_813] : memref<10240x128xf32, #tpu.memory_space<vmem_shared>> -> memref<10240x128xf32, #tpu.memory_space<vmem_shared>>
        tpu.wait_indirect_dma semaphore(%run_scoped3A_794 : memref<!tpu.dma_semaphore, #tpu.memory_space<semaphore_mem>>) src(%arg9 : memref<125x128xf32, #tpu.memory_space<vmem>>) dst(%dma_wait3A_814 : memref<10240x128xf32, #tpu.memory_space<vmem_shared>>)
        tpu.yield
      }) : () -> ()
    }
    %scan3A_324 = arith.constant 7 : i32
    %dma_wait3A_325 = arith.constant 1 : i32
    %dma_wait3A_326 = arith.constant 14 : i32
    %dma_wait3A_327 = arith.constant 0 : i32
    %dma_wait3A_328 = arith.constant 0 : i32
    %dma_wait3A_329 = tpu.memref_slice %arg8[%dma_wait3A_327, %dma_wait3A_328] : memref<128x128xf32, #tpu.memory_space<vmem>> -> memref<125x128xf32, #tpu.memory_space<vmem>>
    %dma_wait3A_330 = arith.constant 0 : i32
    %dma_wait3A_331 = arith.constant 0 : i32
    %dma_wait3A_332 = tpu.memref_slice %arg6[%dma_wait3A_325, %dma_wait3A_330, %dma_wait3A_331] : memref<2x16x125xi32, #tpu.memory_space<vmem>> -> memref<1x16x125xi32, #tpu.memory_space<vmem>>
    %dma_wait3A_333 = tpu.memref_squeeze %dma_wait3A_332 : memref<1x16x125xi32, #tpu.memory_space<vmem>> -> memref<16x125xi32, #tpu.memory_space<vmem>>
    %dma_wait3A_334 = arith.constant 0 : i32
    %dma_wait3A_335 = tpu.memref_slice %dma_wait3A_333[%dma_wait3A_326, %dma_wait3A_334] : memref<16x125xi32, #tpu.memory_space<vmem>> -> memref<1x125xi32, #tpu.memory_space<vmem>>
    %dma_wait3A_336 = tpu.memref_squeeze %dma_wait3A_335 : memref<1x125xi32, #tpu.memory_space<vmem>> -> memref<125xi32, #tpu.memory_space<vmem>>
    %dma_wait3A_337 = arith.constant 0 : i32
    %dma_wait3A_338 = arith.constant 0 : i32
    %dma_wait3A_339 = tpu.memref_slice %arg2[%dma_wait3A_337, %dma_wait3A_338] : memref<10000x128xf32, #tpu.memory_space<hbm>> -> memref<10000x128xf32, #tpu.memory_space<hbm>>
    tpu.wait_indirect_dma semaphore(%arg11 : memref<!tpu.dma_semaphore, #tpu.memory_space<semaphore_mem>>) src(%dma_wait3A_339 : memref<10000x128xf32, #tpu.memory_space<hbm>>) dst(%dma_wait3A_329 : memref<125x128xf32, #tpu.memory_space<vmem>>)
    %dma_start3A_340 = arith.constant 1 : i32
    %dma_start3A_341 = arith.constant 15 : i32
    %dma_start3A_342 = arith.constant 0 : i32
    %dma_start3A_343 = arith.constant 0 : i32
    %dma_start3A_344 = tpu.memref_slice %arg6[%dma_start3A_340, %dma_start3A_342, %dma_start3A_343] : memref<2x16x125xi32, #tpu.memory_space<vmem>> -> memref<1x16x125xi32, #tpu.memory_space<vmem>>
    %dma_start3A_345 = tpu.memref_squeeze %dma_start3A_344 : memref<1x16x125xi32, #tpu.memory_space<vmem>> -> memref<16x125xi32, #tpu.memory_space<vmem>>
    %dma_start3A_346 = arith.constant 0 : i32
    %dma_start3A_347 = tpu.memref_slice %dma_start3A_345[%dma_start3A_341, %dma_start3A_346] : memref<16x125xi32, #tpu.memory_space<vmem>> -> memref<1x125xi32, #tpu.memory_space<vmem>>
    %dma_start3A_348 = tpu.memref_squeeze %dma_start3A_347 : memref<1x125xi32, #tpu.memory_space<vmem>> -> memref<125xi32, #tpu.memory_space<vmem>>
    %dma_start3A_349 = arith.constant 0 : i32
    %dma_start3A_350 = arith.constant 0 : i32
    %dma_start3A_351 = tpu.memref_slice %arg2[%dma_start3A_349, %dma_start3A_350] : memref<10000x128xf32, #tpu.memory_space<hbm>> -> memref<10000x128xf32, #tpu.memory_space<hbm>>
    tpu.enqueue_indirect_dma source(%dma_start3A_351 : memref<10000x128xf32, #tpu.memory_space<hbm>>) target(%arg9 : memref<125x128xf32, #tpu.memory_space<vmem>>) offsets(%dma_start3A_348 : memref<125xi32, #tpu.memory_space<vmem>>) semaphore(%arg12 : memref<!tpu.dma_semaphore, #tpu.memory_space<semaphore_mem>>)
    %run_scoped3A_352 = arith.constant 1 : i32
    %run_scoped3A_353 = arith.constant 14 : i32
    "tpu.region"() ({
      %run_scoped3A_737 = tpu.sem_alloc : memref<!tpu.dma_semaphore, #tpu.memory_space<semaphore_mem>>
      %dma_start3A_738 = arith.constant 0 : i32
      %dma_start3A_739 = arith.constant 0 : i32
      %dma_start3A_740 = tpu.memref_slice %arg8[%dma_start3A_738, %dma_start3A_739] : memref<128x128xf32, #tpu.memory_space<vmem>> -> memref<125x128xf32, #tpu.memory_space<vmem>>
      %dma_start3A_741 = arith.constant 0 : i32
      %dma_start3A_742 = arith.constant 0 : i32
      %dma_start3A_743 = tpu.memref_slice %arg7[%run_scoped3A_352, %dma_start3A_741, %dma_start3A_742] : memref<2x16x125xi32, #tpu.memory_space<vmem>> -> memref<1x16x125xi32, #tpu.memory_space<vmem>>
      %dma_start3A_744 = tpu.memref_squeeze %dma_start3A_743 : memref<1x16x125xi32, #tpu.memory_space<vmem>> -> memref<16x125xi32, #tpu.memory_space<vmem>>
      %dma_start3A_745 = arith.constant 0 : i32
      %dma_start3A_746 = tpu.memref_slice %dma_start3A_744[%run_scoped3A_353, %dma_start3A_745] : memref<16x125xi32, #tpu.memory_space<vmem>> -> memref<1x125xi32, #tpu.memory_space<vmem>>
      %dma_start3A_747 = tpu.memref_squeeze %dma_start3A_746 : memref<1x125xi32, #tpu.memory_space<vmem>> -> memref<125xi32, #tpu.memory_space<vmem>>
      %dma_start3A_748 = arith.constant 0 : i32
      %dma_start3A_749 = arith.constant 0 : i32
      %dma_start3A_750 = tpu.memref_slice %arg10[%dma_start3A_748, %dma_start3A_749] : memref<10240x128xf32, #tpu.memory_space<vmem_shared>> -> memref<10240x128xf32, #tpu.memory_space<vmem_shared>>
      tpu.enqueue_indirect_dma source(%dma_start3A_740 : memref<125x128xf32, #tpu.memory_space<vmem>>) target(%dma_start3A_750 : memref<10240x128xf32, #tpu.memory_space<vmem_shared>>) offsets(%dma_start3A_747 : memref<125xi32, #tpu.memory_space<vmem>>) semaphore(%run_scoped3A_737 : memref<!tpu.dma_semaphore, #tpu.memory_space<semaphore_mem>>) {add = true}
      %dma_wait3A_751 = arith.constant 0 : i32
      %dma_wait3A_752 = arith.constant 0 : i32
      %dma_wait3A_753 = tpu.memref_slice %arg8[%dma_wait3A_751, %dma_wait3A_752] : memref<128x128xf32, #tpu.memory_space<vmem>> -> memref<125x128xf32, #tpu.memory_space<vmem>>
      %dma_wait3A_754 = arith.constant 0 : i32
      %dma_wait3A_755 = arith.constant 0 : i32
      %dma_wait3A_756 = tpu.memref_slice %arg7[%run_scoped3A_352, %dma_wait3A_754, %dma_wait3A_755] : memref<2x16x125xi32, #tpu.memory_space<vmem>> -> memref<1x16x125xi32, #tpu.memory_space<vmem>>
      %dma_wait3A_757 = tpu.memref_squeeze %dma_wait3A_756 : memref<1x16x125xi32, #tpu.memory_space<vmem>> -> memref<16x125xi32, #tpu.memory_space<vmem>>
      %dma_wait3A_758 = arith.constant 0 : i32
      %dma_wait3A_759 = tpu.memref_slice %dma_wait3A_757[%run_scoped3A_353, %dma_wait3A_758] : memref<16x125xi32, #tpu.memory_space<vmem>> -> memref<1x125xi32, #tpu.memory_space<vmem>>
      %dma_wait3A_760 = tpu.memref_squeeze %dma_wait3A_759 : memref<1x125xi32, #tpu.memory_space<vmem>> -> memref<125xi32, #tpu.memory_space<vmem>>
      %dma_wait3A_761 = arith.constant 0 : i32
      %dma_wait3A_762 = arith.constant 0 : i32
      %dma_wait3A_763 = tpu.memref_slice %arg10[%dma_wait3A_761, %dma_wait3A_762] : memref<10240x128xf32, #tpu.memory_space<vmem_shared>> -> memref<10240x128xf32, #tpu.memory_space<vmem_shared>>
      tpu.wait_indirect_dma semaphore(%run_scoped3A_737 : memref<!tpu.dma_semaphore, #tpu.memory_space<semaphore_mem>>) src(%dma_wait3A_753 : memref<125x128xf32, #tpu.memory_space<vmem>>) dst(%dma_wait3A_763 : memref<10240x128xf32, #tpu.memory_space<vmem_shared>>)
      tpu.yield
    }) : () -> ()
    %dma_wait3A_354 = arith.constant 1 : i32
    %dma_wait3A_355 = arith.constant 15 : i32
    %dma_wait3A_356 = arith.constant 0 : i32
    %dma_wait3A_357 = arith.constant 0 : i32
    %dma_wait3A_358 = tpu.memref_slice %arg6[%dma_wait3A_354, %dma_wait3A_356, %dma_wait3A_357] : memref<2x16x125xi32, #tpu.memory_space<vmem>> -> memref<1x16x125xi32, #tpu.memory_space<vmem>>
    %dma_wait3A_359 = tpu.memref_squeeze %dma_wait3A_358 : memref<1x16x125xi32, #tpu.memory_space<vmem>> -> memref<16x125xi32, #tpu.memory_space<vmem>>
    %dma_wait3A_360 = arith.constant 0 : i32
    %dma_wait3A_361 = tpu.memref_slice %dma_wait3A_359[%dma_wait3A_355, %dma_wait3A_360] : memref<16x125xi32, #tpu.memory_space<vmem>> -> memref<1x125xi32, #tpu.memory_space<vmem>>
    %dma_wait3A_362 = tpu.memref_squeeze %dma_wait3A_361 : memref<1x125xi32, #tpu.memory_space<vmem>> -> memref<125xi32, #tpu.memory_space<vmem>>
    %dma_wait3A_363 = arith.constant 0 : i32
    %dma_wait3A_364 = arith.constant 0 : i32
    %dma_wait3A_365 = tpu.memref_slice %arg2[%dma_wait3A_363, %dma_wait3A_364] : memref<10000x128xf32, #tpu.memory_space<hbm>> -> memref<10000x128xf32, #tpu.memory_space<hbm>>
    tpu.wait_indirect_dma semaphore(%arg12 : memref<!tpu.dma_semaphore, #tpu.memory_space<semaphore_mem>>) src(%dma_wait3A_365 : memref<10000x128xf32, #tpu.memory_space<hbm>>) dst(%arg9 : memref<125x128xf32, #tpu.memory_space<vmem>>)
    %dma_wait3A_366 = arith.constant 0 : i32
    %dma_wait3A_367 = arith.constant 0 : i32
    %dma_wait3A_368 = arith.constant 0 : i32
    %dma_wait3A_369 = tpu.memref_slice %arg6[%dma_wait3A_366, %dma_wait3A_367, %dma_wait3A_368] : memref<2x16x125xi32, #tpu.memory_space<vmem>> -> memref<1x16x125xi32, #tpu.memory_space<vmem>>
    %dma_wait3A_370 = tpu.memref_squeeze %dma_wait3A_369 : memref<1x16x125xi32, #tpu.memory_space<vmem>> -> memref<16x125xi32, #tpu.memory_space<vmem>>
    %dma_wait3A_371 = arith.constant 32 : i32
    %dma_wait3A_372 = arith.constant 0 : i32
    %dma_wait3A_373 = tpu.memref_slice %arg3[%add3A, %dma_wait3A_371, %dma_wait3A_372] : memref<32x80x125xi32, #tpu.memory_space<hbm>> -> memref<1x16x125xi32, #tpu.memory_space<hbm>>
    %dma_wait3A_374 = tpu.memref_squeeze %dma_wait3A_373 : memref<1x16x125xi32, #tpu.memory_space<hbm>> -> memref<16x125xi32, #tpu.memory_space<hbm>>
    %dma_wait3A_375 = arith.constant 0 : i32
    %dma_wait3A_376 = arith.constant 0 : i32
    %dma_wait3A_377 = tpu.memref_slice %arg6[%dma_wait3A_366, %dma_wait3A_375, %dma_wait3A_376] : memref<2x16x125xi32, #tpu.memory_space<vmem>> -> memref<1x16x125xi32, #tpu.memory_space<vmem>>
    %dma_wait3A_378 = tpu.memref_squeeze %dma_wait3A_377 : memref<1x16x125xi32, #tpu.memory_space<vmem>> -> memref<16x125xi32, #tpu.memory_space<vmem>>
    %dma_wait3A_379 = arith.constant 32 : i32
    %dma_wait3A_380 = arith.constant 0 : i32
    %dma_wait3A_381 = tpu.memref_slice %arg3[%add3A, %dma_wait3A_379, %dma_wait3A_380] : memref<32x80x125xi32, #tpu.memory_space<hbm>> -> memref<1x16x125xi32, #tpu.memory_space<hbm>>
    %dma_wait3A_382 = tpu.memref_squeeze %dma_wait3A_381 : memref<1x16x125xi32, #tpu.memory_space<hbm>> -> memref<16x125xi32, #tpu.memory_space<hbm>>
    tpu.wait_dma2 semaphore(%arg13 : memref<!tpu.dma_semaphore, #tpu.memory_space<semaphore_mem>>) src(%dma_wait3A_382 : memref<16x125xi32, #tpu.memory_space<hbm>>) dst(%dma_wait3A_378 : memref<16x125xi32, #tpu.memory_space<vmem>>)
    %dma_wait3A_383 = arith.constant 0 : i32
    %dma_wait3A_384 = arith.constant 0 : i32
    %dma_wait3A_385 = arith.constant 0 : i32
    %dma_wait3A_386 = tpu.memref_slice %arg7[%dma_wait3A_383, %dma_wait3A_384, %dma_wait3A_385] : memref<2x16x125xi32, #tpu.memory_space<vmem>> -> memref<1x16x125xi32, #tpu.memory_space<vmem>>
    %dma_wait3A_387 = tpu.memref_squeeze %dma_wait3A_386 : memref<1x16x125xi32, #tpu.memory_space<vmem>> -> memref<16x125xi32, #tpu.memory_space<vmem>>
    %dma_wait3A_388 = arith.constant 32 : i32
    %dma_wait3A_389 = arith.constant 0 : i32
    %dma_wait3A_390 = tpu.memref_slice %arg4[%add3A, %dma_wait3A_388, %dma_wait3A_389] : memref<32x80x125xi32, #tpu.memory_space<hbm>> -> memref<1x16x125xi32, #tpu.memory_space<hbm>>
    %dma_wait3A_391 = tpu.memref_squeeze %dma_wait3A_390 : memref<1x16x125xi32, #tpu.memory_space<hbm>> -> memref<16x125xi32, #tpu.memory_space<hbm>>
    %dma_wait3A_392 = arith.constant 0 : i32
    %dma_wait3A_393 = arith.constant 0 : i32
    %dma_wait3A_394 = tpu.memref_slice %arg7[%dma_wait3A_383, %dma_wait3A_392, %dma_wait3A_393] : memref<2x16x125xi32, #tpu.memory_space<vmem>> -> memref<1x16x125xi32, #tpu.memory_space<vmem>>
    %dma_wait3A_395 = tpu.memref_squeeze %dma_wait3A_394 : memref<1x16x125xi32, #tpu.memory_space<vmem>> -> memref<16x125xi32, #tpu.memory_space<vmem>>
    %dma_wait3A_396 = arith.constant 32 : i32
    %dma_wait3A_397 = arith.constant 0 : i32
    %dma_wait3A_398 = tpu.memref_slice %arg4[%add3A, %dma_wait3A_396, %dma_wait3A_397] : memref<32x80x125xi32, #tpu.memory_space<hbm>> -> memref<1x16x125xi32, #tpu.memory_space<hbm>>
    %dma_wait3A_399 = tpu.memref_squeeze %dma_wait3A_398 : memref<1x16x125xi32, #tpu.memory_space<hbm>> -> memref<16x125xi32, #tpu.memory_space<hbm>>
    tpu.wait_dma2 semaphore(%arg13 : memref<!tpu.dma_semaphore, #tpu.memory_space<semaphore_mem>>) src(%dma_wait3A_399 : memref<16x125xi32, #tpu.memory_space<hbm>>) dst(%dma_wait3A_395 : memref<16x125xi32, #tpu.memory_space<vmem>>)
    %dma_start3A_400 = arith.constant 0 : i32
    %dma_start3A_401 = arith.constant 0 : i32
    %dma_start3A_402 = arith.constant 0 : i32
    %dma_start3A_403 = arith.constant 0 : i32
    %dma_start3A_404 = tpu.memref_slice %arg8[%dma_start3A_402, %dma_start3A_403] : memref<128x128xf32, #tpu.memory_space<vmem>> -> memref<125x128xf32, #tpu.memory_space<vmem>>
    %dma_start3A_405 = arith.constant 0 : i32
    %dma_start3A_406 = arith.constant 0 : i32
    %dma_start3A_407 = tpu.memref_slice %arg6[%dma_start3A_400, %dma_start3A_405, %dma_start3A_406] : memref<2x16x125xi32, #tpu.memory_space<vmem>> -> memref<1x16x125xi32, #tpu.memory_space<vmem>>
    %dma_start3A_408 = tpu.memref_squeeze %dma_start3A_407 : memref<1x16x125xi32, #tpu.memory_space<vmem>> -> memref<16x125xi32, #tpu.memory_space<vmem>>
    %dma_start3A_409 = arith.constant 0 : i32
    %dma_start3A_410 = tpu.memref_slice %dma_start3A_408[%dma_start3A_401, %dma_start3A_409] : memref<16x125xi32, #tpu.memory_space<vmem>> -> memref<1x125xi32, #tpu.memory_space<vmem>>
    %dma_start3A_411 = tpu.memref_squeeze %dma_start3A_410 : memref<1x125xi32, #tpu.memory_space<vmem>> -> memref<125xi32, #tpu.memory_space<vmem>>
    %dma_start3A_412 = arith.constant 0 : i32
    %dma_start3A_413 = arith.constant 0 : i32
    %dma_start3A_414 = tpu.memref_slice %arg2[%dma_start3A_412, %dma_start3A_413] : memref<10000x128xf32, #tpu.memory_space<hbm>> -> memref<10000x128xf32, #tpu.memory_space<hbm>>
    tpu.enqueue_indirect_dma source(%dma_start3A_414 : memref<10000x128xf32, #tpu.memory_space<hbm>>) target(%dma_start3A_404 : memref<125x128xf32, #tpu.memory_space<vmem>>) offsets(%dma_start3A_411 : memref<125xi32, #tpu.memory_space<vmem>>) semaphore(%arg11 : memref<!tpu.dma_semaphore, #tpu.memory_space<semaphore_mem>>)
    %run_scoped3A_415 = arith.constant 1 : i32
    %run_scoped3A_416 = arith.constant 15 : i32
    "tpu.region"() ({
      %run_scoped3A_737 = tpu.sem_alloc : memref<!tpu.dma_semaphore, #tpu.memory_space<semaphore_mem>>
      %dma_start3A_738 = arith.constant 0 : i32
      %dma_start3A_739 = arith.constant 0 : i32
      %dma_start3A_740 = tpu.memref_slice %arg7[%run_scoped3A_415, %dma_start3A_738, %dma_start3A_739] : memref<2x16x125xi32, #tpu.memory_space<vmem>> -> memref<1x16x125xi32, #tpu.memory_space<vmem>>
      %dma_start3A_741 = tpu.memref_squeeze %dma_start3A_740 : memref<1x16x125xi32, #tpu.memory_space<vmem>> -> memref<16x125xi32, #tpu.memory_space<vmem>>
      %dma_start3A_742 = arith.constant 0 : i32
      %dma_start3A_743 = tpu.memref_slice %dma_start3A_741[%run_scoped3A_416, %dma_start3A_742] : memref<16x125xi32, #tpu.memory_space<vmem>> -> memref<1x125xi32, #tpu.memory_space<vmem>>
      %dma_start3A_744 = tpu.memref_squeeze %dma_start3A_743 : memref<1x125xi32, #tpu.memory_space<vmem>> -> memref<125xi32, #tpu.memory_space<vmem>>
      %dma_start3A_745 = arith.constant 0 : i32
      %dma_start3A_746 = arith.constant 0 : i32
      %dma_start3A_747 = tpu.memref_slice %arg10[%dma_start3A_745, %dma_start3A_746] : memref<10240x128xf32, #tpu.memory_space<vmem_shared>> -> memref<10240x128xf32, #tpu.memory_space<vmem_shared>>
      tpu.enqueue_indirect_dma source(%arg9 : memref<125x128xf32, #tpu.memory_space<vmem>>) target(%dma_start3A_747 : memref<10240x128xf32, #tpu.memory_space<vmem_shared>>) offsets(%dma_start3A_744 : memref<125xi32, #tpu.memory_space<vmem>>) semaphore(%run_scoped3A_737 : memref<!tpu.dma_semaphore, #tpu.memory_space<semaphore_mem>>) {add = true}
      %dma_wait3A_748 = arith.constant 0 : i32
      %dma_wait3A_749 = arith.constant 0 : i32
      %dma_wait3A_750 = tpu.memref_slice %arg7[%run_scoped3A_415, %dma_wait3A_748, %dma_wait3A_749] : memref<2x16x125xi32, #tpu.memory_space<vmem>> -> memref<1x16x125xi32, #tpu.memory_space<vmem>>
      %dma_wait3A_751 = tpu.memref_squeeze %dma_wait3A_750 : memref<1x16x125xi32, #tpu.memory_space<vmem>> -> memref<16x125xi32, #tpu.memory_space<vmem>>
      %dma_wait3A_752 = arith.constant 0 : i32
      %dma_wait3A_753 = tpu.memref_slice %dma_wait3A_751[%run_scoped3A_416, %dma_wait3A_752] : memref<16x125xi32, #tpu.memory_space<vmem>> -> memref<1x125xi32, #tpu.memory_space<vmem>>
      %dma_wait3A_754 = tpu.memref_squeeze %dma_wait3A_753 : memref<1x125xi32, #tpu.memory_space<vmem>> -> memref<125xi32, #tpu.memory_space<vmem>>
      %dma_wait3A_755 = arith.constant 0 : i32
      %dma_wait3A_756 = arith.constant 0 : i32
      %dma_wait3A_757 = tpu.memref_slice %arg10[%dma_wait3A_755, %dma_wait3A_756] : memref<10240x128xf32, #tpu.memory_space<vmem_shared>> -> memref<10240x128xf32, #tpu.memory_space<vmem_shared>>
      tpu.wait_indirect_dma semaphore(%run_scoped3A_737 : memref<!tpu.dma_semaphore, #tpu.memory_space<semaphore_mem>>) src(%arg9 : memref<125x128xf32, #tpu.memory_space<vmem>>) dst(%dma_wait3A_757 : memref<10240x128xf32, #tpu.memory_space<vmem_shared>>)
      tpu.yield
    }) : () -> ()
    %dma_start3A_417 = arith.constant 1 : i32
    %dma_start3A_418 = arith.constant 0 : i32
    %dma_start3A_419 = arith.constant 0 : i32
    %dma_start3A_420 = tpu.memref_slice %arg6[%dma_start3A_417, %dma_start3A_418, %dma_start3A_419] : memref<2x16x125xi32, #tpu.memory_space<vmem>> -> memref<1x16x125xi32, #tpu.memory_space<vmem>>
    %dma_start3A_421 = tpu.memref_squeeze %dma_start3A_420 : memref<1x16x125xi32, #tpu.memory_space<vmem>> -> memref<16x125xi32, #tpu.memory_space<vmem>>
    %dma_start3A_422 = arith.constant 48 : i32
    %dma_start3A_423 = arith.constant 0 : i32
    %dma_start3A_424 = tpu.memref_slice %arg3[%add3A, %dma_start3A_422, %dma_start3A_423] : memref<32x80x125xi32, #tpu.memory_space<hbm>> -> memref<1x16x125xi32, #tpu.memory_space<hbm>>
    %dma_start3A_425 = tpu.memref_squeeze %dma_start3A_424 : memref<1x16x125xi32, #tpu.memory_space<hbm>> -> memref<16x125xi32, #tpu.memory_space<hbm>>
    %dma_start3A_426 = arith.constant 0 : i32
    %dma_start3A_427 = arith.constant 0 : i32
    %dma_start3A_428 = tpu.memref_slice %arg6[%dma_start3A_417, %dma_start3A_426, %dma_start3A_427] : memref<2x16x125xi32, #tpu.memory_space<vmem>> -> memref<1x16x125xi32, #tpu.memory_space<vmem>>
    %dma_start3A_429 = tpu.memref_squeeze %dma_start3A_428 : memref<1x16x125xi32, #tpu.memory_space<vmem>> -> memref<16x125xi32, #tpu.memory_space<vmem>>
    %dma_start3A_430 = arith.constant 48 : i32
    %dma_start3A_431 = arith.constant 0 : i32
    %dma_start3A_432 = tpu.memref_slice %arg3[%add3A, %dma_start3A_430, %dma_start3A_431] : memref<32x80x125xi32, #tpu.memory_space<hbm>> -> memref<1x16x125xi32, #tpu.memory_space<hbm>>
    %dma_start3A_433 = tpu.memref_squeeze %dma_start3A_432 : memref<1x16x125xi32, #tpu.memory_space<hbm>> -> memref<16x125xi32, #tpu.memory_space<hbm>>
    tpu.enqueue_dma source(%dma_start3A_433 : memref<16x125xi32, #tpu.memory_space<hbm>>) target(%dma_start3A_429 : memref<16x125xi32, #tpu.memory_space<vmem>>) target_semaphore(%arg13 : memref<!tpu.dma_semaphore, #tpu.memory_space<semaphore_mem>>)
    %dma_start3A_434 = arith.constant 1 : i32
    %dma_start3A_435 = arith.constant 0 : i32
    %dma_start3A_436 = arith.constant 0 : i32
    %dma_start3A_437 = tpu.memref_slice %arg7[%dma_start3A_434, %dma_start3A_435, %dma_start3A_436] : memref<2x16x125xi32, #tpu.memory_space<vmem>> -> memref<1x16x125xi32, #tpu.memory_space<vmem>>
    %dma_start3A_438 = tpu.memref_squeeze %dma_start3A_437 : memref<1x16x125xi32, #tpu.memory_space<vmem>> -> memref<16x125xi32, #tpu.memory_space<vmem>>
    %dma_start3A_439 = arith.constant 48 : i32
    %dma_start3A_440 = arith.constant 0 : i32
    %dma_start3A_441 = tpu.memref_slice %arg4[%add3A, %dma_start3A_439, %dma_start3A_440] : memref<32x80x125xi32, #tpu.memory_space<hbm>> -> memref<1x16x125xi32, #tpu.memory_space<hbm>>
    %dma_start3A_442 = tpu.memref_squeeze %dma_start3A_441 : memref<1x16x125xi32, #tpu.memory_space<hbm>> -> memref<16x125xi32, #tpu.memory_space<hbm>>
    %dma_start3A_443 = arith.constant 0 : i32
    %dma_start3A_444 = arith.constant 0 : i32
    %dma_start3A_445 = tpu.memref_slice %arg7[%dma_start3A_434, %dma_start3A_443, %dma_start3A_444] : memref<2x16x125xi32, #tpu.memory_space<vmem>> -> memref<1x16x125xi32, #tpu.memory_space<vmem>>
    %dma_start3A_446 = tpu.memref_squeeze %dma_start3A_445 : memref<1x16x125xi32, #tpu.memory_space<vmem>> -> memref<16x125xi32, #tpu.memory_space<vmem>>
    %dma_start3A_447 = arith.constant 48 : i32
    %dma_start3A_448 = arith.constant 0 : i32
    %dma_start3A_449 = tpu.memref_slice %arg4[%add3A, %dma_start3A_447, %dma_start3A_448] : memref<32x80x125xi32, #tpu.memory_space<hbm>> -> memref<1x16x125xi32, #tpu.memory_space<hbm>>
    %dma_start3A_450 = tpu.memref_squeeze %dma_start3A_449 : memref<1x16x125xi32, #tpu.memory_space<hbm>> -> memref<16x125xi32, #tpu.memory_space<hbm>>
    tpu.enqueue_dma source(%dma_start3A_450 : memref<16x125xi32, #tpu.memory_space<hbm>>) target(%dma_start3A_446 : memref<16x125xi32, #tpu.memory_space<vmem>>) target_semaphore(%arg13 : memref<!tpu.dma_semaphore, #tpu.memory_space<semaphore_mem>>)
    %scan3A_451 = arith.constant 0 : i32
    %scan3A_452 = arith.constant 0 : i32
    %scan3A_453 = arith.constant 0 : i32
    %scan3A_454 = arith.constant 0 : i32
    %scan3A_455 = arith.constant 7 : i32
    %scan3A_456 = arith.addi %scan3A_454, %scan3A_455 : i32
    %scan3A_457 = arith.constant 1 : i32
    scf.for %scan3A_737 = %scan3A_454 to %scan3A_456 step %scan3A_457  : i32 {
      %mul3A_738 = arith.constant 2 : i32
      %mul3A_739 = arith.muli %mul3A_738, %scan3A_737 : i32
      %dma_wait3A_740 = arith.constant 0 : i32
      %dma_wait3A_741 = arith.constant 0 : i32
      %dma_wait3A_742 = tpu.memref_slice %arg8[%dma_wait3A_740, %dma_wait3A_741] : memref<128x128xf32, #tpu.memory_space<vmem>> -> memref<125x128xf32, #tpu.memory_space<vmem>>
      %dma_wait3A_743 = arith.constant 0 : i32
      %dma_wait3A_744 = arith.constant 0 : i32
      %dma_wait3A_745 = tpu.memref_slice %arg6[%scan3A_452, %dma_wait3A_743, %dma_wait3A_744] : memref<2x16x125xi32, #tpu.memory_space<vmem>> -> memref<1x16x125xi32, #tpu.memory_space<vmem>>
      %dma_wait3A_746 = tpu.memref_squeeze %dma_wait3A_745 : memref<1x16x125xi32, #tpu.memory_space<vmem>> -> memref<16x125xi32, #tpu.memory_space<vmem>>
      %dma_wait3A_747 = arith.constant 0 : i32
      %dma_wait3A_748 = tpu.memref_slice %dma_wait3A_746[%mul3A_739, %dma_wait3A_747] : memref<16x125xi32, #tpu.memory_space<vmem>> -> memref<1x125xi32, #tpu.memory_space<vmem>>
      %dma_wait3A_749 = tpu.memref_squeeze %dma_wait3A_748 : memref<1x125xi32, #tpu.memory_space<vmem>> -> memref<125xi32, #tpu.memory_space<vmem>>
      %dma_wait3A_750 = arith.constant 0 : i32
      %dma_wait3A_751 = arith.constant 0 : i32
      %dma_wait3A_752 = tpu.memref_slice %arg2[%dma_wait3A_750, %dma_wait3A_751] : memref<10000x128xf32, #tpu.memory_space<hbm>> -> memref<10000x128xf32, #tpu.memory_space<hbm>>
      tpu.wait_indirect_dma semaphore(%arg11 : memref<!tpu.dma_semaphore, #tpu.memory_space<semaphore_mem>>) src(%dma_wait3A_752 : memref<10000x128xf32, #tpu.memory_space<hbm>>) dst(%dma_wait3A_742 : memref<125x128xf32, #tpu.memory_space<vmem>>)
      %add3A_753 = arith.constant 1 : i32
      %add3A_754 = arith.addi %mul3A_739, %add3A_753 : i32
      %dma_start3A_755 = arith.constant 0 : i32
      %dma_start3A_756 = arith.constant 0 : i32
      %dma_start3A_757 = tpu.memref_slice %arg6[%scan3A_452, %dma_start3A_755, %dma_start3A_756] : memref<2x16x125xi32, #tpu.memory_space<vmem>> -> memref<1x16x125xi32, #tpu.memory_space<vmem>>
      %dma_start3A_758 = tpu.memref_squeeze %dma_start3A_757 : memref<1x16x125xi32, #tpu.memory_space<vmem>> -> memref<16x125xi32, #tpu.memory_space<vmem>>
      %dma_start3A_759 = arith.constant 0 : i32
      %dma_start3A_760 = tpu.memref_slice %dma_start3A_758[%add3A_754, %dma_start3A_759] : memref<16x125xi32, #tpu.memory_space<vmem>> -> memref<1x125xi32, #tpu.memory_space<vmem>>
      %dma_start3A_761 = tpu.memref_squeeze %dma_start3A_760 : memref<1x125xi32, #tpu.memory_space<vmem>> -> memref<125xi32, #tpu.memory_space<vmem>>
      %dma_start3A_762 = arith.constant 0 : i32
      %dma_start3A_763 = arith.constant 0 : i32
      %dma_start3A_764 = tpu.memref_slice %arg2[%dma_start3A_762, %dma_start3A_763] : memref<10000x128xf32, #tpu.memory_space<hbm>> -> memref<10000x128xf32, #tpu.memory_space<hbm>>
      tpu.enqueue_indirect_dma source(%dma_start3A_764 : memref<10000x128xf32, #tpu.memory_space<hbm>>) target(%arg9 : memref<125x128xf32, #tpu.memory_space<vmem>>) offsets(%dma_start3A_761 : memref<125xi32, #tpu.memory_space<vmem>>) semaphore(%arg12 : memref<!tpu.dma_semaphore, #tpu.memory_space<semaphore_mem>>)
      "tpu.region"() ({
        %run_scoped3A_794 = tpu.sem_alloc : memref<!tpu.dma_semaphore, #tpu.memory_space<semaphore_mem>>
        %dma_start3A_795 = arith.constant 0 : i32
        %dma_start3A_796 = arith.constant 0 : i32
        %dma_start3A_797 = tpu.memref_slice %arg8[%dma_start3A_795, %dma_start3A_796] : memref<128x128xf32, #tpu.memory_space<vmem>> -> memref<125x128xf32, #tpu.memory_space<vmem>>
        %dma_start3A_798 = arith.constant 0 : i32
        %dma_start3A_799 = arith.constant 0 : i32
        %dma_start3A_800 = tpu.memref_slice %arg7[%scan3A_453, %dma_start3A_798, %dma_start3A_799] : memref<2x16x125xi32, #tpu.memory_space<vmem>> -> memref<1x16x125xi32, #tpu.memory_space<vmem>>
        %dma_start3A_801 = tpu.memref_squeeze %dma_start3A_800 : memref<1x16x125xi32, #tpu.memory_space<vmem>> -> memref<16x125xi32, #tpu.memory_space<vmem>>
        %dma_start3A_802 = arith.constant 0 : i32
        %dma_start3A_803 = tpu.memref_slice %dma_start3A_801[%mul3A_739, %dma_start3A_802] : memref<16x125xi32, #tpu.memory_space<vmem>> -> memref<1x125xi32, #tpu.memory_space<vmem>>
        %dma_start3A_804 = tpu.memref_squeeze %dma_start3A_803 : memref<1x125xi32, #tpu.memory_space<vmem>> -> memref<125xi32, #tpu.memory_space<vmem>>
        %dma_start3A_805 = arith.constant 0 : i32
        %dma_start3A_806 = arith.constant 0 : i32
        %dma_start3A_807 = tpu.memref_slice %arg10[%dma_start3A_805, %dma_start3A_806] : memref<10240x128xf32, #tpu.memory_space<vmem_shared>> -> memref<10240x128xf32, #tpu.memory_space<vmem_shared>>
        tpu.enqueue_indirect_dma source(%dma_start3A_797 : memref<125x128xf32, #tpu.memory_space<vmem>>) target(%dma_start3A_807 : memref<10240x128xf32, #tpu.memory_space<vmem_shared>>) offsets(%dma_start3A_804 : memref<125xi32, #tpu.memory_space<vmem>>) semaphore(%run_scoped3A_794 : memref<!tpu.dma_semaphore, #tpu.memory_space<semaphore_mem>>) {add = true}
        %dma_wait3A_808 = arith.constant 0 : i32
        %dma_wait3A_809 = arith.constant 0 : i32
        %dma_wait3A_810 = tpu.memref_slice %arg8[%dma_wait3A_808, %dma_wait3A_809] : memref<128x128xf32, #tpu.memory_space<vmem>> -> memref<125x128xf32, #tpu.memory_space<vmem>>
        %dma_wait3A_811 = arith.constant 0 : i32
        %dma_wait3A_812 = arith.constant 0 : i32
        %dma_wait3A_813 = tpu.memref_slice %arg7[%scan3A_453, %dma_wait3A_811, %dma_wait3A_812] : memref<2x16x125xi32, #tpu.memory_space<vmem>> -> memref<1x16x125xi32, #tpu.memory_space<vmem>>
        %dma_wait3A_814 = tpu.memref_squeeze %dma_wait3A_813 : memref<1x16x125xi32, #tpu.memory_space<vmem>> -> memref<16x125xi32, #tpu.memory_space<vmem>>
        %dma_wait3A_815 = arith.constant 0 : i32
        %dma_wait3A_816 = tpu.memref_slice %dma_wait3A_814[%mul3A_739, %dma_wait3A_815] : memref<16x125xi32, #tpu.memory_space<vmem>> -> memref<1x125xi32, #tpu.memory_space<vmem>>
        %dma_wait3A_817 = tpu.memref_squeeze %dma_wait3A_816 : memref<1x125xi32, #tpu.memory_space<vmem>> -> memref<125xi32, #tpu.memory_space<vmem>>
        %dma_wait3A_818 = arith.constant 0 : i32
        %dma_wait3A_819 = arith.constant 0 : i32
        %dma_wait3A_820 = tpu.memref_slice %arg10[%dma_wait3A_818, %dma_wait3A_819] : memref<10240x128xf32, #tpu.memory_space<vmem_shared>> -> memref<10240x128xf32, #tpu.memory_space<vmem_shared>>
        tpu.wait_indirect_dma semaphore(%run_scoped3A_794 : memref<!tpu.dma_semaphore, #tpu.memory_space<semaphore_mem>>) src(%dma_wait3A_810 : memref<125x128xf32, #tpu.memory_space<vmem>>) dst(%dma_wait3A_820 : memref<10240x128xf32, #tpu.memory_space<vmem_shared>>)
        tpu.yield
      }) : () -> ()
      %add3A_765 = arith.constant 1 : i32
      %add3A_766 = arith.addi %mul3A_739, %add3A_765 : i32
      %dma_wait3A_767 = arith.constant 0 : i32
      %dma_wait3A_768 = arith.constant 0 : i32
      %dma_wait3A_769 = tpu.memref_slice %arg6[%scan3A_452, %dma_wait3A_767, %dma_wait3A_768] : memref<2x16x125xi32, #tpu.memory_space<vmem>> -> memref<1x16x125xi32, #tpu.memory_space<vmem>>
      %dma_wait3A_770 = tpu.memref_squeeze %dma_wait3A_769 : memref<1x16x125xi32, #tpu.memory_space<vmem>> -> memref<16x125xi32, #tpu.memory_space<vmem>>
      %dma_wait3A_771 = arith.constant 0 : i32
      %dma_wait3A_772 = tpu.memref_slice %dma_wait3A_770[%add3A_766, %dma_wait3A_771] : memref<16x125xi32, #tpu.memory_space<vmem>> -> memref<1x125xi32, #tpu.memory_space<vmem>>
      %dma_wait3A_773 = tpu.memref_squeeze %dma_wait3A_772 : memref<1x125xi32, #tpu.memory_space<vmem>> -> memref<125xi32, #tpu.memory_space<vmem>>
      %dma_wait3A_774 = arith.constant 0 : i32
      %dma_wait3A_775 = arith.constant 0 : i32
      %dma_wait3A_776 = tpu.memref_slice %arg2[%dma_wait3A_774, %dma_wait3A_775] : memref<10000x128xf32, #tpu.memory_space<hbm>> -> memref<10000x128xf32, #tpu.memory_space<hbm>>
      tpu.wait_indirect_dma semaphore(%arg12 : memref<!tpu.dma_semaphore, #tpu.memory_space<semaphore_mem>>) src(%dma_wait3A_776 : memref<10000x128xf32, #tpu.memory_space<hbm>>) dst(%arg9 : memref<125x128xf32, #tpu.memory_space<vmem>>)
      %add3A_777 = arith.constant 2 : i32
      %add3A_778 = arith.addi %mul3A_739, %add3A_777 : i32
      %dma_start3A_779 = arith.constant 0 : i32
      %dma_start3A_780 = arith.constant 0 : i32
      %dma_start3A_781 = tpu.memref_slice %arg8[%dma_start3A_779, %dma_start3A_780] : memref<128x128xf32, #tpu.memory_space<vmem>> -> memref<125x128xf32, #tpu.memory_space<vmem>>
      %dma_start3A_782 = arith.constant 0 : i32
      %dma_start3A_783 = arith.constant 0 : i32
      %dma_start3A_784 = tpu.memref_slice %arg6[%scan3A_452, %dma_start3A_782, %dma_start3A_783] : memref<2x16x125xi32, #tpu.memory_space<vmem>> -> memref<1x16x125xi32, #tpu.memory_space<vmem>>
      %dma_start3A_785 = tpu.memref_squeeze %dma_start3A_784 : memref<1x16x125xi32, #tpu.memory_space<vmem>> -> memref<16x125xi32, #tpu.memory_space<vmem>>
      %dma_start3A_786 = arith.constant 0 : i32
      %dma_start3A_787 = tpu.memref_slice %dma_start3A_785[%add3A_778, %dma_start3A_786] : memref<16x125xi32, #tpu.memory_space<vmem>> -> memref<1x125xi32, #tpu.memory_space<vmem>>
      %dma_start3A_788 = tpu.memref_squeeze %dma_start3A_787 : memref<1x125xi32, #tpu.memory_space<vmem>> -> memref<125xi32, #tpu.memory_space<vmem>>
      %dma_start3A_789 = arith.constant 0 : i32
      %dma_start3A_790 = arith.constant 0 : i32
      %dma_start3A_791 = tpu.memref_slice %arg2[%dma_start3A_789, %dma_start3A_790] : memref<10000x128xf32, #tpu.memory_space<hbm>> -> memref<10000x128xf32, #tpu.memory_space<hbm>>
      tpu.enqueue_indirect_dma source(%dma_start3A_791 : memref<10000x128xf32, #tpu.memory_space<hbm>>) target(%dma_start3A_781 : memref<125x128xf32, #tpu.memory_space<vmem>>) offsets(%dma_start3A_788 : memref<125xi32, #tpu.memory_space<vmem>>) semaphore(%arg11 : memref<!tpu.dma_semaphore, #tpu.memory_space<semaphore_mem>>)
      %add3A_792 = arith.constant 1 : i32
      %add3A_793 = arith.addi %mul3A_739, %add3A_792 : i32
      "tpu.region"() ({
        %run_scoped3A_794 = tpu.sem_alloc : memref<!tpu.dma_semaphore, #tpu.memory_space<semaphore_mem>>
        %dma_start3A_795 = arith.constant 0 : i32
        %dma_start3A_796 = arith.constant 0 : i32
        %dma_start3A_797 = tpu.memref_slice %arg7[%scan3A_453, %dma_start3A_795, %dma_start3A_796] : memref<2x16x125xi32, #tpu.memory_space<vmem>> -> memref<1x16x125xi32, #tpu.memory_space<vmem>>
        %dma_start3A_798 = tpu.memref_squeeze %dma_start3A_797 : memref<1x16x125xi32, #tpu.memory_space<vmem>> -> memref<16x125xi32, #tpu.memory_space<vmem>>
        %dma_start3A_799 = arith.constant 0 : i32
        %dma_start3A_800 = tpu.memref_slice %dma_start3A_798[%add3A_793, %dma_start3A_799] : memref<16x125xi32, #tpu.memory_space<vmem>> -> memref<1x125xi32, #tpu.memory_space<vmem>>
        %dma_start3A_801 = tpu.memref_squeeze %dma_start3A_800 : memref<1x125xi32, #tpu.memory_space<vmem>> -> memref<125xi32, #tpu.memory_space<vmem>>
        %dma_start3A_802 = arith.constant 0 : i32
        %dma_start3A_803 = arith.constant 0 : i32
        %dma_start3A_804 = tpu.memref_slice %arg10[%dma_start3A_802, %dma_start3A_803] : memref<10240x128xf32, #tpu.memory_space<vmem_shared>> -> memref<10240x128xf32, #tpu.memory_space<vmem_shared>>
        tpu.enqueue_indirect_dma source(%arg9 : memref<125x128xf32, #tpu.memory_space<vmem>>) target(%dma_start3A_804 : memref<10240x128xf32, #tpu.memory_space<vmem_shared>>) offsets(%dma_start3A_801 : memref<125xi32, #tpu.memory_space<vmem>>) semaphore(%run_scoped3A_794 : memref<!tpu.dma_semaphore, #tpu.memory_space<semaphore_mem>>) {add = true}
        %dma_wait3A_805 = arith.constant 0 : i32
        %dma_wait3A_806 = arith.constant 0 : i32
        %dma_wait3A_807 = tpu.memref_slice %arg7[%scan3A_453, %dma_wait3A_805, %dma_wait3A_806] : memref<2x16x125xi32, #tpu.memory_space<vmem>> -> memref<1x16x125xi32, #tpu.memory_space<vmem>>
        %dma_wait3A_808 = tpu.memref_squeeze %dma_wait3A_807 : memref<1x16x125xi32, #tpu.memory_space<vmem>> -> memref<16x125xi32, #tpu.memory_space<vmem>>
        %dma_wait3A_809 = arith.constant 0 : i32
        %dma_wait3A_810 = tpu.memref_slice %dma_wait3A_808[%add3A_793, %dma_wait3A_809] : memref<16x125xi32, #tpu.memory_space<vmem>> -> memref<1x125xi32, #tpu.memory_space<vmem>>
        %dma_wait3A_811 = tpu.memref_squeeze %dma_wait3A_810 : memref<1x125xi32, #tpu.memory_space<vmem>> -> memref<125xi32, #tpu.memory_space<vmem>>
        %dma_wait3A_812 = arith.constant 0 : i32
        %dma_wait3A_813 = arith.constant 0 : i32
        %dma_wait3A_814 = tpu.memref_slice %arg10[%dma_wait3A_812, %dma_wait3A_813] : memref<10240x128xf32, #tpu.memory_space<vmem_shared>> -> memref<10240x128xf32, #tpu.memory_space<vmem_shared>>
        tpu.wait_indirect_dma semaphore(%run_scoped3A_794 : memref<!tpu.dma_semaphore, #tpu.memory_space<semaphore_mem>>) src(%arg9 : memref<125x128xf32, #tpu.memory_space<vmem>>) dst(%dma_wait3A_814 : memref<10240x128xf32, #tpu.memory_space<vmem_shared>>)
        tpu.yield
      }) : () -> ()
    }
    %scan3A_458 = arith.constant 7 : i32
    %dma_wait3A_459 = arith.constant 0 : i32
    %dma_wait3A_460 = arith.constant 14 : i32
    %dma_wait3A_461 = arith.constant 0 : i32
    %dma_wait3A_462 = arith.constant 0 : i32
    %dma_wait3A_463 = tpu.memref_slice %arg8[%dma_wait3A_461, %dma_wait3A_462] : memref<128x128xf32, #tpu.memory_space<vmem>> -> memref<125x128xf32, #tpu.memory_space<vmem>>
    %dma_wait3A_464 = arith.constant 0 : i32
    %dma_wait3A_465 = arith.constant 0 : i32
    %dma_wait3A_466 = tpu.memref_slice %arg6[%dma_wait3A_459, %dma_wait3A_464, %dma_wait3A_465] : memref<2x16x125xi32, #tpu.memory_space<vmem>> -> memref<1x16x125xi32, #tpu.memory_space<vmem>>
    %dma_wait3A_467 = tpu.memref_squeeze %dma_wait3A_466 : memref<1x16x125xi32, #tpu.memory_space<vmem>> -> memref<16x125xi32, #tpu.memory_space<vmem>>
    %dma_wait3A_468 = arith.constant 0 : i32
    %dma_wait3A_469 = tpu.memref_slice %dma_wait3A_467[%dma_wait3A_460, %dma_wait3A_468] : memref<16x125xi32, #tpu.memory_space<vmem>> -> memref<1x125xi32, #tpu.memory_space<vmem>>
    %dma_wait3A_470 = tpu.memref_squeeze %dma_wait3A_469 : memref<1x125xi32, #tpu.memory_space<vmem>> -> memref<125xi32, #tpu.memory_space<vmem>>
    %dma_wait3A_471 = arith.constant 0 : i32
    %dma_wait3A_472 = arith.constant 0 : i32
    %dma_wait3A_473 = tpu.memref_slice %arg2[%dma_wait3A_471, %dma_wait3A_472] : memref<10000x128xf32, #tpu.memory_space<hbm>> -> memref<10000x128xf32, #tpu.memory_space<hbm>>
    tpu.wait_indirect_dma semaphore(%arg11 : memref<!tpu.dma_semaphore, #tpu.memory_space<semaphore_mem>>) src(%dma_wait3A_473 : memref<10000x128xf32, #tpu.memory_space<hbm>>) dst(%dma_wait3A_463 : memref<125x128xf32, #tpu.memory_space<vmem>>)
    %dma_start3A_474 = arith.constant 0 : i32
    %dma_start3A_475 = arith.constant 15 : i32
    %dma_start3A_476 = arith.constant 0 : i32
    %dma_start3A_477 = arith.constant 0 : i32
    %dma_start3A_478 = tpu.memref_slice %arg6[%dma_start3A_474, %dma_start3A_476, %dma_start3A_477] : memref<2x16x125xi32, #tpu.memory_space<vmem>> -> memref<1x16x125xi32, #tpu.memory_space<vmem>>
    %dma_start3A_479 = tpu.memref_squeeze %dma_start3A_478 : memref<1x16x125xi32, #tpu.memory_space<vmem>> -> memref<16x125xi32, #tpu.memory_space<vmem>>
    %dma_start3A_480 = arith.constant 0 : i32
    %dma_start3A_481 = tpu.memref_slice %dma_start3A_479[%dma_start3A_475, %dma_start3A_480] : memref<16x125xi32, #tpu.memory_space<vmem>> -> memref<1x125xi32, #tpu.memory_space<vmem>>
    %dma_start3A_482 = tpu.memref_squeeze %dma_start3A_481 : memref<1x125xi32, #tpu.memory_space<vmem>> -> memref<125xi32, #tpu.memory_space<vmem>>
    %dma_start3A_483 = arith.constant 0 : i32
    %dma_start3A_484 = arith.constant 0 : i32
    %dma_start3A_485 = tpu.memref_slice %arg2[%dma_start3A_483, %dma_start3A_484] : memref<10000x128xf32, #tpu.memory_space<hbm>> -> memref<10000x128xf32, #tpu.memory_space<hbm>>
    tpu.enqueue_indirect_dma source(%dma_start3A_485 : memref<10000x128xf32, #tpu.memory_space<hbm>>) target(%arg9 : memref<125x128xf32, #tpu.memory_space<vmem>>) offsets(%dma_start3A_482 : memref<125xi32, #tpu.memory_space<vmem>>) semaphore(%arg12 : memref<!tpu.dma_semaphore, #tpu.memory_space<semaphore_mem>>)
    %run_scoped3A_486 = arith.constant 0 : i32
    %run_scoped3A_487 = arith.constant 14 : i32
    "tpu.region"() ({
      %run_scoped3A_737 = tpu.sem_alloc : memref<!tpu.dma_semaphore, #tpu.memory_space<semaphore_mem>>
      %dma_start3A_738 = arith.constant 0 : i32
      %dma_start3A_739 = arith.constant 0 : i32
      %dma_start3A_740 = tpu.memref_slice %arg8[%dma_start3A_738, %dma_start3A_739] : memref<128x128xf32, #tpu.memory_space<vmem>> -> memref<125x128xf32, #tpu.memory_space<vmem>>
      %dma_start3A_741 = arith.constant 0 : i32
      %dma_start3A_742 = arith.constant 0 : i32
      %dma_start3A_743 = tpu.memref_slice %arg7[%run_scoped3A_486, %dma_start3A_741, %dma_start3A_742] : memref<2x16x125xi32, #tpu.memory_space<vmem>> -> memref<1x16x125xi32, #tpu.memory_space<vmem>>
      %dma_start3A_744 = tpu.memref_squeeze %dma_start3A_743 : memref<1x16x125xi32, #tpu.memory_space<vmem>> -> memref<16x125xi32, #tpu.memory_space<vmem>>
      %dma_start3A_745 = arith.constant 0 : i32
      %dma_start3A_746 = tpu.memref_slice %dma_start3A_744[%run_scoped3A_487, %dma_start3A_745] : memref<16x125xi32, #tpu.memory_space<vmem>> -> memref<1x125xi32, #tpu.memory_space<vmem>>
      %dma_start3A_747 = tpu.memref_squeeze %dma_start3A_746 : memref<1x125xi32, #tpu.memory_space<vmem>> -> memref<125xi32, #tpu.memory_space<vmem>>
      %dma_start3A_748 = arith.constant 0 : i32
      %dma_start3A_749 = arith.constant 0 : i32
      %dma_start3A_750 = tpu.memref_slice %arg10[%dma_start3A_748, %dma_start3A_749] : memref<10240x128xf32, #tpu.memory_space<vmem_shared>> -> memref<10240x128xf32, #tpu.memory_space<vmem_shared>>
      tpu.enqueue_indirect_dma source(%dma_start3A_740 : memref<125x128xf32, #tpu.memory_space<vmem>>) target(%dma_start3A_750 : memref<10240x128xf32, #tpu.memory_space<vmem_shared>>) offsets(%dma_start3A_747 : memref<125xi32, #tpu.memory_space<vmem>>) semaphore(%run_scoped3A_737 : memref<!tpu.dma_semaphore, #tpu.memory_space<semaphore_mem>>) {add = true}
      %dma_wait3A_751 = arith.constant 0 : i32
      %dma_wait3A_752 = arith.constant 0 : i32
      %dma_wait3A_753 = tpu.memref_slice %arg8[%dma_wait3A_751, %dma_wait3A_752] : memref<128x128xf32, #tpu.memory_space<vmem>> -> memref<125x128xf32, #tpu.memory_space<vmem>>
      %dma_wait3A_754 = arith.constant 0 : i32
      %dma_wait3A_755 = arith.constant 0 : i32
      %dma_wait3A_756 = tpu.memref_slice %arg7[%run_scoped3A_486, %dma_wait3A_754, %dma_wait3A_755] : memref<2x16x125xi32, #tpu.memory_space<vmem>> -> memref<1x16x125xi32, #tpu.memory_space<vmem>>
      %dma_wait3A_757 = tpu.memref_squeeze %dma_wait3A_756 : memref<1x16x125xi32, #tpu.memory_space<vmem>> -> memref<16x125xi32, #tpu.memory_space<vmem>>
      %dma_wait3A_758 = arith.constant 0 : i32
      %dma_wait3A_759 = tpu.memref_slice %dma_wait3A_757[%run_scoped3A_487, %dma_wait3A_758] : memref<16x125xi32, #tpu.memory_space<vmem>> -> memref<1x125xi32, #tpu.memory_space<vmem>>
      %dma_wait3A_760 = tpu.memref_squeeze %dma_wait3A_759 : memref<1x125xi32, #tpu.memory_space<vmem>> -> memref<125xi32, #tpu.memory_space<vmem>>
      %dma_wait3A_761 = arith.constant 0 : i32
      %dma_wait3A_762 = arith.constant 0 : i32
      %dma_wait3A_763 = tpu.memref_slice %arg10[%dma_wait3A_761, %dma_wait3A_762] : memref<10240x128xf32, #tpu.memory_space<vmem_shared>> -> memref<10240x128xf32, #tpu.memory_space<vmem_shared>>
      tpu.wait_indirect_dma semaphore(%run_scoped3A_737 : memref<!tpu.dma_semaphore, #tpu.memory_space<semaphore_mem>>) src(%dma_wait3A_753 : memref<125x128xf32, #tpu.memory_space<vmem>>) dst(%dma_wait3A_763 : memref<10240x128xf32, #tpu.memory_space<vmem_shared>>)
      tpu.yield
    }) : () -> ()
    %dma_wait3A_488 = arith.constant 0 : i32
    %dma_wait3A_489 = arith.constant 15 : i32
    %dma_wait3A_490 = arith.constant 0 : i32
    %dma_wait3A_491 = arith.constant 0 : i32
    %dma_wait3A_492 = tpu.memref_slice %arg6[%dma_wait3A_488, %dma_wait3A_490, %dma_wait3A_491] : memref<2x16x125xi32, #tpu.memory_space<vmem>> -> memref<1x16x125xi32, #tpu.memory_space<vmem>>
    %dma_wait3A_493 = tpu.memref_squeeze %dma_wait3A_492 : memref<1x16x125xi32, #tpu.memory_space<vmem>> -> memref<16x125xi32, #tpu.memory_space<vmem>>
    %dma_wait3A_494 = arith.constant 0 : i32
    %dma_wait3A_495 = tpu.memref_slice %dma_wait3A_493[%dma_wait3A_489, %dma_wait3A_494] : memref<16x125xi32, #tpu.memory_space<vmem>> -> memref<1x125xi32, #tpu.memory_space<vmem>>
    %dma_wait3A_496 = tpu.memref_squeeze %dma_wait3A_495 : memref<1x125xi32, #tpu.memory_space<vmem>> -> memref<125xi32, #tpu.memory_space<vmem>>
    %dma_wait3A_497 = arith.constant 0 : i32
    %dma_wait3A_498 = arith.constant 0 : i32
    %dma_wait3A_499 = tpu.memref_slice %arg2[%dma_wait3A_497, %dma_wait3A_498] : memref<10000x128xf32, #tpu.memory_space<hbm>> -> memref<10000x128xf32, #tpu.memory_space<hbm>>
    tpu.wait_indirect_dma semaphore(%arg12 : memref<!tpu.dma_semaphore, #tpu.memory_space<semaphore_mem>>) src(%dma_wait3A_499 : memref<10000x128xf32, #tpu.memory_space<hbm>>) dst(%arg9 : memref<125x128xf32, #tpu.memory_space<vmem>>)
    %dma_wait3A_500 = arith.constant 1 : i32
    %dma_wait3A_501 = arith.constant 0 : i32
    %dma_wait3A_502 = arith.constant 0 : i32
    %dma_wait3A_503 = tpu.memref_slice %arg6[%dma_wait3A_500, %dma_wait3A_501, %dma_wait3A_502] : memref<2x16x125xi32, #tpu.memory_space<vmem>> -> memref<1x16x125xi32, #tpu.memory_space<vmem>>
    %dma_wait3A_504 = tpu.memref_squeeze %dma_wait3A_503 : memref<1x16x125xi32, #tpu.memory_space<vmem>> -> memref<16x125xi32, #tpu.memory_space<vmem>>
    %dma_wait3A_505 = arith.constant 48 : i32
    %dma_wait3A_506 = arith.constant 0 : i32
    %dma_wait3A_507 = tpu.memref_slice %arg3[%add3A, %dma_wait3A_505, %dma_wait3A_506] : memref<32x80x125xi32, #tpu.memory_space<hbm>> -> memref<1x16x125xi32, #tpu.memory_space<hbm>>
    %dma_wait3A_508 = tpu.memref_squeeze %dma_wait3A_507 : memref<1x16x125xi32, #tpu.memory_space<hbm>> -> memref<16x125xi32, #tpu.memory_space<hbm>>
    %dma_wait3A_509 = arith.constant 0 : i32
    %dma_wait3A_510 = arith.constant 0 : i32
    %dma_wait3A_511 = tpu.memref_slice %arg6[%dma_wait3A_500, %dma_wait3A_509, %dma_wait3A_510] : memref<2x16x125xi32, #tpu.memory_space<vmem>> -> memref<1x16x125xi32, #tpu.memory_space<vmem>>
    %dma_wait3A_512 = tpu.memref_squeeze %dma_wait3A_511 : memref<1x16x125xi32, #tpu.memory_space<vmem>> -> memref<16x125xi32, #tpu.memory_space<vmem>>
    %dma_wait3A_513 = arith.constant 48 : i32
    %dma_wait3A_514 = arith.constant 0 : i32
    %dma_wait3A_515 = tpu.memref_slice %arg3[%add3A, %dma_wait3A_513, %dma_wait3A_514] : memref<32x80x125xi32, #tpu.memory_space<hbm>> -> memref<1x16x125xi32, #tpu.memory_space<hbm>>
    %dma_wait3A_516 = tpu.memref_squeeze %dma_wait3A_515 : memref<1x16x125xi32, #tpu.memory_space<hbm>> -> memref<16x125xi32, #tpu.memory_space<hbm>>
    tpu.wait_dma2 semaphore(%arg13 : memref<!tpu.dma_semaphore, #tpu.memory_space<semaphore_mem>>) src(%dma_wait3A_516 : memref<16x125xi32, #tpu.memory_space<hbm>>) dst(%dma_wait3A_512 : memref<16x125xi32, #tpu.memory_space<vmem>>)
    %dma_wait3A_517 = arith.constant 1 : i32
    %dma_wait3A_518 = arith.constant 0 : i32
    %dma_wait3A_519 = arith.constant 0 : i32
    %dma_wait3A_520 = tpu.memref_slice %arg7[%dma_wait3A_517, %dma_wait3A_518, %dma_wait3A_519] : memref<2x16x125xi32, #tpu.memory_space<vmem>> -> memref<1x16x125xi32, #tpu.memory_space<vmem>>
    %dma_wait3A_521 = tpu.memref_squeeze %dma_wait3A_520 : memref<1x16x125xi32, #tpu.memory_space<vmem>> -> memref<16x125xi32, #tpu.memory_space<vmem>>
    %dma_wait3A_522 = arith.constant 48 : i32
    %dma_wait3A_523 = arith.constant 0 : i32
    %dma_wait3A_524 = tpu.memref_slice %arg4[%add3A, %dma_wait3A_522, %dma_wait3A_523] : memref<32x80x125xi32, #tpu.memory_space<hbm>> -> memref<1x16x125xi32, #tpu.memory_space<hbm>>
    %dma_wait3A_525 = tpu.memref_squeeze %dma_wait3A_524 : memref<1x16x125xi32, #tpu.memory_space<hbm>> -> memref<16x125xi32, #tpu.memory_space<hbm>>
    %dma_wait3A_526 = arith.constant 0 : i32
    %dma_wait3A_527 = arith.constant 0 : i32
    %dma_wait3A_528 = tpu.memref_slice %arg7[%dma_wait3A_517, %dma_wait3A_526, %dma_wait3A_527] : memref<2x16x125xi32, #tpu.memory_space<vmem>> -> memref<1x16x125xi32, #tpu.memory_space<vmem>>
    %dma_wait3A_529 = tpu.memref_squeeze %dma_wait3A_528 : memref<1x16x125xi32, #tpu.memory_space<vmem>> -> memref<16x125xi32, #tpu.memory_space<vmem>>
    %dma_wait3A_530 = arith.constant 48 : i32
    %dma_wait3A_531 = arith.constant 0 : i32
    %dma_wait3A_532 = tpu.memref_slice %arg4[%add3A, %dma_wait3A_530, %dma_wait3A_531] : memref<32x80x125xi32, #tpu.memory_space<hbm>> -> memref<1x16x125xi32, #tpu.memory_space<hbm>>
    %dma_wait3A_533 = tpu.memref_squeeze %dma_wait3A_532 : memref<1x16x125xi32, #tpu.memory_space<hbm>> -> memref<16x125xi32, #tpu.memory_space<hbm>>
    tpu.wait_dma2 semaphore(%arg13 : memref<!tpu.dma_semaphore, #tpu.memory_space<semaphore_mem>>) src(%dma_wait3A_533 : memref<16x125xi32, #tpu.memory_space<hbm>>) dst(%dma_wait3A_529 : memref<16x125xi32, #tpu.memory_space<vmem>>)
    %dma_start3A_534 = arith.constant 1 : i32
    %dma_start3A_535 = arith.constant 0 : i32
    %dma_start3A_536 = arith.constant 0 : i32
    %dma_start3A_537 = arith.constant 0 : i32
    %dma_start3A_538 = tpu.memref_slice %arg8[%dma_start3A_536, %dma_start3A_537] : memref<128x128xf32, #tpu.memory_space<vmem>> -> memref<125x128xf32, #tpu.memory_space<vmem>>
    %dma_start3A_539 = arith.constant 0 : i32
    %dma_start3A_540 = arith.constant 0 : i32
    %dma_start3A_541 = tpu.memref_slice %arg6[%dma_start3A_534, %dma_start3A_539, %dma_start3A_540] : memref<2x16x125xi32, #tpu.memory_space<vmem>> -> memref<1x16x125xi32, #tpu.memory_space<vmem>>
    %dma_start3A_542 = tpu.memref_squeeze %dma_start3A_541 : memref<1x16x125xi32, #tpu.memory_space<vmem>> -> memref<16x125xi32, #tpu.memory_space<vmem>>
    %dma_start3A_543 = arith.constant 0 : i32
    %dma_start3A_544 = tpu.memref_slice %dma_start3A_542[%dma_start3A_535, %dma_start3A_543] : memref<16x125xi32, #tpu.memory_space<vmem>> -> memref<1x125xi32, #tpu.memory_space<vmem>>
    %dma_start3A_545 = tpu.memref_squeeze %dma_start3A_544 : memref<1x125xi32, #tpu.memory_space<vmem>> -> memref<125xi32, #tpu.memory_space<vmem>>
    %dma_start3A_546 = arith.constant 0 : i32
    %dma_start3A_547 = arith.constant 0 : i32
    %dma_start3A_548 = tpu.memref_slice %arg2[%dma_start3A_546, %dma_start3A_547] : memref<10000x128xf32, #tpu.memory_space<hbm>> -> memref<10000x128xf32, #tpu.memory_space<hbm>>
    tpu.enqueue_indirect_dma source(%dma_start3A_548 : memref<10000x128xf32, #tpu.memory_space<hbm>>) target(%dma_start3A_538 : memref<125x128xf32, #tpu.memory_space<vmem>>) offsets(%dma_start3A_545 : memref<125xi32, #tpu.memory_space<vmem>>) semaphore(%arg11 : memref<!tpu.dma_semaphore, #tpu.memory_space<semaphore_mem>>)
    %run_scoped3A_549 = arith.constant 0 : i32
    %run_scoped3A_550 = arith.constant 15 : i32
    "tpu.region"() ({
      %run_scoped3A_737 = tpu.sem_alloc : memref<!tpu.dma_semaphore, #tpu.memory_space<semaphore_mem>>
      %dma_start3A_738 = arith.constant 0 : i32
      %dma_start3A_739 = arith.constant 0 : i32
      %dma_start3A_740 = tpu.memref_slice %arg7[%run_scoped3A_549, %dma_start3A_738, %dma_start3A_739] : memref<2x16x125xi32, #tpu.memory_space<vmem>> -> memref<1x16x125xi32, #tpu.memory_space<vmem>>
      %dma_start3A_741 = tpu.memref_squeeze %dma_start3A_740 : memref<1x16x125xi32, #tpu.memory_space<vmem>> -> memref<16x125xi32, #tpu.memory_space<vmem>>
      %dma_start3A_742 = arith.constant 0 : i32
      %dma_start3A_743 = tpu.memref_slice %dma_start3A_741[%run_scoped3A_550, %dma_start3A_742] : memref<16x125xi32, #tpu.memory_space<vmem>> -> memref<1x125xi32, #tpu.memory_space<vmem>>
      %dma_start3A_744 = tpu.memref_squeeze %dma_start3A_743 : memref<1x125xi32, #tpu.memory_space<vmem>> -> memref<125xi32, #tpu.memory_space<vmem>>
      %dma_start3A_745 = arith.constant 0 : i32
      %dma_start3A_746 = arith.constant 0 : i32
      %dma_start3A_747 = tpu.memref_slice %arg10[%dma_start3A_745, %dma_start3A_746] : memref<10240x128xf32, #tpu.memory_space<vmem_shared>> -> memref<10240x128xf32, #tpu.memory_space<vmem_shared>>
      tpu.enqueue_indirect_dma source(%arg9 : memref<125x128xf32, #tpu.memory_space<vmem>>) target(%dma_start3A_747 : memref<10240x128xf32, #tpu.memory_space<vmem_shared>>) offsets(%dma_start3A_744 : memref<125xi32, #tpu.memory_space<vmem>>) semaphore(%run_scoped3A_737 : memref<!tpu.dma_semaphore, #tpu.memory_space<semaphore_mem>>) {add = true}
      %dma_wait3A_748 = arith.constant 0 : i32
      %dma_wait3A_749 = arith.constant 0 : i32
      %dma_wait3A_750 = tpu.memref_slice %arg7[%run_scoped3A_549, %dma_wait3A_748, %dma_wait3A_749] : memref<2x16x125xi32, #tpu.memory_space<vmem>> -> memref<1x16x125xi32, #tpu.memory_space<vmem>>
      %dma_wait3A_751 = tpu.memref_squeeze %dma_wait3A_750 : memref<1x16x125xi32, #tpu.memory_space<vmem>> -> memref<16x125xi32, #tpu.memory_space<vmem>>
      %dma_wait3A_752 = arith.constant 0 : i32
      %dma_wait3A_753 = tpu.memref_slice %dma_wait3A_751[%run_scoped3A_550, %dma_wait3A_752] : memref<16x125xi32, #tpu.memory_space<vmem>> -> memref<1x125xi32, #tpu.memory_space<vmem>>
      %dma_wait3A_754 = tpu.memref_squeeze %dma_wait3A_753 : memref<1x125xi32, #tpu.memory_space<vmem>> -> memref<125xi32, #tpu.memory_space<vmem>>
      %dma_wait3A_755 = arith.constant 0 : i32
      %dma_wait3A_756 = arith.constant 0 : i32
      %dma_wait3A_757 = tpu.memref_slice %arg10[%dma_wait3A_755, %dma_wait3A_756] : memref<10240x128xf32, #tpu.memory_space<vmem_shared>> -> memref<10240x128xf32, #tpu.memory_space<vmem_shared>>
      tpu.wait_indirect_dma semaphore(%run_scoped3A_737 : memref<!tpu.dma_semaphore, #tpu.memory_space<semaphore_mem>>) src(%arg9 : memref<125x128xf32, #tpu.memory_space<vmem>>) dst(%dma_wait3A_757 : memref<10240x128xf32, #tpu.memory_space<vmem_shared>>)
      tpu.yield
    }) : () -> ()
    %dma_start3A_551 = arith.constant 0 : i32
    %dma_start3A_552 = arith.constant 0 : i32
    %dma_start3A_553 = arith.constant 0 : i32
    %dma_start3A_554 = tpu.memref_slice %arg6[%dma_start3A_551, %dma_start3A_552, %dma_start3A_553] : memref<2x16x125xi32, #tpu.memory_space<vmem>> -> memref<1x16x125xi32, #tpu.memory_space<vmem>>
    %dma_start3A_555 = tpu.memref_squeeze %dma_start3A_554 : memref<1x16x125xi32, #tpu.memory_space<vmem>> -> memref<16x125xi32, #tpu.memory_space<vmem>>
    %dma_start3A_556 = arith.constant 64 : i32
    %dma_start3A_557 = arith.constant 0 : i32
    %dma_start3A_558 = tpu.memref_slice %arg3[%add3A, %dma_start3A_556, %dma_start3A_557] : memref<32x80x125xi32, #tpu.memory_space<hbm>> -> memref<1x16x125xi32, #tpu.memory_space<hbm>>
    %dma_start3A_559 = tpu.memref_squeeze %dma_start3A_558 : memref<1x16x125xi32, #tpu.memory_space<hbm>> -> memref<16x125xi32, #tpu.memory_space<hbm>>
    %dma_start3A_560 = arith.constant 0 : i32
    %dma_start3A_561 = arith.constant 0 : i32
    %dma_start3A_562 = tpu.memref_slice %arg6[%dma_start3A_551, %dma_start3A_560, %dma_start3A_561] : memref<2x16x125xi32, #tpu.memory_space<vmem>> -> memref<1x16x125xi32, #tpu.memory_space<vmem>>
    %dma_start3A_563 = tpu.memref_squeeze %dma_start3A_562 : memref<1x16x125xi32, #tpu.memory_space<vmem>> -> memref<16x125xi32, #tpu.memory_space<vmem>>
    %dma_start3A_564 = arith.constant 64 : i32
    %dma_start3A_565 = arith.constant 0 : i32
    %dma_start3A_566 = tpu.memref_slice %arg3[%add3A, %dma_start3A_564, %dma_start3A_565] : memref<32x80x125xi32, #tpu.memory_space<hbm>> -> memref<1x16x125xi32, #tpu.memory_space<hbm>>
    %dma_start3A_567 = tpu.memref_squeeze %dma_start3A_566 : memref<1x16x125xi32, #tpu.memory_space<hbm>> -> memref<16x125xi32, #tpu.memory_space<hbm>>
    tpu.enqueue_dma source(%dma_start3A_567 : memref<16x125xi32, #tpu.memory_space<hbm>>) target(%dma_start3A_563 : memref<16x125xi32, #tpu.memory_space<vmem>>) target_semaphore(%arg13 : memref<!tpu.dma_semaphore, #tpu.memory_space<semaphore_mem>>)
    %dma_start3A_568 = arith.constant 0 : i32
    %dma_start3A_569 = arith.constant 0 : i32
    %dma_start3A_570 = arith.constant 0 : i32
    %dma_start3A_571 = tpu.memref_slice %arg7[%dma_start3A_568, %dma_start3A_569, %dma_start3A_570] : memref<2x16x125xi32, #tpu.memory_space<vmem>> -> memref<1x16x125xi32, #tpu.memory_space<vmem>>
    %dma_start3A_572 = tpu.memref_squeeze %dma_start3A_571 : memref<1x16x125xi32, #tpu.memory_space<vmem>> -> memref<16x125xi32, #tpu.memory_space<vmem>>
    %dma_start3A_573 = arith.constant 64 : i32
    %dma_start3A_574 = arith.constant 0 : i32
    %dma_start3A_575 = tpu.memref_slice %arg4[%add3A, %dma_start3A_573, %dma_start3A_574] : memref<32x80x125xi32, #tpu.memory_space<hbm>> -> memref<1x16x125xi32, #tpu.memory_space<hbm>>
    %dma_start3A_576 = tpu.memref_squeeze %dma_start3A_575 : memref<1x16x125xi32, #tpu.memory_space<hbm>> -> memref<16x125xi32, #tpu.memory_space<hbm>>
    %dma_start3A_577 = arith.constant 0 : i32
    %dma_start3A_578 = arith.constant 0 : i32
    %dma_start3A_579 = tpu.memref_slice %arg7[%dma_start3A_568, %dma_start3A_577, %dma_start3A_578] : memref<2x16x125xi32, #tpu.memory_space<vmem>> -> memref<1x16x125xi32, #tpu.memory_space<vmem>>
    %dma_start3A_580 = tpu.memref_squeeze %dma_start3A_579 : memref<1x16x125xi32, #tpu.memory_space<vmem>> -> memref<16x125xi32, #tpu.memory_space<vmem>>
    %dma_start3A_581 = arith.constant 64 : i32
    %dma_start3A_582 = arith.constant 0 : i32
    %dma_start3A_583 = tpu.memref_slice %arg4[%add3A, %dma_start3A_581, %dma_start3A_582] : memref<32x80x125xi32, #tpu.memory_space<hbm>> -> memref<1x16x125xi32, #tpu.memory_space<hbm>>
    %dma_start3A_584 = tpu.memref_squeeze %dma_start3A_583 : memref<1x16x125xi32, #tpu.memory_space<hbm>> -> memref<16x125xi32, #tpu.memory_space<hbm>>
    tpu.enqueue_dma source(%dma_start3A_584 : memref<16x125xi32, #tpu.memory_space<hbm>>) target(%dma_start3A_580 : memref<16x125xi32, #tpu.memory_space<vmem>>) target_semaphore(%arg13 : memref<!tpu.dma_semaphore, #tpu.memory_space<semaphore_mem>>)
    %scan3A_585 = arith.constant 0 : i32
    %scan3A_586 = arith.constant 1 : i32
    %scan3A_587 = arith.constant 1 : i32
    %scan3A_588 = arith.constant 0 : i32
    %scan3A_589 = arith.constant 7 : i32
    %scan3A_590 = arith.addi %scan3A_588, %scan3A_589 : i32
    %scan3A_591 = arith.constant 1 : i32
    scf.for %scan3A_737 = %scan3A_588 to %scan3A_590 step %scan3A_591  : i32 {
      %mul3A_738 = arith.constant 2 : i32
      %mul3A_739 = arith.muli %mul3A_738, %scan3A_737 : i32
      %dma_wait3A_740 = arith.constant 0 : i32
      %dma_wait3A_741 = arith.constant 0 : i32
      %dma_wait3A_742 = tpu.memref_slice %arg8[%dma_wait3A_740, %dma_wait3A_741] : memref<128x128xf32, #tpu.memory_space<vmem>> -> memref<125x128xf32, #tpu.memory_space<vmem>>
      %dma_wait3A_743 = arith.constant 0 : i32
      %dma_wait3A_744 = arith.constant 0 : i32
      %dma_wait3A_745 = tpu.memref_slice %arg6[%scan3A_586, %dma_wait3A_743, %dma_wait3A_744] : memref<2x16x125xi32, #tpu.memory_space<vmem>> -> memref<1x16x125xi32, #tpu.memory_space<vmem>>
      %dma_wait3A_746 = tpu.memref_squeeze %dma_wait3A_745 : memref<1x16x125xi32, #tpu.memory_space<vmem>> -> memref<16x125xi32, #tpu.memory_space<vmem>>
      %dma_wait3A_747 = arith.constant 0 : i32
      %dma_wait3A_748 = tpu.memref_slice %dma_wait3A_746[%mul3A_739, %dma_wait3A_747] : memref<16x125xi32, #tpu.memory_space<vmem>> -> memref<1x125xi32, #tpu.memory_space<vmem>>
      %dma_wait3A_749 = tpu.memref_squeeze %dma_wait3A_748 : memref<1x125xi32, #tpu.memory_space<vmem>> -> memref<125xi32, #tpu.memory_space<vmem>>
      %dma_wait3A_750 = arith.constant 0 : i32
      %dma_wait3A_751 = arith.constant 0 : i32
      %dma_wait3A_752 = tpu.memref_slice %arg2[%dma_wait3A_750, %dma_wait3A_751] : memref<10000x128xf32, #tpu.memory_space<hbm>> -> memref<10000x128xf32, #tpu.memory_space<hbm>>
      tpu.wait_indirect_dma semaphore(%arg11 : memref<!tpu.dma_semaphore, #tpu.memory_space<semaphore_mem>>) src(%dma_wait3A_752 : memref<10000x128xf32, #tpu.memory_space<hbm>>) dst(%dma_wait3A_742 : memref<125x128xf32, #tpu.memory_space<vmem>>)
      %add3A_753 = arith.constant 1 : i32
      %add3A_754 = arith.addi %mul3A_739, %add3A_753 : i32
      %dma_start3A_755 = arith.constant 0 : i32
      %dma_start3A_756 = arith.constant 0 : i32
      %dma_start3A_757 = tpu.memref_slice %arg6[%scan3A_586, %dma_start3A_755, %dma_start3A_756] : memref<2x16x125xi32, #tpu.memory_space<vmem>> -> memref<1x16x125xi32, #tpu.memory_space<vmem>>
      %dma_start3A_758 = tpu.memref_squeeze %dma_start3A_757 : memref<1x16x125xi32, #tpu.memory_space<vmem>> -> memref<16x125xi32, #tpu.memory_space<vmem>>
      %dma_start3A_759 = arith.constant 0 : i32
      %dma_start3A_760 = tpu.memref_slice %dma_start3A_758[%add3A_754, %dma_start3A_759] : memref<16x125xi32, #tpu.memory_space<vmem>> -> memref<1x125xi32, #tpu.memory_space<vmem>>
      %dma_start3A_761 = tpu.memref_squeeze %dma_start3A_760 : memref<1x125xi32, #tpu.memory_space<vmem>> -> memref<125xi32, #tpu.memory_space<vmem>>
      %dma_start3A_762 = arith.constant 0 : i32
      %dma_start3A_763 = arith.constant 0 : i32
      %dma_start3A_764 = tpu.memref_slice %arg2[%dma_start3A_762, %dma_start3A_763] : memref<10000x128xf32, #tpu.memory_space<hbm>> -> memref<10000x128xf32, #tpu.memory_space<hbm>>
      tpu.enqueue_indirect_dma source(%dma_start3A_764 : memref<10000x128xf32, #tpu.memory_space<hbm>>) target(%arg9 : memref<125x128xf32, #tpu.memory_space<vmem>>) offsets(%dma_start3A_761 : memref<125xi32, #tpu.memory_space<vmem>>) semaphore(%arg12 : memref<!tpu.dma_semaphore, #tpu.memory_space<semaphore_mem>>)
      "tpu.region"() ({
        %run_scoped3A_794 = tpu.sem_alloc : memref<!tpu.dma_semaphore, #tpu.memory_space<semaphore_mem>>
        %dma_start3A_795 = arith.constant 0 : i32
        %dma_start3A_796 = arith.constant 0 : i32
        %dma_start3A_797 = tpu.memref_slice %arg8[%dma_start3A_795, %dma_start3A_796] : memref<128x128xf32, #tpu.memory_space<vmem>> -> memref<125x128xf32, #tpu.memory_space<vmem>>
        %dma_start3A_798 = arith.constant 0 : i32
        %dma_start3A_799 = arith.constant 0 : i32
        %dma_start3A_800 = tpu.memref_slice %arg7[%scan3A_587, %dma_start3A_798, %dma_start3A_799] : memref<2x16x125xi32, #tpu.memory_space<vmem>> -> memref<1x16x125xi32, #tpu.memory_space<vmem>>
        %dma_start3A_801 = tpu.memref_squeeze %dma_start3A_800 : memref<1x16x125xi32, #tpu.memory_space<vmem>> -> memref<16x125xi32, #tpu.memory_space<vmem>>
        %dma_start3A_802 = arith.constant 0 : i32
        %dma_start3A_803 = tpu.memref_slice %dma_start3A_801[%mul3A_739, %dma_start3A_802] : memref<16x125xi32, #tpu.memory_space<vmem>> -> memref<1x125xi32, #tpu.memory_space<vmem>>
        %dma_start3A_804 = tpu.memref_squeeze %dma_start3A_803 : memref<1x125xi32, #tpu.memory_space<vmem>> -> memref<125xi32, #tpu.memory_space<vmem>>
        %dma_start3A_805 = arith.constant 0 : i32
        %dma_start3A_806 = arith.constant 0 : i32
        %dma_start3A_807 = tpu.memref_slice %arg10[%dma_start3A_805, %dma_start3A_806] : memref<10240x128xf32, #tpu.memory_space<vmem_shared>> -> memref<10240x128xf32, #tpu.memory_space<vmem_shared>>
        tpu.enqueue_indirect_dma source(%dma_start3A_797 : memref<125x128xf32, #tpu.memory_space<vmem>>) target(%dma_start3A_807 : memref<10240x128xf32, #tpu.memory_space<vmem_shared>>) offsets(%dma_start3A_804 : memref<125xi32, #tpu.memory_space<vmem>>) semaphore(%run_scoped3A_794 : memref<!tpu.dma_semaphore, #tpu.memory_space<semaphore_mem>>) {add = true}
        %dma_wait3A_808 = arith.constant 0 : i32
        %dma_wait3A_809 = arith.constant 0 : i32
        %dma_wait3A_810 = tpu.memref_slice %arg8[%dma_wait3A_808, %dma_wait3A_809] : memref<128x128xf32, #tpu.memory_space<vmem>> -> memref<125x128xf32, #tpu.memory_space<vmem>>
        %dma_wait3A_811 = arith.constant 0 : i32
        %dma_wait3A_812 = arith.constant 0 : i32
        %dma_wait3A_813 = tpu.memref_slice %arg7[%scan3A_587, %dma_wait3A_811, %dma_wait3A_812] : memref<2x16x125xi32, #tpu.memory_space<vmem>> -> memref<1x16x125xi32, #tpu.memory_space<vmem>>
        %dma_wait3A_814 = tpu.memref_squeeze %dma_wait3A_813 : memref<1x16x125xi32, #tpu.memory_space<vmem>> -> memref<16x125xi32, #tpu.memory_space<vmem>>
        %dma_wait3A_815 = arith.constant 0 : i32
        %dma_wait3A_816 = tpu.memref_slice %dma_wait3A_814[%mul3A_739, %dma_wait3A_815] : memref<16x125xi32, #tpu.memory_space<vmem>> -> memref<1x125xi32, #tpu.memory_space<vmem>>
        %dma_wait3A_817 = tpu.memref_squeeze %dma_wait3A_816 : memref<1x125xi32, #tpu.memory_space<vmem>> -> memref<125xi32, #tpu.memory_space<vmem>>
        %dma_wait3A_818 = arith.constant 0 : i32
        %dma_wait3A_819 = arith.constant 0 : i32
        %dma_wait3A_820 = tpu.memref_slice %arg10[%dma_wait3A_818, %dma_wait3A_819] : memref<10240x128xf32, #tpu.memory_space<vmem_shared>> -> memref<10240x128xf32, #tpu.memory_space<vmem_shared>>
        tpu.wait_indirect_dma semaphore(%run_scoped3A_794 : memref<!tpu.dma_semaphore, #tpu.memory_space<semaphore_mem>>) src(%dma_wait3A_810 : memref<125x128xf32, #tpu.memory_space<vmem>>) dst(%dma_wait3A_820 : memref<10240x128xf32, #tpu.memory_space<vmem_shared>>)
        tpu.yield
      }) : () -> ()
      %add3A_765 = arith.constant 1 : i32
      %add3A_766 = arith.addi %mul3A_739, %add3A_765 : i32
      %dma_wait3A_767 = arith.constant 0 : i32
      %dma_wait3A_768 = arith.constant 0 : i32
      %dma_wait3A_769 = tpu.memref_slice %arg6[%scan3A_586, %dma_wait3A_767, %dma_wait3A_768] : memref<2x16x125xi32, #tpu.memory_space<vmem>> -> memref<1x16x125xi32, #tpu.memory_space<vmem>>
      %dma_wait3A_770 = tpu.memref_squeeze %dma_wait3A_769 : memref<1x16x125xi32, #tpu.memory_space<vmem>> -> memref<16x125xi32, #tpu.memory_space<vmem>>
      %dma_wait3A_771 = arith.constant 0 : i32
      %dma_wait3A_772 = tpu.memref_slice %dma_wait3A_770[%add3A_766, %dma_wait3A_771] : memref<16x125xi32, #tpu.memory_space<vmem>> -> memref<1x125xi32, #tpu.memory_space<vmem>>
      %dma_wait3A_773 = tpu.memref_squeeze %dma_wait3A_772 : memref<1x125xi32, #tpu.memory_space<vmem>> -> memref<125xi32, #tpu.memory_space<vmem>>
      %dma_wait3A_774 = arith.constant 0 : i32
      %dma_wait3A_775 = arith.constant 0 : i32
      %dma_wait3A_776 = tpu.memref_slice %arg2[%dma_wait3A_774, %dma_wait3A_775] : memref<10000x128xf32, #tpu.memory_space<hbm>> -> memref<10000x128xf32, #tpu.memory_space<hbm>>
      tpu.wait_indirect_dma semaphore(%arg12 : memref<!tpu.dma_semaphore, #tpu.memory_space<semaphore_mem>>) src(%dma_wait3A_776 : memref<10000x128xf32, #tpu.memory_space<hbm>>) dst(%arg9 : memref<125x128xf32, #tpu.memory_space<vmem>>)
      %add3A_777 = arith.constant 2 : i32
      %add3A_778 = arith.addi %mul3A_739, %add3A_777 : i32
      %dma_start3A_779 = arith.constant 0 : i32
      %dma_start3A_780 = arith.constant 0 : i32
      %dma_start3A_781 = tpu.memref_slice %arg8[%dma_start3A_779, %dma_start3A_780] : memref<128x128xf32, #tpu.memory_space<vmem>> -> memref<125x128xf32, #tpu.memory_space<vmem>>
      %dma_start3A_782 = arith.constant 0 : i32
      %dma_start3A_783 = arith.constant 0 : i32
      %dma_start3A_784 = tpu.memref_slice %arg6[%scan3A_586, %dma_start3A_782, %dma_start3A_783] : memref<2x16x125xi32, #tpu.memory_space<vmem>> -> memref<1x16x125xi32, #tpu.memory_space<vmem>>
      %dma_start3A_785 = tpu.memref_squeeze %dma_start3A_784 : memref<1x16x125xi32, #tpu.memory_space<vmem>> -> memref<16x125xi32, #tpu.memory_space<vmem>>
      %dma_start3A_786 = arith.constant 0 : i32
      %dma_start3A_787 = tpu.memref_slice %dma_start3A_785[%add3A_778, %dma_start3A_786] : memref<16x125xi32, #tpu.memory_space<vmem>> -> memref<1x125xi32, #tpu.memory_space<vmem>>
      %dma_start3A_788 = tpu.memref_squeeze %dma_start3A_787 : memref<1x125xi32, #tpu.memory_space<vmem>> -> memref<125xi32, #tpu.memory_space<vmem>>
      %dma_start3A_789 = arith.constant 0 : i32
      %dma_start3A_790 = arith.constant 0 : i32
      %dma_start3A_791 = tpu.memref_slice %arg2[%dma_start3A_789, %dma_start3A_790] : memref<10000x128xf32, #tpu.memory_space<hbm>> -> memref<10000x128xf32, #tpu.memory_space<hbm>>
      tpu.enqueue_indirect_dma source(%dma_start3A_791 : memref<10000x128xf32, #tpu.memory_space<hbm>>) target(%dma_start3A_781 : memref<125x128xf32, #tpu.memory_space<vmem>>) offsets(%dma_start3A_788 : memref<125xi32, #tpu.memory_space<vmem>>) semaphore(%arg11 : memref<!tpu.dma_semaphore, #tpu.memory_space<semaphore_mem>>)
      %add3A_792 = arith.constant 1 : i32
      %add3A_793 = arith.addi %mul3A_739, %add3A_792 : i32
      "tpu.region"() ({
        %run_scoped3A_794 = tpu.sem_alloc : memref<!tpu.dma_semaphore, #tpu.memory_space<semaphore_mem>>
        %dma_start3A_795 = arith.constant 0 : i32
        %dma_start3A_796 = arith.constant 0 : i32
        %dma_start3A_797 = tpu.memref_slice %arg7[%scan3A_587, %dma_start3A_795, %dma_start3A_796] : memref<2x16x125xi32, #tpu.memory_space<vmem>> -> memref<1x16x125xi32, #tpu.memory_space<vmem>>
        %dma_start3A_798 = tpu.memref_squeeze %dma_start3A_797 : memref<1x16x125xi32, #tpu.memory_space<vmem>> -> memref<16x125xi32, #tpu.memory_space<vmem>>
        %dma_start3A_799 = arith.constant 0 : i32
        %dma_start3A_800 = tpu.memref_slice %dma_start3A_798[%add3A_793, %dma_start3A_799] : memref<16x125xi32, #tpu.memory_space<vmem>> -> memref<1x125xi32, #tpu.memory_space<vmem>>
        %dma_start3A_801 = tpu.memref_squeeze %dma_start3A_800 : memref<1x125xi32, #tpu.memory_space<vmem>> -> memref<125xi32, #tpu.memory_space<vmem>>
        %dma_start3A_802 = arith.constant 0 : i32
        %dma_start3A_803 = arith.constant 0 : i32
        %dma_start3A_804 = tpu.memref_slice %arg10[%dma_start3A_802, %dma_start3A_803] : memref<10240x128xf32, #tpu.memory_space<vmem_shared>> -> memref<10240x128xf32, #tpu.memory_space<vmem_shared>>
        tpu.enqueue_indirect_dma source(%arg9 : memref<125x128xf32, #tpu.memory_space<vmem>>) target(%dma_start3A_804 : memref<10240x128xf32, #tpu.memory_space<vmem_shared>>) offsets(%dma_start3A_801 : memref<125xi32, #tpu.memory_space<vmem>>) semaphore(%run_scoped3A_794 : memref<!tpu.dma_semaphore, #tpu.memory_space<semaphore_mem>>) {add = true}
        %dma_wait3A_805 = arith.constant 0 : i32
        %dma_wait3A_806 = arith.constant 0 : i32
        %dma_wait3A_807 = tpu.memref_slice %arg7[%scan3A_587, %dma_wait3A_805, %dma_wait3A_806] : memref<2x16x125xi32, #tpu.memory_space<vmem>> -> memref<1x16x125xi32, #tpu.memory_space<vmem>>
        %dma_wait3A_808 = tpu.memref_squeeze %dma_wait3A_807 : memref<1x16x125xi32, #tpu.memory_space<vmem>> -> memref<16x125xi32, #tpu.memory_space<vmem>>
        %dma_wait3A_809 = arith.constant 0 : i32
        %dma_wait3A_810 = tpu.memref_slice %dma_wait3A_808[%add3A_793, %dma_wait3A_809] : memref<16x125xi32, #tpu.memory_space<vmem>> -> memref<1x125xi32, #tpu.memory_space<vmem>>
        %dma_wait3A_811 = tpu.memref_squeeze %dma_wait3A_810 : memref<1x125xi32, #tpu.memory_space<vmem>> -> memref<125xi32, #tpu.memory_space<vmem>>
        %dma_wait3A_812 = arith.constant 0 : i32
        %dma_wait3A_813 = arith.constant 0 : i32
        %dma_wait3A_814 = tpu.memref_slice %arg10[%dma_wait3A_812, %dma_wait3A_813] : memref<10240x128xf32, #tpu.memory_space<vmem_shared>> -> memref<10240x128xf32, #tpu.memory_space<vmem_shared>>
        tpu.wait_indirect_dma semaphore(%run_scoped3A_794 : memref<!tpu.dma_semaphore, #tpu.memory_space<semaphore_mem>>) src(%arg9 : memref<125x128xf32, #tpu.memory_space<vmem>>) dst(%dma_wait3A_814 : memref<10240x128xf32, #tpu.memory_space<vmem_shared>>)
        tpu.yield
      }) : () -> ()
    }
    %scan3A_592 = arith.constant 7 : i32
    %dma_wait3A_593 = arith.constant 1 : i32
    %dma_wait3A_594 = arith.constant 14 : i32
    %dma_wait3A_595 = arith.constant 0 : i32
    %dma_wait3A_596 = arith.constant 0 : i32
    %dma_wait3A_597 = tpu.memref_slice %arg8[%dma_wait3A_595, %dma_wait3A_596] : memref<128x128xf32, #tpu.memory_space<vmem>> -> memref<125x128xf32, #tpu.memory_space<vmem>>
    %dma_wait3A_598 = arith.constant 0 : i32
    %dma_wait3A_599 = arith.constant 0 : i32
    %dma_wait3A_600 = tpu.memref_slice %arg6[%dma_wait3A_593, %dma_wait3A_598, %dma_wait3A_599] : memref<2x16x125xi32, #tpu.memory_space<vmem>> -> memref<1x16x125xi32, #tpu.memory_space<vmem>>
    %dma_wait3A_601 = tpu.memref_squeeze %dma_wait3A_600 : memref<1x16x125xi32, #tpu.memory_space<vmem>> -> memref<16x125xi32, #tpu.memory_space<vmem>>
    %dma_wait3A_602 = arith.constant 0 : i32
    %dma_wait3A_603 = tpu.memref_slice %dma_wait3A_601[%dma_wait3A_594, %dma_wait3A_602] : memref<16x125xi32, #tpu.memory_space<vmem>> -> memref<1x125xi32, #tpu.memory_space<vmem>>
    %dma_wait3A_604 = tpu.memref_squeeze %dma_wait3A_603 : memref<1x125xi32, #tpu.memory_space<vmem>> -> memref<125xi32, #tpu.memory_space<vmem>>
    %dma_wait3A_605 = arith.constant 0 : i32
    %dma_wait3A_606 = arith.constant 0 : i32
    %dma_wait3A_607 = tpu.memref_slice %arg2[%dma_wait3A_605, %dma_wait3A_606] : memref<10000x128xf32, #tpu.memory_space<hbm>> -> memref<10000x128xf32, #tpu.memory_space<hbm>>
    tpu.wait_indirect_dma semaphore(%arg11 : memref<!tpu.dma_semaphore, #tpu.memory_space<semaphore_mem>>) src(%dma_wait3A_607 : memref<10000x128xf32, #tpu.memory_space<hbm>>) dst(%dma_wait3A_597 : memref<125x128xf32, #tpu.memory_space<vmem>>)
    %dma_start3A_608 = arith.constant 1 : i32
    %dma_start3A_609 = arith.constant 15 : i32
    %dma_start3A_610 = arith.constant 0 : i32
    %dma_start3A_611 = arith.constant 0 : i32
    %dma_start3A_612 = tpu.memref_slice %arg6[%dma_start3A_608, %dma_start3A_610, %dma_start3A_611] : memref<2x16x125xi32, #tpu.memory_space<vmem>> -> memref<1x16x125xi32, #tpu.memory_space<vmem>>
    %dma_start3A_613 = tpu.memref_squeeze %dma_start3A_612 : memref<1x16x125xi32, #tpu.memory_space<vmem>> -> memref<16x125xi32, #tpu.memory_space<vmem>>
    %dma_start3A_614 = arith.constant 0 : i32
    %dma_start3A_615 = tpu.memref_slice %dma_start3A_613[%dma_start3A_609, %dma_start3A_614] : memref<16x125xi32, #tpu.memory_space<vmem>> -> memref<1x125xi32, #tpu.memory_space<vmem>>
    %dma_start3A_616 = tpu.memref_squeeze %dma_start3A_615 : memref<1x125xi32, #tpu.memory_space<vmem>> -> memref<125xi32, #tpu.memory_space<vmem>>
    %dma_start3A_617 = arith.constant 0 : i32
    %dma_start3A_618 = arith.constant 0 : i32
    %dma_start3A_619 = tpu.memref_slice %arg2[%dma_start3A_617, %dma_start3A_618] : memref<10000x128xf32, #tpu.memory_space<hbm>> -> memref<10000x128xf32, #tpu.memory_space<hbm>>
    tpu.enqueue_indirect_dma source(%dma_start3A_619 : memref<10000x128xf32, #tpu.memory_space<hbm>>) target(%arg9 : memref<125x128xf32, #tpu.memory_space<vmem>>) offsets(%dma_start3A_616 : memref<125xi32, #tpu.memory_space<vmem>>) semaphore(%arg12 : memref<!tpu.dma_semaphore, #tpu.memory_space<semaphore_mem>>)
    %run_scoped3A_620 = arith.constant 1 : i32
    %run_scoped3A_621 = arith.constant 14 : i32
    "tpu.region"() ({
      %run_scoped3A_737 = tpu.sem_alloc : memref<!tpu.dma_semaphore, #tpu.memory_space<semaphore_mem>>
      %dma_start3A_738 = arith.constant 0 : i32
      %dma_start3A_739 = arith.constant 0 : i32
      %dma_start3A_740 = tpu.memref_slice %arg8[%dma_start3A_738, %dma_start3A_739] : memref<128x128xf32, #tpu.memory_space<vmem>> -> memref<125x128xf32, #tpu.memory_space<vmem>>
      %dma_start3A_741 = arith.constant 0 : i32
      %dma_start3A_742 = arith.constant 0 : i32
      %dma_start3A_743 = tpu.memref_slice %arg7[%run_scoped3A_620, %dma_start3A_741, %dma_start3A_742] : memref<2x16x125xi32, #tpu.memory_space<vmem>> -> memref<1x16x125xi32, #tpu.memory_space<vmem>>
      %dma_start3A_744 = tpu.memref_squeeze %dma_start3A_743 : memref<1x16x125xi32, #tpu.memory_space<vmem>> -> memref<16x125xi32, #tpu.memory_space<vmem>>
      %dma_start3A_745 = arith.constant 0 : i32
      %dma_start3A_746 = tpu.memref_slice %dma_start3A_744[%run_scoped3A_621, %dma_start3A_745] : memref<16x125xi32, #tpu.memory_space<vmem>> -> memref<1x125xi32, #tpu.memory_space<vmem>>
      %dma_start3A_747 = tpu.memref_squeeze %dma_start3A_746 : memref<1x125xi32, #tpu.memory_space<vmem>> -> memref<125xi32, #tpu.memory_space<vmem>>
      %dma_start3A_748 = arith.constant 0 : i32
      %dma_start3A_749 = arith.constant 0 : i32
      %dma_start3A_750 = tpu.memref_slice %arg10[%dma_start3A_748, %dma_start3A_749] : memref<10240x128xf32, #tpu.memory_space<vmem_shared>> -> memref<10240x128xf32, #tpu.memory_space<vmem_shared>>
      tpu.enqueue_indirect_dma source(%dma_start3A_740 : memref<125x128xf32, #tpu.memory_space<vmem>>) target(%dma_start3A_750 : memref<10240x128xf32, #tpu.memory_space<vmem_shared>>) offsets(%dma_start3A_747 : memref<125xi32, #tpu.memory_space<vmem>>) semaphore(%run_scoped3A_737 : memref<!tpu.dma_semaphore, #tpu.memory_space<semaphore_mem>>) {add = true}
      %dma_wait3A_751 = arith.constant 0 : i32
      %dma_wait3A_752 = arith.constant 0 : i32
      %dma_wait3A_753 = tpu.memref_slice %arg8[%dma_wait3A_751, %dma_wait3A_752] : memref<128x128xf32, #tpu.memory_space<vmem>> -> memref<125x128xf32, #tpu.memory_space<vmem>>
      %dma_wait3A_754 = arith.constant 0 : i32
      %dma_wait3A_755 = arith.constant 0 : i32
      %dma_wait3A_756 = tpu.memref_slice %arg7[%run_scoped3A_620, %dma_wait3A_754, %dma_wait3A_755] : memref<2x16x125xi32, #tpu.memory_space<vmem>> -> memref<1x16x125xi32, #tpu.memory_space<vmem>>
      %dma_wait3A_757 = tpu.memref_squeeze %dma_wait3A_756 : memref<1x16x125xi32, #tpu.memory_space<vmem>> -> memref<16x125xi32, #tpu.memory_space<vmem>>
      %dma_wait3A_758 = arith.constant 0 : i32
      %dma_wait3A_759 = tpu.memref_slice %dma_wait3A_757[%run_scoped3A_621, %dma_wait3A_758] : memref<16x125xi32, #tpu.memory_space<vmem>> -> memref<1x125xi32, #tpu.memory_space<vmem>>
      %dma_wait3A_760 = tpu.memref_squeeze %dma_wait3A_759 : memref<1x125xi32, #tpu.memory_space<vmem>> -> memref<125xi32, #tpu.memory_space<vmem>>
      %dma_wait3A_761 = arith.constant 0 : i32
      %dma_wait3A_762 = arith.constant 0 : i32
      %dma_wait3A_763 = tpu.memref_slice %arg10[%dma_wait3A_761, %dma_wait3A_762] : memref<10240x128xf32, #tpu.memory_space<vmem_shared>> -> memref<10240x128xf32, #tpu.memory_space<vmem_shared>>
      tpu.wait_indirect_dma semaphore(%run_scoped3A_737 : memref<!tpu.dma_semaphore, #tpu.memory_space<semaphore_mem>>) src(%dma_wait3A_753 : memref<125x128xf32, #tpu.memory_space<vmem>>) dst(%dma_wait3A_763 : memref<10240x128xf32, #tpu.memory_space<vmem_shared>>)
      tpu.yield
    }) : () -> ()
    %dma_wait3A_622 = arith.constant 1 : i32
    %dma_wait3A_623 = arith.constant 15 : i32
    %dma_wait3A_624 = arith.constant 0 : i32
    %dma_wait3A_625 = arith.constant 0 : i32
    %dma_wait3A_626 = tpu.memref_slice %arg6[%dma_wait3A_622, %dma_wait3A_624, %dma_wait3A_625] : memref<2x16x125xi32, #tpu.memory_space<vmem>> -> memref<1x16x125xi32, #tpu.memory_space<vmem>>
    %dma_wait3A_627 = tpu.memref_squeeze %dma_wait3A_626 : memref<1x16x125xi32, #tpu.memory_space<vmem>> -> memref<16x125xi32, #tpu.memory_space<vmem>>
    %dma_wait3A_628 = arith.constant 0 : i32
    %dma_wait3A_629 = tpu.memref_slice %dma_wait3A_627[%dma_wait3A_623, %dma_wait3A_628] : memref<16x125xi32, #tpu.memory_space<vmem>> -> memref<1x125xi32, #tpu.memory_space<vmem>>
    %dma_wait3A_630 = tpu.memref_squeeze %dma_wait3A_629 : memref<1x125xi32, #tpu.memory_space<vmem>> -> memref<125xi32, #tpu.memory_space<vmem>>
    %dma_wait3A_631 = arith.constant 0 : i32
    %dma_wait3A_632 = arith.constant 0 : i32
    %dma_wait3A_633 = tpu.memref_slice %arg2[%dma_wait3A_631, %dma_wait3A_632] : memref<10000x128xf32, #tpu.memory_space<hbm>> -> memref<10000x128xf32, #tpu.memory_space<hbm>>
    tpu.wait_indirect_dma semaphore(%arg12 : memref<!tpu.dma_semaphore, #tpu.memory_space<semaphore_mem>>) src(%dma_wait3A_633 : memref<10000x128xf32, #tpu.memory_space<hbm>>) dst(%arg9 : memref<125x128xf32, #tpu.memory_space<vmem>>)
    %dma_wait3A_634 = arith.constant 0 : i32
    %dma_wait3A_635 = arith.constant 0 : i32
    %dma_wait3A_636 = arith.constant 0 : i32
    %dma_wait3A_637 = tpu.memref_slice %arg6[%dma_wait3A_634, %dma_wait3A_635, %dma_wait3A_636] : memref<2x16x125xi32, #tpu.memory_space<vmem>> -> memref<1x16x125xi32, #tpu.memory_space<vmem>>
    %dma_wait3A_638 = tpu.memref_squeeze %dma_wait3A_637 : memref<1x16x125xi32, #tpu.memory_space<vmem>> -> memref<16x125xi32, #tpu.memory_space<vmem>>
    %dma_wait3A_639 = arith.constant 64 : i32
    %dma_wait3A_640 = arith.constant 0 : i32
    %dma_wait3A_641 = tpu.memref_slice %arg3[%add3A, %dma_wait3A_639, %dma_wait3A_640] : memref<32x80x125xi32, #tpu.memory_space<hbm>> -> memref<1x16x125xi32, #tpu.memory_space<hbm>>
    %dma_wait3A_642 = tpu.memref_squeeze %dma_wait3A_641 : memref<1x16x125xi32, #tpu.memory_space<hbm>> -> memref<16x125xi32, #tpu.memory_space<hbm>>
    %dma_wait3A_643 = arith.constant 0 : i32
    %dma_wait3A_644 = arith.constant 0 : i32
    %dma_wait3A_645 = tpu.memref_slice %arg6[%dma_wait3A_634, %dma_wait3A_643, %dma_wait3A_644] : memref<2x16x125xi32, #tpu.memory_space<vmem>> -> memref<1x16x125xi32, #tpu.memory_space<vmem>>
    %dma_wait3A_646 = tpu.memref_squeeze %dma_wait3A_645 : memref<1x16x125xi32, #tpu.memory_space<vmem>> -> memref<16x125xi32, #tpu.memory_space<vmem>>
    %dma_wait3A_647 = arith.constant 64 : i32
    %dma_wait3A_648 = arith.constant 0 : i32
    %dma_wait3A_649 = tpu.memref_slice %arg3[%add3A, %dma_wait3A_647, %dma_wait3A_648] : memref<32x80x125xi32, #tpu.memory_space<hbm>> -> memref<1x16x125xi32, #tpu.memory_space<hbm>>
    %dma_wait3A_650 = tpu.memref_squeeze %dma_wait3A_649 : memref<1x16x125xi32, #tpu.memory_space<hbm>> -> memref<16x125xi32, #tpu.memory_space<hbm>>
    tpu.wait_dma2 semaphore(%arg13 : memref<!tpu.dma_semaphore, #tpu.memory_space<semaphore_mem>>) src(%dma_wait3A_650 : memref<16x125xi32, #tpu.memory_space<hbm>>) dst(%dma_wait3A_646 : memref<16x125xi32, #tpu.memory_space<vmem>>)
    %dma_wait3A_651 = arith.constant 0 : i32
    %dma_wait3A_652 = arith.constant 0 : i32
    %dma_wait3A_653 = arith.constant 0 : i32
    %dma_wait3A_654 = tpu.memref_slice %arg7[%dma_wait3A_651, %dma_wait3A_652, %dma_wait3A_653] : memref<2x16x125xi32, #tpu.memory_space<vmem>> -> memref<1x16x125xi32, #tpu.memory_space<vmem>>
    %dma_wait3A_655 = tpu.memref_squeeze %dma_wait3A_654 : memref<1x16x125xi32, #tpu.memory_space<vmem>> -> memref<16x125xi32, #tpu.memory_space<vmem>>
    %dma_wait3A_656 = arith.constant 64 : i32
    %dma_wait3A_657 = arith.constant 0 : i32
    %dma_wait3A_658 = tpu.memref_slice %arg4[%add3A, %dma_wait3A_656, %dma_wait3A_657] : memref<32x80x125xi32, #tpu.memory_space<hbm>> -> memref<1x16x125xi32, #tpu.memory_space<hbm>>
    %dma_wait3A_659 = tpu.memref_squeeze %dma_wait3A_658 : memref<1x16x125xi32, #tpu.memory_space<hbm>> -> memref<16x125xi32, #tpu.memory_space<hbm>>
    %dma_wait3A_660 = arith.constant 0 : i32
    %dma_wait3A_661 = arith.constant 0 : i32
    %dma_wait3A_662 = tpu.memref_slice %arg7[%dma_wait3A_651, %dma_wait3A_660, %dma_wait3A_661] : memref<2x16x125xi32, #tpu.memory_space<vmem>> -> memref<1x16x125xi32, #tpu.memory_space<vmem>>
    %dma_wait3A_663 = tpu.memref_squeeze %dma_wait3A_662 : memref<1x16x125xi32, #tpu.memory_space<vmem>> -> memref<16x125xi32, #tpu.memory_space<vmem>>
    %dma_wait3A_664 = arith.constant 64 : i32
    %dma_wait3A_665 = arith.constant 0 : i32
    %dma_wait3A_666 = tpu.memref_slice %arg4[%add3A, %dma_wait3A_664, %dma_wait3A_665] : memref<32x80x125xi32, #tpu.memory_space<hbm>> -> memref<1x16x125xi32, #tpu.memory_space<hbm>>
    %dma_wait3A_667 = tpu.memref_squeeze %dma_wait3A_666 : memref<1x16x125xi32, #tpu.memory_space<hbm>> -> memref<16x125xi32, #tpu.memory_space<hbm>>
    tpu.wait_dma2 semaphore(%arg13 : memref<!tpu.dma_semaphore, #tpu.memory_space<semaphore_mem>>) src(%dma_wait3A_667 : memref<16x125xi32, #tpu.memory_space<hbm>>) dst(%dma_wait3A_663 : memref<16x125xi32, #tpu.memory_space<vmem>>)
    %dma_start3A_668 = arith.constant 0 : i32
    %dma_start3A_669 = arith.constant 0 : i32
    %dma_start3A_670 = arith.constant 0 : i32
    %dma_start3A_671 = arith.constant 0 : i32
    %dma_start3A_672 = tpu.memref_slice %arg8[%dma_start3A_670, %dma_start3A_671] : memref<128x128xf32, #tpu.memory_space<vmem>> -> memref<125x128xf32, #tpu.memory_space<vmem>>
    %dma_start3A_673 = arith.constant 0 : i32
    %dma_start3A_674 = arith.constant 0 : i32
    %dma_start3A_675 = tpu.memref_slice %arg6[%dma_start3A_668, %dma_start3A_673, %dma_start3A_674] : memref<2x16x125xi32, #tpu.memory_space<vmem>> -> memref<1x16x125xi32, #tpu.memory_space<vmem>>
    %dma_start3A_676 = tpu.memref_squeeze %dma_start3A_675 : memref<1x16x125xi32, #tpu.memory_space<vmem>> -> memref<16x125xi32, #tpu.memory_space<vmem>>
    %dma_start3A_677 = arith.constant 0 : i32
    %dma_start3A_678 = tpu.memref_slice %dma_start3A_676[%dma_start3A_669, %dma_start3A_677] : memref<16x125xi32, #tpu.memory_space<vmem>> -> memref<1x125xi32, #tpu.memory_space<vmem>>
    %dma_start3A_679 = tpu.memref_squeeze %dma_start3A_678 : memref<1x125xi32, #tpu.memory_space<vmem>> -> memref<125xi32, #tpu.memory_space<vmem>>
    %dma_start3A_680 = arith.constant 0 : i32
    %dma_start3A_681 = arith.constant 0 : i32
    %dma_start3A_682 = tpu.memref_slice %arg2[%dma_start3A_680, %dma_start3A_681] : memref<10000x128xf32, #tpu.memory_space<hbm>> -> memref<10000x128xf32, #tpu.memory_space<hbm>>
    tpu.enqueue_indirect_dma source(%dma_start3A_682 : memref<10000x128xf32, #tpu.memory_space<hbm>>) target(%dma_start3A_672 : memref<125x128xf32, #tpu.memory_space<vmem>>) offsets(%dma_start3A_679 : memref<125xi32, #tpu.memory_space<vmem>>) semaphore(%arg11 : memref<!tpu.dma_semaphore, #tpu.memory_space<semaphore_mem>>)
    %run_scoped3A_683 = arith.constant 1 : i32
    %run_scoped3A_684 = arith.constant 15 : i32
    "tpu.region"() ({
      %run_scoped3A_737 = tpu.sem_alloc : memref<!tpu.dma_semaphore, #tpu.memory_space<semaphore_mem>>
      %dma_start3A_738 = arith.constant 0 : i32
      %dma_start3A_739 = arith.constant 0 : i32
      %dma_start3A_740 = tpu.memref_slice %arg7[%run_scoped3A_683, %dma_start3A_738, %dma_start3A_739] : memref<2x16x125xi32, #tpu.memory_space<vmem>> -> memref<1x16x125xi32, #tpu.memory_space<vmem>>
      %dma_start3A_741 = tpu.memref_squeeze %dma_start3A_740 : memref<1x16x125xi32, #tpu.memory_space<vmem>> -> memref<16x125xi32, #tpu.memory_space<vmem>>
      %dma_start3A_742 = arith.constant 0 : i32
      %dma_start3A_743 = tpu.memref_slice %dma_start3A_741[%run_scoped3A_684, %dma_start3A_742] : memref<16x125xi32, #tpu.memory_space<vmem>> -> memref<1x125xi32, #tpu.memory_space<vmem>>
      %dma_start3A_744 = tpu.memref_squeeze %dma_start3A_743 : memref<1x125xi32, #tpu.memory_space<vmem>> -> memref<125xi32, #tpu.memory_space<vmem>>
      %dma_start3A_745 = arith.constant 0 : i32
      %dma_start3A_746 = arith.constant 0 : i32
      %dma_start3A_747 = tpu.memref_slice %arg10[%dma_start3A_745, %dma_start3A_746] : memref<10240x128xf32, #tpu.memory_space<vmem_shared>> -> memref<10240x128xf32, #tpu.memory_space<vmem_shared>>
      tpu.enqueue_indirect_dma source(%arg9 : memref<125x128xf32, #tpu.memory_space<vmem>>) target(%dma_start3A_747 : memref<10240x128xf32, #tpu.memory_space<vmem_shared>>) offsets(%dma_start3A_744 : memref<125xi32, #tpu.memory_space<vmem>>) semaphore(%run_scoped3A_737 : memref<!tpu.dma_semaphore, #tpu.memory_space<semaphore_mem>>) {add = true}
      %dma_wait3A_748 = arith.constant 0 : i32
      %dma_wait3A_749 = arith.constant 0 : i32
      %dma_wait3A_750 = tpu.memref_slice %arg7[%run_scoped3A_683, %dma_wait3A_748, %dma_wait3A_749] : memref<2x16x125xi32, #tpu.memory_space<vmem>> -> memref<1x16x125xi32, #tpu.memory_space<vmem>>
      %dma_wait3A_751 = tpu.memref_squeeze %dma_wait3A_750 : memref<1x16x125xi32, #tpu.memory_space<vmem>> -> memref<16x125xi32, #tpu.memory_space<vmem>>
      %dma_wait3A_752 = arith.constant 0 : i32
      %dma_wait3A_753 = tpu.memref_slice %dma_wait3A_751[%run_scoped3A_684, %dma_wait3A_752] : memref<16x125xi32, #tpu.memory_space<vmem>> -> memref<1x125xi32, #tpu.memory_space<vmem>>
      %dma_wait3A_754 = tpu.memref_squeeze %dma_wait3A_753 : memref<1x125xi32, #tpu.memory_space<vmem>> -> memref<125xi32, #tpu.memory_space<vmem>>
      %dma_wait3A_755 = arith.constant 0 : i32
      %dma_wait3A_756 = arith.constant 0 : i32
      %dma_wait3A_757 = tpu.memref_slice %arg10[%dma_wait3A_755, %dma_wait3A_756] : memref<10240x128xf32, #tpu.memory_space<vmem_shared>> -> memref<10240x128xf32, #tpu.memory_space<vmem_shared>>
      tpu.wait_indirect_dma semaphore(%run_scoped3A_737 : memref<!tpu.dma_semaphore, #tpu.memory_space<semaphore_mem>>) src(%arg9 : memref<125x128xf32, #tpu.memory_space<vmem>>) dst(%dma_wait3A_757 : memref<10240x128xf32, #tpu.memory_space<vmem_shared>>)
      tpu.yield
    }) : () -> ()
    %scan3A_685 = arith.constant 0 : i32
    %scan3A_686 = arith.constant 0 : i32
    %scan3A_687 = arith.constant 0 : i32
    %scan3A_688 = arith.constant 0 : i32
    %scan3A_689 = arith.constant 7 : i32
    %scan3A_690 = arith.addi %scan3A_688, %scan3A_689 : i32
    %scan3A_691 = arith.constant 1 : i32
    scf.for %scan3A_737 = %scan3A_688 to %scan3A_690 step %scan3A_691  : i32 {
      %mul3A_738 = arith.constant 2 : i32
      %mul3A_739 = arith.muli %mul3A_738, %scan3A_737 : i32
      %dma_wait3A_740 = arith.constant 0 : i32
      %dma_wait3A_741 = arith.constant 0 : i32
      %dma_wait3A_742 = tpu.memref_slice %arg8[%dma_wait3A_740, %dma_wait3A_741] : memref<128x128xf32, #tpu.memory_space<vmem>> -> memref<125x128xf32, #tpu.memory_space<vmem>>
      %dma_wait3A_743 = arith.constant 0 : i32
      %dma_wait3A_744 = arith.constant 0 : i32
      %dma_wait3A_745 = tpu.memref_slice %arg6[%scan3A_686, %dma_wait3A_743, %dma_wait3A_744] : memref<2x16x125xi32, #tpu.memory_space<vmem>> -> memref<1x16x125xi32, #tpu.memory_space<vmem>>
      %dma_wait3A_746 = tpu.memref_squeeze %dma_wait3A_745 : memref<1x16x125xi32, #tpu.memory_space<vmem>> -> memref<16x125xi32, #tpu.memory_space<vmem>>
      %dma_wait3A_747 = arith.constant 0 : i32
      %dma_wait3A_748 = tpu.memref_slice %dma_wait3A_746[%mul3A_739, %dma_wait3A_747] : memref<16x125xi32, #tpu.memory_space<vmem>> -> memref<1x125xi32, #tpu.memory_space<vmem>>
      %dma_wait3A_749 = tpu.memref_squeeze %dma_wait3A_748 : memref<1x125xi32, #tpu.memory_space<vmem>> -> memref<125xi32, #tpu.memory_space<vmem>>
      %dma_wait3A_750 = arith.constant 0 : i32
      %dma_wait3A_751 = arith.constant 0 : i32
      %dma_wait3A_752 = tpu.memref_slice %arg2[%dma_wait3A_750, %dma_wait3A_751] : memref<10000x128xf32, #tpu.memory_space<hbm>> -> memref<10000x128xf32, #tpu.memory_space<hbm>>
      tpu.wait_indirect_dma semaphore(%arg11 : memref<!tpu.dma_semaphore, #tpu.memory_space<semaphore_mem>>) src(%dma_wait3A_752 : memref<10000x128xf32, #tpu.memory_space<hbm>>) dst(%dma_wait3A_742 : memref<125x128xf32, #tpu.memory_space<vmem>>)
      %add3A_753 = arith.constant 1 : i32
      %add3A_754 = arith.addi %mul3A_739, %add3A_753 : i32
      %dma_start3A_755 = arith.constant 0 : i32
      %dma_start3A_756 = arith.constant 0 : i32
      %dma_start3A_757 = tpu.memref_slice %arg6[%scan3A_686, %dma_start3A_755, %dma_start3A_756] : memref<2x16x125xi32, #tpu.memory_space<vmem>> -> memref<1x16x125xi32, #tpu.memory_space<vmem>>
      %dma_start3A_758 = tpu.memref_squeeze %dma_start3A_757 : memref<1x16x125xi32, #tpu.memory_space<vmem>> -> memref<16x125xi32, #tpu.memory_space<vmem>>
      %dma_start3A_759 = arith.constant 0 : i32
      %dma_start3A_760 = tpu.memref_slice %dma_start3A_758[%add3A_754, %dma_start3A_759] : memref<16x125xi32, #tpu.memory_space<vmem>> -> memref<1x125xi32, #tpu.memory_space<vmem>>
      %dma_start3A_761 = tpu.memref_squeeze %dma_start3A_760 : memref<1x125xi32, #tpu.memory_space<vmem>> -> memref<125xi32, #tpu.memory_space<vmem>>
      %dma_start3A_762 = arith.constant 0 : i32
      %dma_start3A_763 = arith.constant 0 : i32
      %dma_start3A_764 = tpu.memref_slice %arg2[%dma_start3A_762, %dma_start3A_763] : memref<10000x128xf32, #tpu.memory_space<hbm>> -> memref<10000x128xf32, #tpu.memory_space<hbm>>
      tpu.enqueue_indirect_dma source(%dma_start3A_764 : memref<10000x128xf32, #tpu.memory_space<hbm>>) target(%arg9 : memref<125x128xf32, #tpu.memory_space<vmem>>) offsets(%dma_start3A_761 : memref<125xi32, #tpu.memory_space<vmem>>) semaphore(%arg12 : memref<!tpu.dma_semaphore, #tpu.memory_space<semaphore_mem>>)
      "tpu.region"() ({
        %run_scoped3A_794 = tpu.sem_alloc : memref<!tpu.dma_semaphore, #tpu.memory_space<semaphore_mem>>
        %dma_start3A_795 = arith.constant 0 : i32
        %dma_start3A_796 = arith.constant 0 : i32
        %dma_start3A_797 = tpu.memref_slice %arg8[%dma_start3A_795, %dma_start3A_796] : memref<128x128xf32, #tpu.memory_space<vmem>> -> memref<125x128xf32, #tpu.memory_space<vmem>>
        %dma_start3A_798 = arith.constant 0 : i32
        %dma_start3A_799 = arith.constant 0 : i32
        %dma_start3A_800 = tpu.memref_slice %arg7[%scan3A_687, %dma_start3A_798, %dma_start3A_799] : memref<2x16x125xi32, #tpu.memory_space<vmem>> -> memref<1x16x125xi32, #tpu.memory_space<vmem>>
        %dma_start3A_801 = tpu.memref_squeeze %dma_start3A_800 : memref<1x16x125xi32, #tpu.memory_space<vmem>> -> memref<16x125xi32, #tpu.memory_space<vmem>>
        %dma_start3A_802 = arith.constant 0 : i32
        %dma_start3A_803 = tpu.memref_slice %dma_start3A_801[%mul3A_739, %dma_start3A_802] : memref<16x125xi32, #tpu.memory_space<vmem>> -> memref<1x125xi32, #tpu.memory_space<vmem>>
        %dma_start3A_804 = tpu.memref_squeeze %dma_start3A_803 : memref<1x125xi32, #tpu.memory_space<vmem>> -> memref<125xi32, #tpu.memory_space<vmem>>
        %dma_start3A_805 = arith.constant 0 : i32
        %dma_start3A_806 = arith.constant 0 : i32
        %dma_start3A_807 = tpu.memref_slice %arg10[%dma_start3A_805, %dma_start3A_806] : memref<10240x128xf32, #tpu.memory_space<vmem_shared>> -> memref<10240x128xf32, #tpu.memory_space<vmem_shared>>
        tpu.enqueue_indirect_dma source(%dma_start3A_797 : memref<125x128xf32, #tpu.memory_space<vmem>>) target(%dma_start3A_807 : memref<10240x128xf32, #tpu.memory_space<vmem_shared>>) offsets(%dma_start3A_804 : memref<125xi32, #tpu.memory_space<vmem>>) semaphore(%run_scoped3A_794 : memref<!tpu.dma_semaphore, #tpu.memory_space<semaphore_mem>>) {add = true}
        %dma_wait3A_808 = arith.constant 0 : i32
        %dma_wait3A_809 = arith.constant 0 : i32
        %dma_wait3A_810 = tpu.memref_slice %arg8[%dma_wait3A_808, %dma_wait3A_809] : memref<128x128xf32, #tpu.memory_space<vmem>> -> memref<125x128xf32, #tpu.memory_space<vmem>>
        %dma_wait3A_811 = arith.constant 0 : i32
        %dma_wait3A_812 = arith.constant 0 : i32
        %dma_wait3A_813 = tpu.memref_slice %arg7[%scan3A_687, %dma_wait3A_811, %dma_wait3A_812] : memref<2x16x125xi32, #tpu.memory_space<vmem>> -> memref<1x16x125xi32, #tpu.memory_space<vmem>>
        %dma_wait3A_814 = tpu.memref_squeeze %dma_wait3A_813 : memref<1x16x125xi32, #tpu.memory_space<vmem>> -> memref<16x125xi32, #tpu.memory_space<vmem>>
        %dma_wait3A_815 = arith.constant 0 : i32
        %dma_wait3A_816 = tpu.memref_slice %dma_wait3A_814[%mul3A_739, %dma_wait3A_815] : memref<16x125xi32, #tpu.memory_space<vmem>> -> memref<1x125xi32, #tpu.memory_space<vmem>>
        %dma_wait3A_817 = tpu.memref_squeeze %dma_wait3A_816 : memref<1x125xi32, #tpu.memory_space<vmem>> -> memref<125xi32, #tpu.memory_space<vmem>>
        %dma_wait3A_818 = arith.constant 0 : i32
        %dma_wait3A_819 = arith.constant 0 : i32
        %dma_wait3A_820 = tpu.memref_slice %arg10[%dma_wait3A_818, %dma_wait3A_819] : memref<10240x128xf32, #tpu.memory_space<vmem_shared>> -> memref<10240x128xf32, #tpu.memory_space<vmem_shared>>
        tpu.wait_indirect_dma semaphore(%run_scoped3A_794 : memref<!tpu.dma_semaphore, #tpu.memory_space<semaphore_mem>>) src(%dma_wait3A_810 : memref<125x128xf32, #tpu.memory_space<vmem>>) dst(%dma_wait3A_820 : memref<10240x128xf32, #tpu.memory_space<vmem_shared>>)
        tpu.yield
      }) : () -> ()
      %add3A_765 = arith.constant 1 : i32
      %add3A_766 = arith.addi %mul3A_739, %add3A_765 : i32
      %dma_wait3A_767 = arith.constant 0 : i32
      %dma_wait3A_768 = arith.constant 0 : i32
      %dma_wait3A_769 = tpu.memref_slice %arg6[%scan3A_686, %dma_wait3A_767, %dma_wait3A_768] : memref<2x16x125xi32, #tpu.memory_space<vmem>> -> memref<1x16x125xi32, #tpu.memory_space<vmem>>
      %dma_wait3A_770 = tpu.memref_squeeze %dma_wait3A_769 : memref<1x16x125xi32, #tpu.memory_space<vmem>> -> memref<16x125xi32, #tpu.memory_space<vmem>>
      %dma_wait3A_771 = arith.constant 0 : i32
      %dma_wait3A_772 = tpu.memref_slice %dma_wait3A_770[%add3A_766, %dma_wait3A_771] : memref<16x125xi32, #tpu.memory_space<vmem>> -> memref<1x125xi32, #tpu.memory_space<vmem>>
      %dma_wait3A_773 = tpu.memref_squeeze %dma_wait3A_772 : memref<1x125xi32, #tpu.memory_space<vmem>> -> memref<125xi32, #tpu.memory_space<vmem>>
      %dma_wait3A_774 = arith.constant 0 : i32
      %dma_wait3A_775 = arith.constant 0 : i32
      %dma_wait3A_776 = tpu.memref_slice %arg2[%dma_wait3A_774, %dma_wait3A_775] : memref<10000x128xf32, #tpu.memory_space<hbm>> -> memref<10000x128xf32, #tpu.memory_space<hbm>>
      tpu.wait_indirect_dma semaphore(%arg12 : memref<!tpu.dma_semaphore, #tpu.memory_space<semaphore_mem>>) src(%dma_wait3A_776 : memref<10000x128xf32, #tpu.memory_space<hbm>>) dst(%arg9 : memref<125x128xf32, #tpu.memory_space<vmem>>)
      %add3A_777 = arith.constant 2 : i32
      %add3A_778 = arith.addi %mul3A_739, %add3A_777 : i32
      %dma_start3A_779 = arith.constant 0 : i32
      %dma_start3A_780 = arith.constant 0 : i32
      %dma_start3A_781 = tpu.memref_slice %arg8[%dma_start3A_779, %dma_start3A_780] : memref<128x128xf32, #tpu.memory_space<vmem>> -> memref<125x128xf32, #tpu.memory_space<vmem>>
      %dma_start3A_782 = arith.constant 0 : i32
      %dma_start3A_783 = arith.constant 0 : i32
      %dma_start3A_784 = tpu.memref_slice %arg6[%scan3A_686, %dma_start3A_782, %dma_start3A_783] : memref<2x16x125xi32, #tpu.memory_space<vmem>> -> memref<1x16x125xi32, #tpu.memory_space<vmem>>
      %dma_start3A_785 = tpu.memref_squeeze %dma_start3A_784 : memref<1x16x125xi32, #tpu.memory_space<vmem>> -> memref<16x125xi32, #tpu.memory_space<vmem>>
      %dma_start3A_786 = arith.constant 0 : i32
      %dma_start3A_787 = tpu.memref_slice %dma_start3A_785[%add3A_778, %dma_start3A_786] : memref<16x125xi32, #tpu.memory_space<vmem>> -> memref<1x125xi32, #tpu.memory_space<vmem>>
      %dma_start3A_788 = tpu.memref_squeeze %dma_start3A_787 : memref<1x125xi32, #tpu.memory_space<vmem>> -> memref<125xi32, #tpu.memory_space<vmem>>
      %dma_start3A_789 = arith.constant 0 : i32
      %dma_start3A_790 = arith.constant 0 : i32
      %dma_start3A_791 = tpu.memref_slice %arg2[%dma_start3A_789, %dma_start3A_790] : memref<10000x128xf32, #tpu.memory_space<hbm>> -> memref<10000x128xf32, #tpu.memory_space<hbm>>
      tpu.enqueue_indirect_dma source(%dma_start3A_791 : memref<10000x128xf32, #tpu.memory_space<hbm>>) target(%dma_start3A_781 : memref<125x128xf32, #tpu.memory_space<vmem>>) offsets(%dma_start3A_788 : memref<125xi32, #tpu.memory_space<vmem>>) semaphore(%arg11 : memref<!tpu.dma_semaphore, #tpu.memory_space<semaphore_mem>>)
      %add3A_792 = arith.constant 1 : i32
      %add3A_793 = arith.addi %mul3A_739, %add3A_792 : i32
      "tpu.region"() ({
        %run_scoped3A_794 = tpu.sem_alloc : memref<!tpu.dma_semaphore, #tpu.memory_space<semaphore_mem>>
        %dma_start3A_795 = arith.constant 0 : i32
        %dma_start3A_796 = arith.constant 0 : i32
        %dma_start3A_797 = tpu.memref_slice %arg7[%scan3A_687, %dma_start3A_795, %dma_start3A_796] : memref<2x16x125xi32, #tpu.memory_space<vmem>> -> memref<1x16x125xi32, #tpu.memory_space<vmem>>
        %dma_start3A_798 = tpu.memref_squeeze %dma_start3A_797 : memref<1x16x125xi32, #tpu.memory_space<vmem>> -> memref<16x125xi32, #tpu.memory_space<vmem>>
        %dma_start3A_799 = arith.constant 0 : i32
        %dma_start3A_800 = tpu.memref_slice %dma_start3A_798[%add3A_793, %dma_start3A_799] : memref<16x125xi32, #tpu.memory_space<vmem>> -> memref<1x125xi32, #tpu.memory_space<vmem>>
        %dma_start3A_801 = tpu.memref_squeeze %dma_start3A_800 : memref<1x125xi32, #tpu.memory_space<vmem>> -> memref<125xi32, #tpu.memory_space<vmem>>
        %dma_start3A_802 = arith.constant 0 : i32
        %dma_start3A_803 = arith.constant 0 : i32
        %dma_start3A_804 = tpu.memref_slice %arg10[%dma_start3A_802, %dma_start3A_803] : memref<10240x128xf32, #tpu.memory_space<vmem_shared>> -> memref<10240x128xf32, #tpu.memory_space<vmem_shared>>
        tpu.enqueue_indirect_dma source(%arg9 : memref<125x128xf32, #tpu.memory_space<vmem>>) target(%dma_start3A_804 : memref<10240x128xf32, #tpu.memory_space<vmem_shared>>) offsets(%dma_start3A_801 : memref<125xi32, #tpu.memory_space<vmem>>) semaphore(%run_scoped3A_794 : memref<!tpu.dma_semaphore, #tpu.memory_space<semaphore_mem>>) {add = true}
        %dma_wait3A_805 = arith.constant 0 : i32
        %dma_wait3A_806 = arith.constant 0 : i32
        %dma_wait3A_807 = tpu.memref_slice %arg7[%scan3A_687, %dma_wait3A_805, %dma_wait3A_806] : memref<2x16x125xi32, #tpu.memory_space<vmem>> -> memref<1x16x125xi32, #tpu.memory_space<vmem>>
        %dma_wait3A_808 = tpu.memref_squeeze %dma_wait3A_807 : memref<1x16x125xi32, #tpu.memory_space<vmem>> -> memref<16x125xi32, #tpu.memory_space<vmem>>
        %dma_wait3A_809 = arith.constant 0 : i32
        %dma_wait3A_810 = tpu.memref_slice %dma_wait3A_808[%add3A_793, %dma_wait3A_809] : memref<16x125xi32, #tpu.memory_space<vmem>> -> memref<1x125xi32, #tpu.memory_space<vmem>>
        %dma_wait3A_811 = tpu.memref_squeeze %dma_wait3A_810 : memref<1x125xi32, #tpu.memory_space<vmem>> -> memref<125xi32, #tpu.memory_space<vmem>>
        %dma_wait3A_812 = arith.constant 0 : i32
        %dma_wait3A_813 = arith.constant 0 : i32
        %dma_wait3A_814 = tpu.memref_slice %arg10[%dma_wait3A_812, %dma_wait3A_813] : memref<10240x128xf32, #tpu.memory_space<vmem_shared>> -> memref<10240x128xf32, #tpu.memory_space<vmem_shared>>
        tpu.wait_indirect_dma semaphore(%run_scoped3A_794 : memref<!tpu.dma_semaphore, #tpu.memory_space<semaphore_mem>>) src(%arg9 : memref<125x128xf32, #tpu.memory_space<vmem>>) dst(%dma_wait3A_814 : memref<10240x128xf32, #tpu.memory_space<vmem_shared>>)
        tpu.yield
      }) : () -> ()
    }
    %scan3A_692 = arith.constant 7 : i32
    %dma_wait3A_693 = arith.constant 0 : i32
    %dma_wait3A_694 = arith.constant 14 : i32
    %dma_wait3A_695 = arith.constant 0 : i32
    %dma_wait3A_696 = arith.constant 0 : i32
    %dma_wait3A_697 = tpu.memref_slice %arg8[%dma_wait3A_695, %dma_wait3A_696] : memref<128x128xf32, #tpu.memory_space<vmem>> -> memref<125x128xf32, #tpu.memory_space<vmem>>
    %dma_wait3A_698 = arith.constant 0 : i32
    %dma_wait3A_699 = arith.constant 0 : i32
    %dma_wait3A_700 = tpu.memref_slice %arg6[%dma_wait3A_693, %dma_wait3A_698, %dma_wait3A_699] : memref<2x16x125xi32, #tpu.memory_space<vmem>> -> memref<1x16x125xi32, #tpu.memory_space<vmem>>
    %dma_wait3A_701 = tpu.memref_squeeze %dma_wait3A_700 : memref<1x16x125xi32, #tpu.memory_space<vmem>> -> memref<16x125xi32, #tpu.memory_space<vmem>>
    %dma_wait3A_702 = arith.constant 0 : i32
    %dma_wait3A_703 = tpu.memref_slice %dma_wait3A_701[%dma_wait3A_694, %dma_wait3A_702] : memref<16x125xi32, #tpu.memory_space<vmem>> -> memref<1x125xi32, #tpu.memory_space<vmem>>
    %dma_wait3A_704 = tpu.memref_squeeze %dma_wait3A_703 : memref<1x125xi32, #tpu.memory_space<vmem>> -> memref<125xi32, #tpu.memory_space<vmem>>
    %dma_wait3A_705 = arith.constant 0 : i32
    %dma_wait3A_706 = arith.constant 0 : i32
    %dma_wait3A_707 = tpu.memref_slice %arg2[%dma_wait3A_705, %dma_wait3A_706] : memref<10000x128xf32, #tpu.memory_space<hbm>> -> memref<10000x128xf32, #tpu.memory_space<hbm>>
    tpu.wait_indirect_dma semaphore(%arg11 : memref<!tpu.dma_semaphore, #tpu.memory_space<semaphore_mem>>) src(%dma_wait3A_707 : memref<10000x128xf32, #tpu.memory_space<hbm>>) dst(%dma_wait3A_697 : memref<125x128xf32, #tpu.memory_space<vmem>>)
    %dma_start3A_708 = arith.constant 0 : i32
    %dma_start3A_709 = arith.constant 15 : i32
    %dma_start3A_710 = arith.constant 0 : i32
    %dma_start3A_711 = arith.constant 0 : i32
    %dma_start3A_712 = tpu.memref_slice %arg6[%dma_start3A_708, %dma_start3A_710, %dma_start3A_711] : memref<2x16x125xi32, #tpu.memory_space<vmem>> -> memref<1x16x125xi32, #tpu.memory_space<vmem>>
    %dma_start3A_713 = tpu.memref_squeeze %dma_start3A_712 : memref<1x16x125xi32, #tpu.memory_space<vmem>> -> memref<16x125xi32, #tpu.memory_space<vmem>>
    %dma_start3A_714 = arith.constant 0 : i32
    %dma_start3A_715 = tpu.memref_slice %dma_start3A_713[%dma_start3A_709, %dma_start3A_714] : memref<16x125xi32, #tpu.memory_space<vmem>> -> memref<1x125xi32, #tpu.memory_space<vmem>>
    %dma_start3A_716 = tpu.memref_squeeze %dma_start3A_715 : memref<1x125xi32, #tpu.memory_space<vmem>> -> memref<125xi32, #tpu.memory_space<vmem>>
    %dma_start3A_717 = arith.constant 0 : i32
    %dma_start3A_718 = arith.constant 0 : i32
    %dma_start3A_719 = tpu.memref_slice %arg2[%dma_start3A_717, %dma_start3A_718] : memref<10000x128xf32, #tpu.memory_space<hbm>> -> memref<10000x128xf32, #tpu.memory_space<hbm>>
    tpu.enqueue_indirect_dma source(%dma_start3A_719 : memref<10000x128xf32, #tpu.memory_space<hbm>>) target(%arg9 : memref<125x128xf32, #tpu.memory_space<vmem>>) offsets(%dma_start3A_716 : memref<125xi32, #tpu.memory_space<vmem>>) semaphore(%arg12 : memref<!tpu.dma_semaphore, #tpu.memory_space<semaphore_mem>>)
    %run_scoped3A_720 = arith.constant 0 : i32
    %run_scoped3A_721 = arith.constant 14 : i32
    "tpu.region"() ({
      %run_scoped3A_737 = tpu.sem_alloc : memref<!tpu.dma_semaphore, #tpu.memory_space<semaphore_mem>>
      %dma_start3A_738 = arith.constant 0 : i32
      %dma_start3A_739 = arith.constant 0 : i32
      %dma_start3A_740 = tpu.memref_slice %arg8[%dma_start3A_738, %dma_start3A_739] : memref<128x128xf32, #tpu.memory_space<vmem>> -> memref<125x128xf32, #tpu.memory_space<vmem>>
      %dma_start3A_741 = arith.constant 0 : i32
      %dma_start3A_742 = arith.constant 0 : i32
      %dma_start3A_743 = tpu.memref_slice %arg7[%run_scoped3A_720, %dma_start3A_741, %dma_start3A_742] : memref<2x16x125xi32, #tpu.memory_space<vmem>> -> memref<1x16x125xi32, #tpu.memory_space<vmem>>
      %dma_start3A_744 = tpu.memref_squeeze %dma_start3A_743 : memref<1x16x125xi32, #tpu.memory_space<vmem>> -> memref<16x125xi32, #tpu.memory_space<vmem>>
      %dma_start3A_745 = arith.constant 0 : i32
      %dma_start3A_746 = tpu.memref_slice %dma_start3A_744[%run_scoped3A_721, %dma_start3A_745] : memref<16x125xi32, #tpu.memory_space<vmem>> -> memref<1x125xi32, #tpu.memory_space<vmem>>
      %dma_start3A_747 = tpu.memref_squeeze %dma_start3A_746 : memref<1x125xi32, #tpu.memory_space<vmem>> -> memref<125xi32, #tpu.memory_space<vmem>>
      %dma_start3A_748 = arith.constant 0 : i32
      %dma_start3A_749 = arith.constant 0 : i32
      %dma_start3A_750 = tpu.memref_slice %arg10[%dma_start3A_748, %dma_start3A_749] : memref<10240x128xf32, #tpu.memory_space<vmem_shared>> -> memref<10240x128xf32, #tpu.memory_space<vmem_shared>>
      tpu.enqueue_indirect_dma source(%dma_start3A_740 : memref<125x128xf32, #tpu.memory_space<vmem>>) target(%dma_start3A_750 : memref<10240x128xf32, #tpu.memory_space<vmem_shared>>) offsets(%dma_start3A_747 : memref<125xi32, #tpu.memory_space<vmem>>) semaphore(%run_scoped3A_737 : memref<!tpu.dma_semaphore, #tpu.memory_space<semaphore_mem>>) {add = true}
      %dma_wait3A_751 = arith.constant 0 : i32
      %dma_wait3A_752 = arith.constant 0 : i32
      %dma_wait3A_753 = tpu.memref_slice %arg8[%dma_wait3A_751, %dma_wait3A_752] : memref<128x128xf32, #tpu.memory_space<vmem>> -> memref<125x128xf32, #tpu.memory_space<vmem>>
      %dma_wait3A_754 = arith.constant 0 : i32
      %dma_wait3A_755 = arith.constant 0 : i32
      %dma_wait3A_756 = tpu.memref_slice %arg7[%run_scoped3A_720, %dma_wait3A_754, %dma_wait3A_755] : memref<2x16x125xi32, #tpu.memory_space<vmem>> -> memref<1x16x125xi32, #tpu.memory_space<vmem>>
      %dma_wait3A_757 = tpu.memref_squeeze %dma_wait3A_756 : memref<1x16x125xi32, #tpu.memory_space<vmem>> -> memref<16x125xi32, #tpu.memory_space<vmem>>
      %dma_wait3A_758 = arith.constant 0 : i32
      %dma_wait3A_759 = tpu.memref_slice %dma_wait3A_757[%run_scoped3A_721, %dma_wait3A_758] : memref<16x125xi32, #tpu.memory_space<vmem>> -> memref<1x125xi32, #tpu.memory_space<vmem>>
      %dma_wait3A_760 = tpu.memref_squeeze %dma_wait3A_759 : memref<1x125xi32, #tpu.memory_space<vmem>> -> memref<125xi32, #tpu.memory_space<vmem>>
      %dma_wait3A_761 = arith.constant 0 : i32
      %dma_wait3A_762 = arith.constant 0 : i32
      %dma_wait3A_763 = tpu.memref_slice %arg10[%dma_wait3A_761, %dma_wait3A_762] : memref<10240x128xf32, #tpu.memory_space<vmem_shared>> -> memref<10240x128xf32, #tpu.memory_space<vmem_shared>>
      tpu.wait_indirect_dma semaphore(%run_scoped3A_737 : memref<!tpu.dma_semaphore, #tpu.memory_space<semaphore_mem>>) src(%dma_wait3A_753 : memref<125x128xf32, #tpu.memory_space<vmem>>) dst(%dma_wait3A_763 : memref<10240x128xf32, #tpu.memory_space<vmem_shared>>)
      tpu.yield
    }) : () -> ()
    %dma_wait3A_722 = arith.constant 0 : i32
    %dma_wait3A_723 = arith.constant 15 : i32
    %dma_wait3A_724 = arith.constant 0 : i32
    %dma_wait3A_725 = arith.constant 0 : i32
    %dma_wait3A_726 = tpu.memref_slice %arg6[%dma_wait3A_722, %dma_wait3A_724, %dma_wait3A_725] : memref<2x16x125xi32, #tpu.memory_space<vmem>> -> memref<1x16x125xi32, #tpu.memory_space<vmem>>
    %dma_wait3A_727 = tpu.memref_squeeze %dma_wait3A_726 : memref<1x16x125xi32, #tpu.memory_space<vmem>> -> memref<16x125xi32, #tpu.memory_space<vmem>>
    %dma_wait3A_728 = arith.constant 0 : i32
    %dma_wait3A_729 = tpu.memref_slice %dma_wait3A_727[%dma_wait3A_723, %dma_wait3A_728] : memref<16x125xi32, #tpu.memory_space<vmem>> -> memref<1x125xi32, #tpu.memory_space<vmem>>
    %dma_wait3A_730 = tpu.memref_squeeze %dma_wait3A_729 : memref<1x125xi32, #tpu.memory_space<vmem>> -> memref<125xi32, #tpu.memory_space<vmem>>
    %dma_wait3A_731 = arith.constant 0 : i32
    %dma_wait3A_732 = arith.constant 0 : i32
    %dma_wait3A_733 = tpu.memref_slice %arg2[%dma_wait3A_731, %dma_wait3A_732] : memref<10000x128xf32, #tpu.memory_space<hbm>> -> memref<10000x128xf32, #tpu.memory_space<hbm>>
    tpu.wait_indirect_dma semaphore(%arg12 : memref<!tpu.dma_semaphore, #tpu.memory_space<semaphore_mem>>) src(%dma_wait3A_733 : memref<10000x128xf32, #tpu.memory_space<hbm>>) dst(%arg9 : memref<125x128xf32, #tpu.memory_space<vmem>>)
    %run_scoped3A_734 = arith.constant 0 : i32
    %run_scoped3A_735 = arith.constant 15 : i32
    "tpu.region"() ({
      %run_scoped3A_737 = tpu.sem_alloc : memref<!tpu.dma_semaphore, #tpu.memory_space<semaphore_mem>>
      %dma_start3A_738 = arith.constant 0 : i32
      %dma_start3A_739 = arith.constant 0 : i32
      %dma_start3A_740 = tpu.memref_slice %arg7[%run_scoped3A_734, %dma_start3A_738, %dma_start3A_739] : memref<2x16x125xi32, #tpu.memory_space<vmem>> -> memref<1x16x125xi32, #tpu.memory_space<vmem>>
      %dma_start3A_741 = tpu.memref_squeeze %dma_start3A_740 : memref<1x16x125xi32, #tpu.memory_space<vmem>> -> memref<16x125xi32, #tpu.memory_space<vmem>>
      %dma_start3A_742 = arith.constant 0 : i32
      %dma_start3A_743 = tpu.memref_slice %dma_start3A_741[%run_scoped3A_735, %dma_start3A_742] : memref<16x125xi32, #tpu.memory_space<vmem>> -> memref<1x125xi32, #tpu.memory_space<vmem>>
      %dma_start3A_744 = tpu.memref_squeeze %dma_start3A_743 : memref<1x125xi32, #tpu.memory_space<vmem>> -> memref<125xi32, #tpu.memory_space<vmem>>
      %dma_start3A_745 = arith.constant 0 : i32
      %dma_start3A_746 = arith.constant 0 : i32
      %dma_start3A_747 = tpu.memref_slice %arg10[%dma_start3A_745, %dma_start3A_746] : memref<10240x128xf32, #tpu.memory_space<vmem_shared>> -> memref<10240x128xf32, #tpu.memory_space<vmem_shared>>
      tpu.enqueue_indirect_dma source(%arg9 : memref<125x128xf32, #tpu.memory_space<vmem>>) target(%dma_start3A_747 : memref<10240x128xf32, #tpu.memory_space<vmem_shared>>) offsets(%dma_start3A_744 : memref<125xi32, #tpu.memory_space<vmem>>) semaphore(%run_scoped3A_737 : memref<!tpu.dma_semaphore, #tpu.memory_space<semaphore_mem>>) {add = true}
      %dma_wait3A_748 = arith.constant 0 : i32
      %dma_wait3A_749 = arith.constant 0 : i32
      %dma_wait3A_750 = tpu.memref_slice %arg7[%run_scoped3A_734, %dma_wait3A_748, %dma_wait3A_749] : memref<2x16x125xi32, #tpu.memory_space<vmem>> -> memref<1x16x125xi32, #tpu.memory_space<vmem>>
      %dma_wait3A_751 = tpu.memref_squeeze %dma_wait3A_750 : memref<1x16x125xi32, #tpu.memory_space<vmem>> -> memref<16x125xi32, #tpu.memory_space<vmem>>
      %dma_wait3A_752 = arith.constant 0 : i32
      %dma_wait3A_753 = tpu.memref_slice %dma_wait3A_751[%run_scoped3A_735, %dma_wait3A_752] : memref<16x125xi32, #tpu.memory_space<vmem>> -> memref<1x125xi32, #tpu.memory_space<vmem>>
      %dma_wait3A_754 = tpu.memref_squeeze %dma_wait3A_753 : memref<1x125xi32, #tpu.memory_space<vmem>> -> memref<125xi32, #tpu.memory_space<vmem>>
      %dma_wait3A_755 = arith.constant 0 : i32
      %dma_wait3A_756 = arith.constant 0 : i32
      %dma_wait3A_757 = tpu.memref_slice %arg10[%dma_wait3A_755, %dma_wait3A_756] : memref<10240x128xf32, #tpu.memory_space<vmem_shared>> -> memref<10240x128xf32, #tpu.memory_space<vmem_shared>>
      tpu.wait_indirect_dma semaphore(%run_scoped3A_737 : memref<!tpu.dma_semaphore, #tpu.memory_space<semaphore_mem>>) src(%arg9 : memref<125x128xf32, #tpu.memory_space<vmem>>) dst(%dma_wait3A_757 : memref<10240x128xf32, #tpu.memory_space<vmem_shared>>)
      tpu.yield
    }) : () -> ()
    %barrier3A_736 = arith.constant 0 : index
    tpu.barrier barrier_id(%barrier3A_736)
    "tpu.region"() ({
      %run_scoped3A_737 = tpu.sem_alloc : memref<!tpu.dma_semaphore, #tpu.memory_space<semaphore_mem>>
      %dma_start3A_738 = arith.constant 0 : i32
      %dma_start3A_739 = tpu.memref_slice %arg5[%arg0, %mul3A_41, %dma_start3A_738] : memref<2x10240x128xf32, #tpu.memory_space<hbm>> -> memref<1x640x128xf32, #tpu.memory_space<hbm>>
      %dma_start3A_740 = tpu.memref_squeeze %dma_start3A_739 : memref<1x640x128xf32, #tpu.memory_space<hbm>> -> memref<640x128xf32, #tpu.memory_space<hbm>>
      %dma_start3A_741 = arith.constant 0 : i32
      %dma_start3A_742 = tpu.memref_slice %arg10[%mul3A_41, %dma_start3A_741] : memref<10240x128xf32, #tpu.memory_space<vmem_shared>> -> memref<640x128xf32, #tpu.memory_space<vmem_shared>>
      tpu.enqueue_dma source(%dma_start3A_742 : memref<640x128xf32, #tpu.memory_space<vmem_shared>>) target(%dma_start3A_740 : memref<640x128xf32, #tpu.memory_space<hbm>>) target_semaphore(%run_scoped3A_737 : memref<!tpu.dma_semaphore, #tpu.memory_space<semaphore_mem>>)
      %dma_wait3A_743 = arith.constant 0 : i32
      %dma_wait3A_744 = tpu.memref_slice %arg5[%arg0, %mul3A_41, %dma_wait3A_743] : memref<2x10240x128xf32, #tpu.memory_space<hbm>> -> memref<1x640x128xf32, #tpu.memory_space<hbm>>
      %dma_wait3A_745 = tpu.memref_squeeze %dma_wait3A_744 : memref<1x640x128xf32, #tpu.memory_space<hbm>> -> memref<640x128xf32, #tpu.memory_space<hbm>>
      %dma_wait3A_746 = arith.constant 0 : i32
      %dma_wait3A_747 = tpu.memref_slice %arg10[%mul3A_41, %dma_wait3A_746] : memref<10240x128xf32, #tpu.memory_space<vmem_shared>> -> memref<640x128xf32, #tpu.memory_space<vmem_shared>>
      tpu.wait_dma2 semaphore(%run_scoped3A_737 : memref<!tpu.dma_semaphore, #tpu.memory_space<semaphore_mem>>) src(%dma_wait3A_747 : memref<640x128xf32, #tpu.memory_space<vmem_shared>>) dst(%dma_wait3A_745 : memref<640x128xf32, #tpu.memory_space<hbm>>)
      tpu.yield
    }) : () -> ()
    return
  }
}

#map = affine_map<(d0, d1) -> (0, 0, 0)>
#map1 = affine_map<(d0, d1) -> (0, 0)>
module attributes {stable_mosaic.version = 14 : i64} {
  func.func @hist(%arg0: i32, %arg1: i32, %arg2: memref<32x625x16xi32, #tpu.memory_space<hbm>>, %arg3: memref<32x10000xf32, #tpu.memory_space<hbm>>, %arg4: memref<625x16xi32, #tpu.memory_space<vmem>>, %arg5: memref<10000xf32, #tpu.memory_space<vmem>>) attributes {dimension_semantics = [#tpu.dimension_semantics<core_parallel>, #tpu.dimension_semantics<subcore_parallel>], iteration_bounds = array<i64: 2, 16>, scalar_prefetch = 0 : i64, scratch_operands = 2 : i64, tpu.core_type = #tpu.core_type<sc_vector_subcore>, window_params = [{transform_indices = #map}, {transform_indices = #map1}]} {
    %mul3A = arith.constant 16 : i32
    %mul3A_0 = arith.muli %arg0, %mul3A : i32
    %add3A = arith.addi %mul3A_0, %arg1 : i32
    "tpu.region"() ({
      %run_scoped3A = tpu.sem_alloc : memref<!tpu.dma_semaphore, #tpu.memory_space<semaphore_mem>>
      %dma_start3A = arith.constant 0 : i32
      %dma_start3A_15 = arith.constant 0 : i32
      %dma_start3A_16 = tpu.memref_slice %arg2[%add3A, %dma_start3A, %dma_start3A_15] : memref<32x625x16xi32, #tpu.memory_space<hbm>> -> memref<1x625x16xi32, #tpu.memory_space<hbm>>
      %dma_start3A_17 = tpu.memref_squeeze %dma_start3A_16 : memref<1x625x16xi32, #tpu.memory_space<hbm>> -> memref<625x16xi32, #tpu.memory_space<hbm>>
      %dma_start3A_18 = arith.constant 0 : i32
      %dma_start3A_19 = arith.constant 0 : i32
      %dma_start3A_20 = tpu.memref_slice %arg2[%add3A, %dma_start3A_18, %dma_start3A_19] : memref<32x625x16xi32, #tpu.memory_space<hbm>> -> memref<1x625x16xi32, #tpu.memory_space<hbm>>
      %dma_start3A_21 = tpu.memref_squeeze %dma_start3A_20 : memref<1x625x16xi32, #tpu.memory_space<hbm>> -> memref<625x16xi32, #tpu.memory_space<hbm>>
      tpu.enqueue_dma source(%dma_start3A_21 : memref<625x16xi32, #tpu.memory_space<hbm>>) target(%arg4 : memref<625x16xi32, #tpu.memory_space<vmem>>) target_semaphore(%run_scoped3A : memref<!tpu.dma_semaphore, #tpu.memory_space<semaphore_mem>>)
      %dma_wait3A = arith.constant 0 : i32
      %dma_wait3A_22 = arith.constant 0 : i32
      %dma_wait3A_23 = tpu.memref_slice %arg2[%add3A, %dma_wait3A, %dma_wait3A_22] : memref<32x625x16xi32, #tpu.memory_space<hbm>> -> memref<1x625x16xi32, #tpu.memory_space<hbm>>
      %dma_wait3A_24 = tpu.memref_squeeze %dma_wait3A_23 : memref<1x625x16xi32, #tpu.memory_space<hbm>> -> memref<625x16xi32, #tpu.memory_space<hbm>>
      %dma_wait3A_25 = arith.constant 0 : i32
      %dma_wait3A_26 = arith.constant 0 : i32
      %dma_wait3A_27 = tpu.memref_slice %arg2[%add3A, %dma_wait3A_25, %dma_wait3A_26] : memref<32x625x16xi32, #tpu.memory_space<hbm>> -> memref<1x625x16xi32, #tpu.memory_space<hbm>>
      %dma_wait3A_28 = tpu.memref_squeeze %dma_wait3A_27 : memref<1x625x16xi32, #tpu.memory_space<hbm>> -> memref<625x16xi32, #tpu.memory_space<hbm>>
      tpu.wait_dma2 semaphore(%run_scoped3A : memref<!tpu.dma_semaphore, #tpu.memory_space<semaphore_mem>>) src(%dma_wait3A_28 : memref<625x16xi32, #tpu.memory_space<hbm>>) dst(%arg4 : memref<625x16xi32, #tpu.memory_space<vmem>>)
      tpu.yield
    }) : () -> ()
    %broadcast_in_dim3A = arith.constant 0.000000e+00 : f32
    %broadcast_in_dim3A_1 = vector.broadcast %broadcast_in_dim3A : f32 to vector<16xf32>
    %scan3A = arith.constant 0 : i32
    %scan3A_2 = arith.constant 0 : i32
    %scan3A_3 = arith.constant 625 : i32
    %scan3A_4 = arith.addi %scan3A_2, %scan3A_3 : i32
    %scan3A_5 = arith.constant 1 : i32
    scf.for %scan3A_15 = %scan3A_2 to %scan3A_4 step %scan3A_5  : i32 {
      %mul3A_16 = arith.constant 16 : i32
      %mul3A_17 = arith.muli %scan3A_15, %mul3A_16 : i32
      %swap3A = arith.index_cast %mul3A_17 : i32 to index
      %swap3A_18 = tpu.vector_load %arg5[%swap3A] {strides = array<i32>} : memref<10000xf32, #tpu.memory_space<vmem>>, vector<16xf32>,
      tpu.vector_store %arg5[%swap3A], %broadcast_in_dim3A_1 {strides = array<i32>} : memref<10000xf32, #tpu.memory_space<vmem>>, vector<16xf32>,
    }
    %scan3A_6 = arith.constant 625 : i32
    %broadcast_in_dim3A_7 = arith.constant 1.000000e+00 : f32
    %broadcast_in_dim3A_8 = vector.broadcast %broadcast_in_dim3A_7 : f32 to vector<16xf32>
    %scan3A_9 = arith.constant 0 : i32
    %scan3A_10 = arith.constant 0 : i32
    %scan3A_11 = arith.constant 625 : i32
    %scan3A_12 = arith.addi %scan3A_10, %scan3A_11 : i32
    %scan3A_13 = arith.constant 1 : i32
    scf.for %scan3A_15 = %scan3A_10 to %scan3A_12 step %scan3A_13  : i32 {
      %get3A = arith.index_cast %scan3A_15 : i32 to index
      %get3A_16 = arith.constant 0 : index
      %get3A_17 = tpu.vector_load %arg4[%get3A, %get3A_16] {strides = array<i32>} : memref<625x16xi32, #tpu.memory_space<vmem>>, vector<16xi32>,
      tpu.vector_store_idx %arg5[%get3A_17], %broadcast_in_dim3A_8 {add = true} : memref<10000xf32, #tpu.memory_space<vmem>>[vector<16xi32>], vector<16xf32>,
    }
    %scan3A_14 = arith.constant 625 : i32
    "tpu.region"() ({
      %run_scoped3A = tpu.sem_alloc : memref<!tpu.dma_semaphore, #tpu.memory_space<semaphore_mem>>
      %dma_start3A = arith.constant 0 : i32
      %dma_start3A_15 = tpu.memref_slice %arg3[%add3A, %dma_start3A] : memref<32x10000xf32, #tpu.memory_space<hbm>> -> memref<1x10000xf32, #tpu.memory_space<hbm>>
      %dma_start3A_16 = tpu.memref_squeeze %dma_start3A_15 : memref<1x10000xf32, #tpu.memory_space<hbm>> -> memref<10000xf32, #tpu.memory_space<hbm>>
      %dma_start3A_17 = arith.constant 0 : i32
      %dma_start3A_18 = tpu.memref_slice %arg3[%add3A, %dma_start3A_17] : memref<32x10000xf32, #tpu.memory_space<hbm>> -> memref<1x10000xf32, #tpu.memory_space<hbm>>
      %dma_start3A_19 = tpu.memref_squeeze %dma_start3A_18 : memref<1x10000xf32, #tpu.memory_space<hbm>> -> memref<10000xf32, #tpu.memory_space<hbm>>
      tpu.enqueue_dma source(%arg5 : memref<10000xf32, #tpu.memory_space<vmem>>) target(%dma_start3A_19 : memref<10000xf32, #tpu.memory_space<hbm>>) target_semaphore(%run_scoped3A : memref<!tpu.dma_semaphore, #tpu.memory_space<semaphore_mem>>)
      %dma_wait3A = arith.constant 0 : i32
      %dma_wait3A_20 = tpu.memref_slice %arg3[%add3A, %dma_wait3A] : memref<32x10000xf32, #tpu.memory_space<hbm>> -> memref<1x10000xf32, #tpu.memory_space<hbm>>
      %dma_wait3A_21 = tpu.memref_squeeze %dma_wait3A_20 : memref<1x10000xf32, #tpu.memory_space<hbm>> -> memref<10000xf32, #tpu.memory_space<hbm>>
      %dma_wait3A_22 = arith.constant 0 : i32
      %dma_wait3A_23 = tpu.memref_slice %arg3[%add3A, %dma_wait3A_22] : memref<32x10000xf32, #tpu.memory_space<hbm>> -> memref<1x10000xf32, #tpu.memory_space<hbm>>
      %dma_wait3A_24 = tpu.memref_squeeze %dma_wait3A_23 : memref<1x10000xf32, #tpu.memory_space<hbm>> -> memref<10000xf32, #tpu.memory_space<hbm>>
      tpu.wait_dma2 semaphore(%run_scoped3A : memref<!tpu.dma_semaphore, #tpu.memory_space<semaphore_mem>>) src(%arg5 : memref<10000xf32, #tpu.memory_space<vmem>>) dst(%dma_wait3A_24 : memref<10000xf32, #tpu.memory_space<hbm>>)
      tpu.yield
    }) : () -> ()
    return
  }
}

module attributes {stable_mosaic.version = 14 : i64} {
  func.func @_b_body(%arg0: memref<32x10000xf32, #tpu.memory_space<vmem>>, %arg1: memref<10000x128xf32, #tpu.memory_space<vmem>>, %arg2: memref<128x128xf32, #tpu.memory_space<vmem>>, %arg3: memref<10000x128xf32, #tpu.memory_space<vmem>>) attributes {dimension_semantics = [], scalar_prefetch = 0 : i64, scratch_operands = 0 : i64, tpu.core_type = #tpu.core_type<tc>} {
    %get3A = arith.constant 0 : index
    %get3A_0 = arith.constant 0 : index
    %get3A_1 = vector.load %arg0[%get3A, %get3A_0] : memref<32x10000xf32, #tpu.memory_space<vmem>>, vector<32x10000xf32>
    %reduce_sum3A = arith.constant dense<0.000000e+00> : vector<10000xf32>
    %reduce_sum3A_2 = vector.multi_reduction <add>, %get3A_1, %reduce_sum3A [0] : vector<32x10000xf32> to vector<10000xf32>
    %add3A = arith.constant 1.000000e+00 : f32
    %add3A_3 = vector.broadcast %add3A : f32 to vector<10000xf32>
    %add3A_4 = arith.addf %reduce_sum3A_2, %add3A_3 : vector<10000xf32>
    %rsqrt3A = math.rsqrt %add3A_4 : vector<10000xf32>
    %get3A_5 = arith.constant 0 : index
    %get3A_6 = arith.constant 0 : index
    %get3A_7 = vector.load %arg1[%get3A_5, %get3A_6] : memref<10000x128xf32, #tpu.memory_space<vmem>>, vector<10000x128xf32>
    %get3A_8 = arith.constant 0 : index
    %get3A_9 = arith.constant 0 : index
    %get3A_10 = vector.load %arg2[%get3A_8, %get3A_9] : memref<128x128xf32, #tpu.memory_space<vmem>>, vector<128x128xf32>
    %dot_general3A = arith.constant dense<0.000000e+00> : vector<10000x128xf32>
    %dot_general3A_11 = tpu.matmul %get3A_7, %get3A_10, %dot_general3A {dimension_numbers = #tpu.dot_dimension_numbers<[1], [0], [0], [1], [0, 0, 1, 1], [], []>, transpose_lhs_hint = false} : vector<10000x128xf32>, vector<128x128xf32>, vector<10000x128xf32> -> vector<10000x128xf32>
    %broadcast_in_dim3A = vector.shape_cast %rsqrt3A : vector<10000xf32> to vector<10000x1xf32>
    %mul3A = vector.broadcast %broadcast_in_dim3A : vector<10000x1xf32> to vector<10000x128xf32>
    %mul3A_12 = arith.mulf %dot_general3A_11, %mul3A : vector<10000x128xf32>
    %swap3A = arith.constant 0 : index
    %swap3A_13 = arith.constant 0 : index
    %swap3A_14 = vector.load %arg3[%swap3A, %swap3A_13] : memref<10000x128xf32, #tpu.memory_space<vmem>>, vector<10000x128xf32>
    tpu.vector_store %arg3[%swap3A, %swap3A_13], %mul3A_12 {strides = array<i32>} : memref<10000x128xf32, #tpu.memory_space<vmem>>, vector<10000x128xf32>,
    return
  }
}

module attributes {stable_mosaic.version = 14 : i64} {
  func.func @_d_body(%arg0: memref<2x10240x128xf32, #tpu.memory_space<vmem>>, %arg1: memref<10000x128xf32, #tpu.memory_space<vmem>>, %arg2: memref<32x10000xf32, #tpu.memory_space<vmem>>, %arg3: memref<128xf32, #tpu.memory_space<vmem>>, %arg4: memref<10000x128xf32, #tpu.memory_space<vmem>>, %arg5: memref<1x128xf32, #tpu.memory_space<vmem>>) attributes {dimension_semantics = [], scalar_prefetch = 0 : i64, scratch_operands = 0 : i64, tpu.core_type = #tpu.core_type<tc>} {
    %get3A = arith.constant 0 : index
    %get3A_0 = arith.constant 0 : index
    %get3A_1 = vector.load %arg2[%get3A, %get3A_0] : memref<32x10000xf32, #tpu.memory_space<vmem>>, vector<32x10000xf32>
    %reduce_sum3A = arith.constant dense<0.000000e+00> : vector<10000xf32>
    %reduce_sum3A_2 = vector.multi_reduction <add>, %get3A_1, %reduce_sum3A [0] : vector<32x10000xf32> to vector<10000xf32>
    %add3A = arith.constant 1.000000e+00 : f32
    %add3A_3 = vector.broadcast %add3A : f32 to vector<10000xf32>
    %add3A_4 = arith.addf %reduce_sum3A_2, %add3A_3 : vector<10000xf32>
    %rsqrt3A = math.rsqrt %add3A_4 : vector<10000xf32>
    %get3A_5 = arith.constant 0 : index
    %get3A_6 = arith.constant 0 : index
    %get3A_7 = arith.constant 0 : index
    %get3A_8 = vector.load %arg0[%get3A_5, %get3A_6, %get3A_7] : memref<2x10240x128xf32, #tpu.memory_space<vmem>>, vector<1x10000x128xf32>
    %get3A_9 = vector.shape_cast %get3A_8 : vector<1x10000x128xf32> to vector<10000x128xf32>
    %get3A_10 = arith.constant 1 : index
    %get3A_11 = arith.constant 0 : index
    %get3A_12 = arith.constant 0 : index
    %get3A_13 = vector.load %arg0[%get3A_10, %get3A_11, %get3A_12] : memref<2x10240x128xf32, #tpu.memory_space<vmem>>, vector<1x10000x128xf32>
    %get3A_14 = vector.shape_cast %get3A_13 : vector<1x10000x128xf32> to vector<10000x128xf32>
    %add3A_15 = arith.addf %get3A_9, %get3A_14 : vector<10000x128xf32>
    %get3A_16 = arith.constant 0 : index
    %get3A_17 = arith.constant 0 : index
    %get3A_18 = vector.load %arg1[%get3A_16, %get3A_17] : memref<10000x128xf32, #tpu.memory_space<vmem>>, vector<10000x128xf32>
    %add3A_19 = arith.addf %add3A_15, %get3A_18 : vector<10000x128xf32>
    %broadcast_in_dim3A = vector.shape_cast %rsqrt3A : vector<10000xf32> to vector<10000x1xf32>
    %mul3A = vector.broadcast %broadcast_in_dim3A : vector<10000x1xf32> to vector<10000x128xf32>
    %mul3A_20 = arith.mulf %add3A_19, %mul3A : vector<10000x128xf32>
    %get3A_21 = arith.constant 0 : index
    %get3A_22 = vector.load %arg3[%get3A_21] : memref<128xf32, #tpu.memory_space<vmem>>, vector<128xf32>
    %broadcast_in_dim3A_23 = vector.shape_cast %get3A_22 : vector<128xf32> to vector<1x128xf32>
    %add3A_24 = vector.broadcast %broadcast_in_dim3A_23 : vector<1x128xf32> to vector<10000x128xf32>
    %add3A_25 = arith.addf %mul3A_20, %add3A_24 : vector<10000x128xf32>
    %max3A = arith.constant 0.000000e+00 : f32
    %max3A_26 = vector.broadcast %max3A : f32 to vector<10000x128xf32>
    %max3A_27 = arith.maximumf %add3A_25, %max3A_26 : vector<10000x128xf32>
    %swap3A = arith.constant 0 : index
    %swap3A_28 = arith.constant 0 : index
    %swap3A_29 = vector.load %arg4[%swap3A, %swap3A_28] : memref<10000x128xf32, #tpu.memory_space<vmem>>, vector<10000x128xf32>
    tpu.vector_store %arg4[%swap3A, %swap3A_28], %max3A_27 {strides = array<i32>} : memref<10000x128xf32, #tpu.memory_space<vmem>>, vector<10000x128xf32>,
    %reduce_sum3A_30 = arith.constant dense<0.000000e+00> : vector<128xf32>
    %reduce_sum3A_31 = vector.multi_reduction <add>, %max3A_27, %reduce_sum3A_30 [0] : vector<10000x128xf32> to vector<128xf32>
    %broadcast_in_dim3A_32 = vector.shape_cast %reduce_sum3A_31 : vector<128xf32> to vector<1x128xf32>
    %div3A = arith.constant 1.000000e+04 : f32
    %div3A_33 = vector.broadcast %div3A : f32 to vector<1x128xf32>
    %div3A_34 = arith.divf %broadcast_in_dim3A_32, %div3A_33 : vector<1x128xf32>
    %logistic3A = arith.negf %div3A_34 : vector<1x128xf32>
    %logistic3A_35 = math.exp %logistic3A : vector<1x128xf32>
    %logistic3A_36 = arith.constant 1.000000e+00 : f32
    %logistic3A_37 = vector.broadcast %logistic3A_36 : f32 to vector<1x128xf32>
    %logistic3A_38 = arith.addf %logistic3A_37, %logistic3A_35 : vector<1x128xf32>
    %logistic3A_39 = arith.divf %logistic3A_37, %logistic3A_38 : vector<1x128xf32>
    %swap3A_40 = arith.constant 0 : index
    %swap3A_41 = arith.constant 0 : index
    %swap3A_42 = vector.load %arg5[%swap3A_40, %swap3A_41] : memref<1x128xf32, #tpu.memory_space<vmem>>, vector<1x128xf32>
    tpu.vector_store %arg5[%swap3A_40, %swap3A_41], %logistic3A_39 {strides = array<i32>} : memref<1x128xf32, #tpu.memory_space<vmem>>, vector<1x128xf32>,
    return
  }
}

</mosaic_0001>

<sc_bundles>
// kernel: kernel.6.cloned.1.call-start
scs
__scs_entry_jumppad:
0x0: {  	(pc) =	sbr.rel $0x88, $3  }
0x1: {  	(tag) =	ssettag $0x0;
	lr =	simm.s32 $0x1  }
0x2: {  	[smem:$0x3F9D] =	sst lr;
	_ =	strace $0xD0000000  }
0x3: {  	_ = 	snop  }
0x4: {  	_ = 	snop  }
0x5: {  	_ = 	snop  }
0x6: {  	_ = 	snop  }
0x7: {  	_ = 	snop  }
__scs_overlays_trampoline_lowered:
0x8: {  	[smem:$0x3FAC] =	sst s0  }
0x9: {  	[smem:$0x3FAD] =	sst s1  }
0xa: {  	[smem:$0x3FAE] =	sst s2  }
0xb: {  	[smem:$0x3FAF] =	sst s3  }
0xc: {  	[smem:$0x3FB0] =	sst s4  }
0xd: {  	[smem:$0x3FB1] =	sst s5  }
0xe: {  	[smem:$0x3FB2] =	sst s6  }
0xf: {  	[smem:$0x3FB3] =	sst s7  }
0x10: {  	[smem:$0x3FB4] =	sst s8  }
0x11: {  	[smem:$0x3FB5] =	sst s9;
	s0 =	simm.s32 @!p0 $0x0  }
0x12: {  	s1 =	sld [smem:$0x3F9B];
	s0 =	simm.s32 @p0 $0x1  }
0x13: {  	[smem:$0x3FB6] =	sst s0;
	s0 =	simm.s32 @!p1 $0x0  }
0x14: {  	s2 =	sld [smem:$0x3F9A];
	s0 =	simm.s32 @p1 $0x1  }
0x15: {  	[smem:$0x3FB7] =	sst s0;
	s0 =	simm.s32 @!p2 $0x0  }
0x16: {  	s3 =	sld [smem:$0x3FDB];
	s0 =	simm.s32 @p2 $0x1  }
0x17: {  	s4 =	simm.s32 $0x1BF5;
	[smem:$0x3FB9] =	sst s0  }
0x18: {  	s0 =	sld [smem:$0x3F9C];
	_ =	swait.ge [sflag:s4], $0x0  }
0x19: {  	s7 =	sld [smem:$0x3F9D]  }
0x1a: {  	s8 =	sadd.s32 $0xFFFFE003, lr  }
0x1b: {  	s9 =	sadd.s32 $0xFFFFFEF7, lr;
	s5 =	simm.s32 $0xFFFFFFFF;
	p2 =	slt.u32 s8, $0xFFFFF086  }
0x1c: {  	p1 =	slt.u32 s9, $0xF7A;
	s5 =	simm.s32 @!p2 $0x0  }
0x1d: {  	s5 =	simm.s32 @p1 $0x1;
	p0 =	seq.s32 s7, s2  }
0x1e: {  	s7 =	smul.u32 @!p0 $0xF7A, s2;
	p2 =	seq.s32 @!p0 s5, $0x0  }
0x1f: {  	s9 =	smul.u32 $0xF7A, s1;
	s8 =	simm.s32 @!p0 $0x1BF5;
	p2 =	por !p2, p0  }
0x20: {  	[sflag:s8] =	ssyncset.s32 @!p0 $0xFFFFF086;
	s6 =	sadd.s32 @!p0 s3, s7;
	s7 =	simm.s32 @!p0 $0x108  }
0x21: {  	s3 =	sadd.s32 s3, s9;
	s6 =	sadd.s32 @!p0 $0x88, s6;
	s7 =	simm.s32 @p2 $0x1082  }
0x22: {  	[simem:s7], [sflag:s8] =	dma.local @!p0 [hbm:s6], $0xF7A  }
0x23: {  	s9 =	sor.u32 $0xD0000000, s2;
	s6 =	simm.s32 $0x108;
	_ =	swait.ge @!p0 [sflag:s8], $0x0  }
0x24: {  	s3 =	sadd.s32 $0x88, s3;
	s6 =	simm.s32 @!p1 $0x1082;
	[sflag:s4] =	ssyncset.s32 $0xFFFFF086  }
0x25: {  	[simem:s6], [sflag:s4] =	dma.local [hbm:s3], $0xF7A  }
0x26: {  	[smem:$0x3F9D] =	sst s1;
	(tag) =	ssettag s2;
	_ =	strace s9  }
0x27: {  	s1 =	sld [smem:$0x3FAD]  }
0x28: {  	s2 =	sld [smem:$0x3FAE]  }
0x29: {  	s4 =	sld [smem:$0x3FB0]  }
0x2a: {  	p0 =	seq.s32 s5, $0x0;
	s5 =	sld [smem:$0x3FB1]  }
0x2b: {  	s6 =	sld [smem:$0x3FB2]  }
0x2c: {  	s7 =	sld [smem:$0x3FB3]  }
0x2d: {  	s3 =	simm.s32 $0x108;
	s8 =	sld [smem:$0x3FB4]  }
0x2e: {  	s3 =	simm.s32 @!p0 $0x1082;
	s9 =	sld [smem:$0x3FB5]  }
0x2f: {  	lr =	sadd.s32 s0, s3;
	s0 =	sld [smem:$0x3FAC]  }
0x30: {  	s3 =	sld [smem:$0x3FAF]  }
0x31: {  	[smem:$0x3FB8] =	sst s10  }
0x32: {  	s10 =	sld [smem:$0x3FB6];
	_ =	sdelay $0x3  }
0x33: {  	p0 =	seq.s32 s10, $0x1;
	s10 =	sld [smem:$0x3FB8];
	_ =	sdelay $0x3  }
0x34: {  	[smem:$0x3FB8] =	sst s10  }
0x35: {  	s10 =	sld [smem:$0x3FB7];
	_ =	sdelay $0x3  }
0x36: {  	p1 =	seq.s32 s10, $0x1;
	s10 =	sld [smem:$0x3FB8];
	_ =	sdelay $0x3  }
0x37: {  	[smem:$0x3FB8] =	sst s10  }
0x38: {  	s10 =	sld [smem:$0x3FB9]  }
0x39: {  	_ = 	snop;
	(pc) =	sbr.ind lr, $3  }
0x3a: {  	_ = 	snop  }
0x3b: {  	_ = 	snop  }
0x3c: {  	p2 =	seq.s32 s10, $0x1;
	s10 =	sld [smem:$0x3FB8]  }
0x3d: {  	_ =	shalt  }
0x3e: {  	_ =	shalt  }
0x3f: {  	_ =	shalt  }
0x40: {  	_ =	shalt  }
0x41: {  	_ =	shalt  }
0x42: {  	_ =	shalt  }
0x43: {  	_ =	shalt  }
0x44: {  	_ =	shalt  }
0x45: {  	_ =	shalt  }
0x46: {  	_ =	shalt  }
0x47: {  	_ =	shalt  }
0x48: {  	_ =	shalt  }
0x49: {  	_ =	shalt  }
0x4a: {  	_ =	shalt  }
0x4b: {  	_ =	shalt  }
0x4c: {  	_ =	shalt  }
0x4d: {  	_ =	shalt  }
0x4e: {  	_ =	shalt  }
0x4f: {  	_ =	shalt  }
0x50: {  	_ =	shalt  }
0x51: {  	_ =	shalt  }
0x52: {  	_ =	shalt  }
0x53: {  	_ =	shalt  }
0x54: {  	_ =	shalt  }
0x55: {  	_ =	shalt  }
0x56: {  	_ =	shalt  }
0x57: {  	_ =	shalt  }
0x58: {  	_ =	shalt  }
0x59: {  	_ =	shalt  }
0x5a: {  	_ =	shalt  }
0x5b: {  	_ =	shalt  }
0x5c: {  	_ =	shalt  }
0x5d: {  	_ =	shalt  }
0x5e: {  	_ =	shalt  }
0x5f: {  	_ =	shalt  }
0x60: {  	_ =	shalt  }
0x61: {  	_ =	shalt  }
0x62: {  	_ =	shalt  }
0x63: {  	_ =	shalt  }
0x64: {  	_ =	shalt  }
0x65: {  	_ =	shalt  }
0x66: {  	_ =	shalt  }
0x67: {  	_ =	shalt  }
0x68: {  	_ =	shalt  }
0x69: {  	_ =	shalt  }
0x6a: {  	_ =	shalt  }
0x6b: {  	_ =	shalt  }
0x6c: {  	_ =	shalt  }
0x6d: {  	_ =	shalt  }
0x6e: {  	_ =	shalt  }
0x6f: {  	_ =	shalt  }
0x70: {  	_ =	shalt  }
0x71: {  	_ =	shalt  }
0x72: {  	_ =	shalt  }
0x73: {  	_ =	shalt  }
0x74: {  	_ =	shalt  }
0x75: {  	_ =	shalt  }
0x76: {  	_ =	shalt  }
0x77: {  	_ =	shalt  }
0x78: {  	_ =	shalt  }
0x79: {  	_ =	shalt  }
0x7a: {  	_ =	shalt  }
0x7b: {  	_ =	shalt  }
0x7c: {  	_ =	shalt  }
0x7d: {  	_ =	shalt  }
0x7e: {  	_ =	shalt  }
0x7f: {  	_ =	shalt  }
0x80: {  	_ =	shalt  }
0x81: {  	_ =	shalt  }
0x82: {  	_ =	shalt  }
0x83: {  	_ =	shalt  }
0x84: {  	_ =	shalt  }
0x85: {  	_ =	shalt  }
0x86: {  	_ =	shalt  }
0x87: {  	_ =	shalt  }
.Lfunc_end0:
.L_simem_size_0:
called_computation_lowered:
.L_overlay_start_0:
0x88: {  	s2 =	sld [smem:$0x3FD9]  }
0x89: {  	s3 =	sld [smem:$0x3FFE];
	_ =	sdelay $0x1  }
0x8a: {  	s1 =	srdreg.scid  }
0x8b: {  	s0 =	sand.u32 $0x1, s1  }
0x8c: {  	s14 =	sshll.u32 s0, $0xA;
	s2 =	sadd.s32 s3, s2  }
0x8d: {  	s2 =	sadd.s32 s2, s14  }
0x8e: {  	[smem:$0x3FC4] =	sst s2  }
0x8f: {  	_ = 	snop  }
0x90: {  	s2 =	sld [smem:$0x3FD0];
	_ =	sdelay $0x2  }
0x91: {  	s15 =	simm.s32 $0xA;
	s4 =	simm.s32 $0x10  }
0x92: {  	[smem:s4], [sflag:s15] =	dma.local [hbm:s2], $0x1  }
0x93: {  	_ =	swait.eq [sflag:s15], $0x1  }
0x94: {  	[sflag:s15] =	ssyncset.done $0x0  }
0x95: {  	[sflag:s15] =	ssyncadd.s32 $0xFFFFFFFF  }
0x96: {  	s16 =	sld [smem:$0x10];
	(tm) =	ssettm $0x1  }
0x97: {  	s17 =	sld [smem:$0x3FFB];
	_ =	sdelay $0x3  }
0x98: {  	_ =	strace s17  }
0x99: {  	s3 =	sld [smem:$0x3FFC];
	_ =	sdelay $0x3  }
0x9a: {  	_ =	strace s3  }
0x9b: {  	s3 =	sld [smem:$0x3FFD];
	_ =	sdelay $0x3  }
0x9c: {  	_ =	strace s3  }
0x9d: {  	_ =	strace $0x8FFFFFFF  }
0x9e: {  	s18 =	sld [smem:$0x3FDB];
	_ =	sdelay $0x1  }
0x9f: {  	s19 =	simm.s32 $_scs_section_size  }
0xa0: {  	s5 =	simm.s32 $_size__tile_overlayer_lowered;
	s6 =	simm.s32 $_tile_overlayer_lowered  }
0xa1: {  	s22 =	simm.s32 $0x1BFF;
	s21 =	sshll.u32 s6, $0x1;
	s3 =	sadd.s32 s19, s18  }
0xa2: {  	s7 =	simm.s32 $0x0;
	s20 =	sshll.u32 s5, $0x1;
	s5 =	sadd.s32 s21, s3  }
0xa3: {  	[timem:s7], [sflag:s22] =	dma.local [hbm:s5], s20  }
0xa4: {  	_ =	swait.ge [sflag:s22], s20  }
0xa5: {  	s4 =	ssub.s32 $0x0, s20;
	[sflag:s22] =	ssyncset.done $0x0  }
0xa6: {  	[sflag:s22] =	ssyncadd.s32 s4;
	_ =	sdelay $0x1  }
0xa7: {  	s23 =	simm.s32 $0x1B8B  }
0xa8: {  	_ =	swait.ge [sflag:s23], $0x1  }
0xa9: {  	[sflag:s23] =	ssyncset.done $0x0  }
0xaa: {  	s25 =	simm.s32 $0x1B8E;
	s24 =	sld [smem:$0x3FFE];
	[sflag:s23] =	ssyncadd.s32 $0xFFFFFFFF  }
0xab: {  	s26 =	simm.s32 $execute0_lowered;
	[smem:$0x3FD2] =	sst s25  }
0xac: {  	s5 =	sshll.u32 s26, $0x1;
	_ =	strace $0x80000046;
	[dreg:$0x1] =	wrdreg $0xFFFFFFFF  }
0xad: {  	s28 =	simm.s32 $_size_execute0_lowered;
	s3 =	sadd.s32 s3, s5;
	[dreg:$0x0] =	wrdreg $0x0  }
0xae: {  	s5 =	sshll.u32 s28, $0x1;
	[dreg:$0x2] =	wrdreg s3  }
0xaf: {  	[dreg:$0x3] =	wrdreg s5  }
0xb0: {  	[dreg:$0x4] =	wrdreg $0xC0  }
0xb1: {  	_ =	task [dreg:s7], $0x5FFFF  }
0xb2: {  	[dreg:$0x1] =	wrdreg $0xFFFFFFFF  }
0xb3: {  	[dreg:$0x0] =	wrdreg $0x60  }
0xb4: {  	[dreg:$0x2] =	wrdreg s24  }
0xb5: {  	[dreg:$0x3] =	wrdreg s16  }
0xb6: {  	[dreg:$0x4] =	wrdreg $0x9  }
0xb7: {  	_ =	task.clear_ibuf [dreg:s7], $0x5FFFF;
	_ =	strace $0x90000046  }
0xb8: {  	s29 =	simm.s32 $0x9;
	_ =	strace $0x80000048  }
0xb9: {  	_ =	swait.ge [sflag:s29], $0x1  }
0xba: {  	[sflag:s29] =	ssyncadd.s32 $0xFFFFFFFF  }
0xbb: {  	_ =	strace $0x90000048  }
0xbc: {  	_ =	sfence  }
0xbd: {  	s30 =	sld [smem:$0x0];
	_ =	sdelay $0x2  }
0xbe: {  	s31 =	sshll.u32 s1, $0xD;
	s1 =	sshrl.u32 s1, $0x2  }
0xbf: {  	s3 =	sand.u32 $0x4000, s31;
	s1 =	sadd.s32 s1, s30  }
0xc0: {  	s0 =	sor.u32 s3, s0;
	s1 =	sshll.u32 s1, $0x11  }
0xc1: {  	s0 =	sor.u32 s1, s0  }
0xc2: {  	s0 =	sadd.s32 $0x8F2B, s0  }
0xc3: {  	[sflag:s0] =	ssyncadd.remote.s32 $0x1  }
0xc4: {  	_ =	sfence.sel $0xFFFF  }
0xc5: {  	[dreg:$0x0] =	wrdreg $0xFFFFFFFF;
	(pc) =	sbr.abs _section_cstart, $3  }
0xc6: {  	[dreg:$0x1] =	wrdreg $0xFFFFFFFF  }
0xc7: {  	_ =	task.clear_ibuf [dreg:s7], $0x2FFFF;
	_ =	strace $0x9FFFFFFF  }
0xc8: {  	(tm) =	ssettm $0x7FFFFFFF  }
0xc9: {  	_ =	shalt  }
tec
execute0_lowered:
.L_overlay_start_1:
0x0: {  	(tag) =	ssettag $0x1  }
0x1: {  	s0 =	srdreg.scid  }
0x2: {  	s4 =	rddreg [dreg:$0x0];
	s3 =	sand.u32 $0x1, s0  }
0x3: {  	s5 =	rddreg [dreg:$0x1];
	s0 =	stileid.u32;
	s1 =	sshll.u32 s3, $0x4  }
0x4: {  	s2 =	simm.s32 $0x0;
	s9 =	simm.s32 $0x400;
	s6 =	sor.u32 s0, s1  }
0x5: {  	s10 =	simm.s32 $0x0;
	[smem:$0x7FF] =	sst s2;
	s7 =	sshrl.u32 s6, $0x3  }
0x6: {  	s8 =	sshll.u32 s0, $0x7;
	s3 =	ssub.s32 $0x2, s3;
	s7 =	smul.u32 $0x13C00, s7  }
0x7: {  	s1 =	rddreg [dreg:$0x2];
	s8 =	sand.u32 $0x380, s8;
	s6 =	smul.u32 $0x2780, s6  }
0x8: {  	_ =	strace $0x80000047;
	s31 =	sshrl.u32 s3, $0x1;
	s7 =	sor.u32 s8, s7  }
0x9: {  	s4 =	sadd.s32 s6, s4;
	s6 =	ssub.s32 s3, s31;
	s7 =	sshrl.u32 s7, $0x3  }
0xa: {  	s3 =	sadd.s32 $0x1600, s4;
	s8 =	simm.s32 $0x80;
	s4 =	sadd.s32 s5, s7  }
0xb: {  	v0 =	vimm.f32 $0.0e+00;
	v1 =	vimm.f32 $1.000000000e+00;
	s5 =	smax.u32 s6, $0x1;
	s6 =	simm.s32 $0x1;
	s7 =	simm.s32 $0x13C00  }
.LBB2_1:
0xc: {  	[tilespmem:s2], [sflag:$0x1] =	stream.linear.gather [hbm4b:s3+s2], $0x13880, $0x38;
	[tilespmem:$0x16380] =	vst v63  }
0xd: {  	_ =	swait.ge [sflag:s6], $0x13880  }
0xe: {  	[sflag:s6] =	ssyncset.done $0x0  }
0xf: {  	s11 =	simm.s32 $0x0;
	[sflag:s6] =	ssyncadd.s32 $0xFFFEC780  }
.LBB2_2:
0x10: {  	p0 =	sne.s32 s11, $0x9C00  }
.Ltmp0:
0x11: {  	_ = 	snop;
	(pc) =	sbr.rel @p0 .LBB2_2-.Ltmp0, $3  }
0x12: {  	_ =	sdelay $0x1  }
0x13: {  	s12 =	sshra.s32 s11, $0x2  }
0x14: {  	s11 =	sadd.s32 $0x40, s11;
	[tilespmem:s12+$0x13C00] =	vst v0  }
0x15: {  	s12 =	simm.s32 $0x0;
	s11 =	simm.s32 $0x200  }
.LBB2_4:
0x16: {  	p0 =	sne.s32 s11, $0x4E000;
	v2 =	vld [tilespmem:s12+$0x0];
	_ =	sdelay $0x3  }
.Ltmp1:
0x17: {  	(pc) =	sbr.rel @p0 .LBB2_4-.Ltmp1, $2  }
0x18: {  	_ =	sdelay $0x2  }
0x19: {  	s12 =	sshra.s32 s11, $0x2;
	s11 =	sadd.s32 $0x200, s11;
	[tilespmem:v2+s7+$0x0] =	vst.idx.add.f32.msk $0xffff, v1  }
0x1a: {  	v2 =	vld [tilespmem:s12+$0x0];
	_ =	sdelay $0x5  }
0x1b: {  	s10 =	sadd.s32 $0x1, s10  }
0x1c: {  	p0 =	sne.s32 s10, s5  }
.Ltmp2:
0x1d: {  	[tilespmem:v2+s7+$0x0] =	vst.idx.add.f32.msk $0xffff, v1;
	(pc) =	sbr.rel @p0 .LBB2_1-.Ltmp2, $4  }
0x1e: {  	[hbm4b:s4+s8] =	stream.strided.scatter [tilespmem:s7], [sflag:$0x1], $0x2780, s9, s8, $0x38;
	[tilespmem:$0x16380] =	vst v63  }
0x1f: {  	_ =	swait.ge [sflag:s6], $0x2780  }
0x20: {  	[sflag:s6] =	ssyncset.done $0x0  }
0x21: {  	[sflag:s6] =	ssyncadd.s32 $0xFFFFD880  }
0x22: {  	_ =	sfence.sel $0x180000  }
0x23: {  	[bflag:$0x0] =	sbarrier.arrive $0xFFFF  }
0x24: {  	p0 =	sne.s32 s0, $0x0;
	_ =	strace $0x90000047  }
0x25: {  	s0 =	sadd.s32 @!p0 $0x100000, s1;
	[bflag:$0x2] =	sbarrier.arrive $0xFFFF  }
0x26: {  	[sflag:s0] =	ssyncadd.tile.s32 @!p0 $0x1;
	_ =	shalt  }
.Lfunc_end2:
_tile_overlayer_lowered:
.L_overlay_start_2:
0x27: {  	(tag) =	ssettag $0x2  }
0x28: {  	s0 =	rddreg [dreg:$0x0];
	s2 =	stileid.u32  }
0x29: {  	s1 =	rddreg [dreg:$0x1];
	p0 =	sne.s32 s2, $0x0  }
0x2a: {  	s3 =	rddreg [dreg:$0x2];
	[bflag:$0x3] =	sbarrier.arrive $0xFFFF;
	s2 =	simm.s32 @!p0 $0x1C01  }
0x2b: {  	[timem:s3], [sflag:s2] =	dma.local @!p0 [hbm:s0], s1  }
0x2c: {  	s0 =	simm.s32 @!p0 $0x1  }
0x2d: {  	_ =	swait.ge @!p0 [sflag:s0], s1  }
0x2e: {  	s1 =	ssub.s32 @!p0 $0x0, s1;
	[sflag:s0] =	ssyncset.done @!p0 $0x0  }
0x2f: {  	[sflag:s0] =	ssyncadd.s32 @!p0 s1  }
0x30: {  	[bflag:$0x3] =	sbarrier.arrive $0xFFFF  }
0x31: {  	_ =	shalt  }

// kernel: kernel.9.cloned.1.call-start
scs
__scs_entry_jumppad:
0x0: {  	(pc) =	sbr.rel $0x88, $3  }
0x1: {  	(tag) =	ssettag $0x0;
	lr =	simm.s32 $0x1  }
0x2: {  	[smem:$0x3F9D] =	sst lr;
	_ =	strace $0xD0000000  }
0x3: {  	_ = 	snop  }
0x4: {  	_ = 	snop  }
0x5: {  	_ = 	snop  }
0x6: {  	_ = 	snop  }
0x7: {  	_ = 	snop  }
__scs_overlays_trampoline_lowered:
0x8: {  	[smem:$0x3FAC] =	sst s0  }
0x9: {  	[smem:$0x3FAD] =	sst s1  }
0xa: {  	[smem:$0x3FAE] =	sst s2  }
0xb: {  	[smem:$0x3FAF] =	sst s3  }
0xc: {  	[smem:$0x3FB0] =	sst s4  }
0xd: {  	[smem:$0x3FB1] =	sst s5  }
0xe: {  	[smem:$0x3FB2] =	sst s6  }
0xf: {  	[smem:$0x3FB3] =	sst s7  }
0x10: {  	[smem:$0x3FB4] =	sst s8  }
0x11: {  	[smem:$0x3FB5] =	sst s9;
	s0 =	simm.s32 @!p0 $0x0  }
0x12: {  	s1 =	sld [smem:$0x3F9B];
	s0 =	simm.s32 @p0 $0x1  }
0x13: {  	[smem:$0x3FB6] =	sst s0;
	s0 =	simm.s32 @!p1 $0x0  }
0x14: {  	s2 =	sld [smem:$0x3F9A];
	s0 =	simm.s32 @p1 $0x1  }
0x15: {  	[smem:$0x3FB7] =	sst s0;
	s0 =	simm.s32 @!p2 $0x0  }
0x16: {  	s3 =	sld [smem:$0x3FDB];
	s0 =	simm.s32 @p2 $0x1  }
0x17: {  	s4 =	simm.s32 $0x1BF5;
	[smem:$0x3FB9] =	sst s0  }
0x18: {  	s0 =	sld [smem:$0x3F9C];
	_ =	swait.ge [sflag:s4], $0x0  }
0x19: {  	s7 =	sld [smem:$0x3F9D]  }
0x1a: {  	s8 =	sadd.s32 $0xFFFFE003, lr  }
0x1b: {  	s9 =	sadd.s32 $0xFFFFFEF7, lr;
	s5 =	simm.s32 $0xFFFFFFFF;
	p2 =	slt.u32 s8, $0xFFFFF086  }
0x1c: {  	p1 =	slt.u32 s9, $0xF7A;
	s5 =	simm.s32 @!p2 $0x0  }
0x1d: {  	s5 =	simm.s32 @p1 $0x1;
	p0 =	seq.s32 s7, s2  }
0x1e: {  	s7 =	smul.u32 @!p0 $0xF7A, s2;
	p2 =	seq.s32 @!p0 s5, $0x0  }
0x1f: {  	s9 =	smul.u32 $0xF7A, s1;
	s8 =	simm.s32 @!p0 $0x1BF5;
	p2 =	por !p2, p0  }
0x20: {  	[sflag:s8] =	ssyncset.s32 @!p0 $0xFFFFF086;
	s6 =	sadd.s32 @!p0 s3, s7;
	s7 =	simm.s32 @!p0 $0x108  }
0x21: {  	s3 =	sadd.s32 s3, s9;
	s6 =	sadd.s32 @!p0 $0x88, s6;
	s7 =	simm.s32 @p2 $0x1082  }
0x22: {  	[simem:s7], [sflag:s8] =	dma.local @!p0 [hbm:s6], $0xF7A  }
0x23: {  	s9 =	sor.u32 $0xD0000000, s2;
	s6 =	simm.s32 $0x108;
	_ =	swait.ge @!p0 [sflag:s8], $0x0  }
0x24: {  	s3 =	sadd.s32 $0x88, s3;
	s6 =	simm.s32 @!p1 $0x1082;
	[sflag:s4] =	ssyncset.s32 $0xFFFFF086  }
0x25: {  	[simem:s6], [sflag:s4] =	dma.local [hbm:s3], $0xF7A  }
0x26: {  	[smem:$0x3F9D] =	sst s1;
	(tag) =	ssettag s2;
	_ =	strace s9  }
0x27: {  	s1 =	sld [smem:$0x3FAD]  }
0x28: {  	s2 =	sld [smem:$0x3FAE]  }
0x29: {  	s4 =	sld [smem:$0x3FB0]  }
0x2a: {  	p0 =	seq.s32 s5, $0x0;
	s5 =	sld [smem:$0x3FB1]  }
0x2b: {  	s6 =	sld [smem:$0x3FB2]  }
0x2c: {  	s7 =	sld [smem:$0x3FB3]  }
0x2d: {  	s3 =	simm.s32 $0x108;
	s8 =	sld [smem:$0x3FB4]  }
0x2e: {  	s3 =	simm.s32 @!p0 $0x1082;
	s9 =	sld [smem:$0x3FB5]  }
0x2f: {  	lr =	sadd.s32 s0, s3;
	s0 =	sld [smem:$0x3FAC]  }
0x30: {  	s3 =	sld [smem:$0x3FAF]  }
0x31: {  	[smem:$0x3FB8] =	sst s10  }
0x32: {  	s10 =	sld [smem:$0x3FB6];
	_ =	sdelay $0x3  }
0x33: {  	p0 =	seq.s32 s10, $0x1;
	s10 =	sld [smem:$0x3FB8];
	_ =	sdelay $0x3  }
0x34: {  	[smem:$0x3FB8] =	sst s10  }
0x35: {  	s10 =	sld [smem:$0x3FB7];
	_ =	sdelay $0x3  }
0x36: {  	p1 =	seq.s32 s10, $0x1;
	s10 =	sld [smem:$0x3FB8];
	_ =	sdelay $0x3  }
0x37: {  	[smem:$0x3FB8] =	sst s10  }
0x38: {  	s10 =	sld [smem:$0x3FB9]  }
0x39: {  	_ = 	snop;
	(pc) =	sbr.ind lr, $3  }
0x3a: {  	_ = 	snop  }
0x3b: {  	_ = 	snop  }
0x3c: {  	p2 =	seq.s32 s10, $0x1;
	s10 =	sld [smem:$0x3FB8]  }
0x3d: {  	_ =	shalt  }
0x3e: {  	_ =	shalt  }
0x3f: {  	_ =	shalt  }
0x40: {  	_ =	shalt  }
0x41: {  	_ =	shalt  }
0x42: {  	_ =	shalt  }
0x43: {  	_ =	shalt  }
0x44: {  	_ =	shalt  }
0x45: {  	_ =	shalt  }
0x46: {  	_ =	shalt  }
0x47: {  	_ =	shalt  }
0x48: {  	_ =	shalt  }
0x49: {  	_ =	shalt  }
0x4a: {  	_ =	shalt  }
0x4b: {  	_ =	shalt  }
0x4c: {  	_ =	shalt  }
0x4d: {  	_ =	shalt  }
0x4e: {  	_ =	shalt  }
0x4f: {  	_ =	shalt  }
0x50: {  	_ =	shalt  }
0x51: {  	_ =	shalt  }
0x52: {  	_ =	shalt  }
0x53: {  	_ =	shalt  }
0x54: {  	_ =	shalt  }
0x55: {  	_ =	shalt  }
0x56: {  	_ =	shalt  }
0x57: {  	_ =	shalt  }
0x58: {  	_ =	shalt  }
0x59: {  	_ =	shalt  }
0x5a: {  	_ =	shalt  }
0x5b: {  	_ =	shalt  }
0x5c: {  	_ =	shalt  }
0x5d: {  	_ =	shalt  }
0x5e: {  	_ =	shalt  }
0x5f: {  	_ =	shalt  }
0x60: {  	_ =	shalt  }
0x61: {  	_ =	shalt  }
0x62: {  	_ =	shalt  }
0x63: {  	_ =	shalt  }
0x64: {  	_ =	shalt  }
0x65: {  	_ =	shalt  }
0x66: {  	_ =	shalt  }
0x67: {  	_ =	shalt  }
0x68: {  	_ =	shalt  }
0x69: {  	_ =	shalt  }
0x6a: {  	_ =	shalt  }
0x6b: {  	_ =	shalt  }
0x6c: {  	_ =	shalt  }
0x6d: {  	_ =	shalt  }
0x6e: {  	_ =	shalt  }
0x6f: {  	_ =	shalt  }
0x70: {  	_ =	shalt  }
0x71: {  	_ =	shalt  }
0x72: {  	_ =	shalt  }
0x73: {  	_ =	shalt  }
0x74: {  	_ =	shalt  }
0x75: {  	_ =	shalt  }
0x76: {  	_ =	shalt  }
0x77: {  	_ =	shalt  }
0x78: {  	_ =	shalt  }
0x79: {  	_ =	shalt  }
0x7a: {  	_ =	shalt  }
0x7b: {  	_ =	shalt  }
0x7c: {  	_ =	shalt  }
0x7d: {  	_ =	shalt  }
0x7e: {  	_ =	shalt  }
0x7f: {  	_ =	shalt  }
0x80: {  	_ =	shalt  }
0x81: {  	_ =	shalt  }
0x82: {  	_ =	shalt  }
0x83: {  	_ =	shalt  }
0x84: {  	_ =	shalt  }
0x85: {  	_ =	shalt  }
0x86: {  	_ =	shalt  }
0x87: {  	_ =	shalt  }
.Lfunc_end0:
.L_simem_size_0:
called_computation.1_lowered:
.L_overlay_start_0:
0x88: {  	s2 =	sld [smem:$0x3FD9]  }
0x89: {  	s3 =	sld [smem:$0x3FFE];
	_ =	sdelay $0x1  }
0x8a: {  	s1 =	srdreg.scid  }
0x8b: {  	s0 =	sand.u32 $0x1, s1  }
0x8c: {  	s14 =	sshll.u32 s0, $0xA;
	s2 =	sadd.s32 s3, s2  }
0x8d: {  	s2 =	sadd.s32 s2, s14  }
0x8e: {  	[smem:$0x3FC4] =	sst s2  }
0x8f: {  	_ = 	snop  }
0x90: {  	s2 =	sld [smem:$0x3FD0];
	_ =	sdelay $0x2  }
0x91: {  	s15 =	simm.s32 $0xA;
	s4 =	simm.s32 $0x10  }
0x92: {  	[smem:s4], [sflag:s15] =	dma.local [hbm:s2], $0x1  }
0x93: {  	_ =	swait.eq [sflag:s15], $0x1  }
0x94: {  	[sflag:s15] =	ssyncset.done $0x0  }
0x95: {  	[sflag:s15] =	ssyncadd.s32 $0xFFFFFFFF  }
0x96: {  	s16 =	sld [smem:$0x10];
	(tm) =	ssettm $0x1  }
0x97: {  	s17 =	sld [smem:$0x3FFB];
	_ =	sdelay $0x3  }
0x98: {  	_ =	strace s17  }
0x99: {  	s3 =	sld [smem:$0x3FFC];
	_ =	sdelay $0x3  }
0x9a: {  	_ =	strace s3  }
0x9b: {  	s3 =	sld [smem:$0x3FFD];
	_ =	sdelay $0x3  }
0x9c: {  	_ =	strace s3  }
0x9d: {  	_ =	strace $0x8FFFFFFF  }
0x9e: {  	s18 =	sld [smem:$0x3FDB];
	_ =	sdelay $0x1  }
0x9f: {  	s19 =	simm.s32 $_scs_section_size  }
0xa0: {  	s5 =	simm.s32 $_size__tile_overlayer_lowered;
	s6 =	simm.s32 $_tile_overlayer_lowered  }
0xa1: {  	s22 =	simm.s32 $0x1BFF;
	s21 =	sshll.u32 s6, $0x1;
	s3 =	sadd.s32 s19, s18  }
0xa2: {  	s7 =	simm.s32 $0x0;
	s20 =	sshll.u32 s5, $0x1;
	s5 =	sadd.s32 s21, s3  }
0xa3: {  	[timem:s7], [sflag:s22] =	dma.local [hbm:s5], s20  }
0xa4: {  	_ =	swait.ge [sflag:s22], s20  }
0xa5: {  	s4 =	ssub.s32 $0x0, s20;
	[sflag:s22] =	ssyncset.done $0x0  }
0xa6: {  	[sflag:s22] =	ssyncadd.s32 s4;
	_ =	sdelay $0x1  }
0xa7: {  	s23 =	simm.s32 $0x1B8B  }
0xa8: {  	_ =	swait.ge [sflag:s23], $0x1  }
0xa9: {  	[sflag:s23] =	ssyncset.done $0x0  }
0xaa: {  	s25 =	simm.s32 $0x1B8E;
	s24 =	sld [smem:$0x3FFE];
	[sflag:s23] =	ssyncadd.s32 $0xFFFFFFFF  }
0xab: {  	s26 =	simm.s32 $execute0_lowered;
	[smem:$0x3FD2] =	sst s25  }
0xac: {  	s5 =	sshll.u32 s26, $0x1;
	_ =	strace $0x80000049;
	[dreg:$0x1] =	wrdreg $0xFFFFFFFF  }
0xad: {  	s28 =	simm.s32 $_size_execute0_lowered;
	s3 =	sadd.s32 s3, s5;
	[dreg:$0x0] =	wrdreg $0x0  }
0xae: {  	s5 =	sshll.u32 s28, $0x1;
	[dreg:$0x2] =	wrdreg s3  }
0xaf: {  	[dreg:$0x3] =	wrdreg s5  }
0xb0: {  	[dreg:$0x4] =	wrdreg $0xC0  }
0xb1: {  	_ =	task [dreg:s7], $0x5FFFF  }
0xb2: {  	[dreg:$0x1] =	wrdreg $0xFFFFFFFF  }
0xb3: {  	[dreg:$0x0] =	wrdreg $0x60  }
0xb4: {  	[dreg:$0x2] =	wrdreg s16  }
0xb5: {  	[dreg:$0x3] =	wrdreg s24  }
0xb6: {  	[dreg:$0x4] =	wrdreg $0xA0000  }
0xb7: {  	[dreg:$0x5] =	wrdreg $0x9  }
0xb8: {  	_ =	task.clear_ibuf [dreg:s7], $0x6FFFF;
	_ =	strace $0x90000049  }
0xb9: {  	s29 =	simm.s32 $0x9;
	_ =	strace $0x8000004B  }
0xba: {  	_ =	swait.ge [sflag:s29], $0x1  }
0xbb: {  	[sflag:s29] =	ssyncadd.s32 $0xFFFFFFFF  }
0xbc: {  	_ =	strace $0x9000004B  }
0xbd: {  	_ =	sfence  }
0xbe: {  	s30 =	sld [smem:$0x0];
	_ =	sdelay $0x2  }
0xbf: {  	s31 =	sshll.u32 s1, $0xD;
	s1 =	sshrl.u32 s1, $0x2  }
0xc0: {  	s3 =	sand.u32 $0x4000, s31;
	s1 =	sadd.s32 s1, s30  }
0xc1: {  	s0 =	sor.u32 s3, s0;
	s1 =	sshll.u32 s1, $0x11  }
0xc2: {  	s0 =	sor.u32 s1, s0  }
0xc3: {  	s0 =	sadd.s32 $0x8F2B, s0  }
0xc4: {  	[sflag:s0] =	ssyncadd.remote.s32 $0x1  }
0xc5: {  	_ =	sfence.sel $0xFFFF  }
0xc6: {  	[dreg:$0x0] =	wrdreg $0xFFFFFFFF;
	(pc) =	sbr.abs _section_cstart, $3  }
0xc7: {  	[dreg:$0x1] =	wrdreg $0xFFFFFFFF  }
0xc8: {  	_ =	task.clear_ibuf [dreg:s7], $0x2FFFF;
	_ =	strace $0x9FFFFFFF  }
0xc9: {  	(tm) =	ssettm $0x7FFFFFFF  }
tec
execute0_lowered:
.L_overlay_start_1:
0x0: {  	(tag) =	ssettag $0x1  }
0x1: {  	s1 =	rddreg [dreg:$0x0]  }
0x2: {  	s0 =	rddreg [dreg:$0x1]  }
0x3: {  	s3 =	rddreg [dreg:$0x2];
	s2 =	srdreg.scid  }
0x4: {  	s8 =	stileid.u32;
	s4 =	simm.s32 $0x0;
	s30 =	simm.s32 $0x1  }
0x5: {  	s28 =	simm.s32 $0xB80;
	s2 =	sand.u32 $0x1, s2;
	s6 =	smul.u32 $0x14000, s8  }
0x6: {  	[smem:$0x7FF] =	sst s4;
	s12 =	sadd.s32 $0x5A600, s0;
	s9 =	sadd.s32 $0x50600, s0  }
0x7: {  	s5 =	smul.u32 $0x140000, s2;
	s7 =	sshll.u32 s2, $0x4;
	_ =	strace $0x8000004A  }
0x8: {  	s2 =	ssub.s32 $0x2, s2;
	s7 =	sor.u32 s8, s7;
	s8 =	smul.u32 $0x50000, s8  }
0x9: {  	s13 =	sshrl.u32 s2, $0x1;
	s5 =	sadd.s32 s6, s5;
	s11 =	smul.u32 $0x2800, s7  }
0xa: {  	s2 =	ssub.s32 s2, s13;
	s13 =	simm.s32 $0x1980;
	s5 =	sshrl.u32 s5, $0x3  }
0xb: {  	s14 =	sshrl.u32 s8, $0x2;
	s31 =	smax.u32 s2, $0x1;
	s2 =	simm.s32 $0x4  }
0xc: {  	s8 =	simm.s32 $0x900;
	s0 =	sadd.s32 s5, s0;
	s10 =	sshrl.u32 s11, $0x3  }
0xd: {  	s6 =	sadd.s32 s14, s3;
	[dreg:$0x13] =	wrdreg s31;
	s11 =	simm.s32 $0x1900  }
0xe: {  	s14 =	simm.s32 $0xA80;
	s15 =	sadd.s32 s12, s10;
	[dreg:$0x14] =	wrdreg s6  }
0xf: {  	s16 =	sadd.s32 s9, s10;
	s17 =	sadd.s32 $0x4000, s6;
	[dreg:$0x4] =	wrdreg s15  }
0x10: {  	s18 =	sadd.s32 $0x8000, s6;
	s19 =	sadd.s32 $0xC000, s6;
	[dreg:$0x5] =	wrdreg s16  }
0x11: {  	s20 =	sadd.s32 $0x10000, s6;
	s21 =	sadd.s32 $0x100, s10;
	[dreg:$0x6] =	wrdreg s17  }
0x12: {  	s23 =	sadd.s32 $0x200, s10;
	s25 =	sadd.s32 $0x300, s10;
	[dreg:$0x7] =	wrdreg s18  }
0x13: {  	s29 =	sadd.s32 $0x400, s10;
	s0 =	sadd.s32 $0x64600, s0;
	[dreg:$0x8] =	wrdreg s19  }
0x14: {  	s6 =	simm.s32 $0x1800;
	s10 =	simm.s32 $0x980;
	[dreg:$0x9] =	wrdreg s20  }
0x15: {  	s22 =	sadd.s32 s12, s21;
	s5 =	sadd.s32 s9, s21;
	[dreg:$0x12] =	wrdreg s0  }
0x16: {  	s24 =	sadd.s32 s12, s23;
	s26 =	sadd.s32 s12, s25;
	[dreg:$0xa] =	wrdreg s22  }
0x17: {  	s7 =	sadd.s32 s12, s29;
	s0 =	simm.s32 $0x6000;
	[dreg:$0xb] =	wrdreg s5  }
0x18: {  	s18 =	simm.s32 $0x0;
	s12 =	simm.s32 $0xA00;
	[dreg:$0xc] =	wrdreg s24  }
0x19: {  	s15 =	simm.s32 $0x1A00;
	s16 =	simm.s32 $0xB00;
	[dreg:$0xe] =	wrdreg s26  }
0x1a: {  	s17 =	simm.s32 $0x1A80;
	s5 =	sadd.s32 s9, s23;
	[dreg:$0x10] =	wrdreg s7  }
0x1b: {  	s7 =	simm.s32 $0x1000;
	s23 =	simm.s32 $0x2000;
	s24 =	simm.s32 $0x3  }
0x1c: {  	s26 =	simm.s32 $0x7D;
	[dreg:$0xd] =	wrdreg s5;
	s5 =	sadd.s32 s9, s25  }
0x1d: {  	s22 =	simm.s32 $0x880;
	[dreg:$0xf] =	wrdreg s5;
	s5 =	sadd.s32 s9, s29  }
0x1e: {  	v0 =	vimm.f32 $0.0e+00;
	s25 =	simm.s32 $0x2;
	s9 =	simm.s32 $0x1880;
	[dreg:$0x11] =	wrdreg s5  }
.LBB2_1:
0x1f: {  	s19 =	rddreg [dreg:$0x4];
	s31 =	sand.u32 $0xFE00, s4  }
0x20: {  	[tilespmem:s4], [sflag:$0x3] =	stream.linear.gather [hbm4b:s19+s4], $0x800, $0x38;
	[tilespmem:$0x1E000] =	vst v63  }
0x21: {  	s29 =	rddreg [dreg:$0x5];
	s20 =	sand.u32 $0x70, s4;
	s21 =	sshrl.u32 s31, $0x2  }
0x22: {  	s19 =	simm.s32 $0x40;
	s21 =	sor.u32 s20, s21;
	s20 =	simm.s32 $0x0  }
0x23: {  	[tilespmem:s7], [sflag:$0x3] =	stream.linear.gather [hbm4b:s29+s4], $0x800, $0x38;
	[tilespmem:$0x1E000] =	vst v63  }
.LBB2_2:
0x24: {  	p0 =	sne.s32 s19, $0xFFC0  }
0x25: {  	[tilespmem:s21+$0x2000] =	vst v0;
	s20 =	sadd.s32 $0x10, s20;
	s21 =	smov.u32 s19;
	s19 =	sadd.s32 $0x40, s19  }
.Ltmp0:
0x26: {  	(pc) =	sbr.rel @p0 .LBB2_2-.Ltmp0, $4  }
0x27: {  	_ = 	snop  }
0x28: {  	s21 =	sand.u32 $0xFE00, s21  }
0x29: {  	s31 =	sand.u32 $0x70, s20;
	s21 =	sshrl.u32 s21, $0x2  }
0x2a: {  	s21 =	sor.u32 s31, s21  }
0x2b: {  	[tilespmem:s21+$0x2000] =	vst v0;
	s5 =	rddreg [dreg:$0x14]  }
0x2c: {  	[spmem:s5] =	stream.linear.scatter [tilespmem:s23], [sflag:$0x2], $0x4000, $0x38;
	[tilespmem:$0x1E000] =	vst v63  }
0x2d: {  	s19 =	rddreg [dreg:$0x6]  }
0x2e: {  	[spmem:s19] =	stream.linear.scatter [tilespmem:s23], [sflag:$0x2], $0x4000, $0x38;
	[tilespmem:$0x1E000] =	vst v63  }
0x2f: {  	s29 =	rddreg [dreg:$0x7]  }
0x30: {  	[spmem:s29] =	stream.linear.scatter [tilespmem:s23], [sflag:$0x2], $0x4000, $0x38;
	[tilespmem:$0x1E000] =	vst v63  }
0x31: {  	s31 =	rddreg [dreg:$0x8]  }
0x32: {  	[spmem:s31] =	stream.linear.scatter [tilespmem:s23], [sflag:$0x2], $0x4000, $0x38;
	[tilespmem:$0x1E000] =	vst v63  }
0x33: {  	s5 =	rddreg [dreg:$0x9]  }
0x34: {  	[spmem:s5] =	stream.linear.scatter [tilespmem:s23], [sflag:$0x2], $0x4000, $0x38;
	[tilespmem:$0x1E000] =	vst v63  }
0x35: {  	_ =	swait.ge [sflag:s24], $0x800  }
0x36: {  	[sflag:s24] =	ssyncset.done $0x0  }
0x37: {  	[sflag:s24] =	ssyncadd.s32 $0xFFFFF800  }
0x38: {  	_ =	swait.ge [sflag:s24], $0x800  }
0x39: {  	[sflag:s24] =	ssyncset.done $0x0  }
0x3a: {  	[sflag:s24] =	ssyncadd.s32 $0xFFFFF800  }
0x3b: {  	_ =	swait.ge [sflag:s25], $0x4000  }
0x3c: {  	[sflag:s25] =	ssyncset.done $0x0  }
0x3d: {  	[sflag:s25] =	ssyncadd.s32 $0xFFFFC000  }
0x3e: {  	_ =	swait.ge [sflag:s25], $0x4000  }
0x3f: {  	[sflag:s25] =	ssyncset.done $0x0  }
0x40: {  	[sflag:s25] =	ssyncadd.s32 $0xFFFFC000  }
0x41: {  	_ =	swait.ge [sflag:s25], $0x4000  }
0x42: {  	[sflag:s25] =	ssyncset.done $0x0  }
0x43: {  	[sflag:s25] =	ssyncadd.s32 $0xFFFFC000  }
0x44: {  	_ =	swait.ge [sflag:s25], $0x4000  }
0x45: {  	[sflag:s25] =	ssyncset.done $0x0  }
0x46: {  	[sflag:s25] =	ssyncadd.s32 $0xFFFFC000  }
0x47: {  	_ =	swait.ge [sflag:s25], $0x4000  }
0x48: {  	[sflag:s25] =	ssyncset.done $0x0  }
0x49: {  	[sflag:s25] =	ssyncadd.s32 $0xFFFFC000  }
0x4a: {  	[bflag:$0x0] =	sbarrier.arrive $0xFFFF  }
0x4b: {  	[tilespmem:s23], [sflag:$0x1] =	stream.indirect.gather [hbm4b:s1+s26], $0x80, s4, s26, $0xb8;
	[tilespmem:$0x1E000] =	vst v63  }
0x4c: {  	s29 =	simm.s32 $0x800;
	s20 =	rddreg [dreg:$0xa]  }
0x4d: {  	[tilespmem:s29], [sflag:$0x3] =	stream.linear.gather [hbm4b:s20+s4], $0x800, $0x38;
	[tilespmem:$0x1E000] =	vst v63  }
0x4e: {  	s21 =	rddreg [dreg:$0xb]  }
0x4f: {  	[tilespmem:s6], [sflag:$0x3] =	stream.linear.gather [hbm4b:s21+s4], $0x800, $0x38;
	[tilespmem:$0x1E000] =	vst v63  }
0x50: {  	_ =	swait.ge [sflag:s30], $0x3E80  }
0x51: {  	[sflag:s30] =	ssyncset.done $0x0  }
0x52: {  	s31 =	simm.s32 $0x80;
	[sflag:s30] =	ssyncadd.s32 $0xFFFFC180  }
0x53: {  	[tilespmem:s0], [sflag:$0x2] =	stream.indirect.gather [hbm4b:s1+s26], $0x80, s31, s26, $0xb8;
	[tilespmem:$0x1E000] =	vst v63  }
0x54: {  	_ = 	snop  }
0x55: {  	[spmem:s3] =	stream.indirect.scatter.add.f32 [tilespmem:s23], [sflag:$0x4], $0x80, s7, s26, $0xb8;
	[tilespmem:$0x1E000] =	vst v63  }
0x56: {  	_ =	swait.ge [sflag:s2], $0x3E80  }
0x57: {  	[sflag:s2] =	ssyncset.done $0x0  }
0x58: {  	[sflag:s2] =	ssyncadd.s32 $0xFFFFC180  }
0x59: {  	_ =	swait.ge [sflag:s25], $0x3E80  }
0x5a: {  	[sflag:s25] =	ssyncset.done $0x0  }
0x5b: {  	s19 =	simm.s32 $0x100;
	[sflag:s25] =	ssyncadd.s32 $0xFFFFC180  }
0x5c: {  	[tilespmem:s23], [sflag:$0x1] =	stream.indirect.gather [hbm4b:s1+s26], $0x80, s19, s26, $0xb8;
	[tilespmem:$0x1E000] =	vst v63  }
0x5d: {  	s20 =	simm.s32 $0x1080  }
0x5e: {  	[spmem:s3] =	stream.indirect.scatter.add.f32 [tilespmem:s0], [sflag:$0x4], $0x80, s20, s26, $0xb8;
	[tilespmem:$0x1E000] =	vst v63  }
0x5f: {  	_ =	swait.ge [sflag:s2], $0x3E80  }
0x60: {  	[sflag:s2] =	ssyncset.done $0x0  }
0x61: {  	[sflag:s2] =	ssyncadd.s32 $0xFFFFC180  }
0x62: {  	_ =	swait.ge [sflag:s30], $0x3E80  }
0x63: {  	[sflag:s30] =	ssyncset.done $0x0  }
0x64: {  	s21 =	simm.s32 $0x180;
	[sflag:s30] =	ssyncadd.s32 $0xFFFFC180  }
0x65: {  	[tilespmem:s0], [sflag:$0x2] =	stream.indirect.gather [hbm4b:s1+s26], $0x80, s21, s26, $0xb8;
	[tilespmem:$0x1E000] =	vst v63  }
0x66: {  	s31 =	simm.s32 $0x1100  }
0x67: {  	[spmem:s3] =	stream.indirect.scatter.add.f32 [tilespmem:s23], [sflag:$0x4], $0x80, s31, s26, $0xb8;
	[tilespmem:$0x1E000] =	vst v63  }
0x68: {  	_ =	swait.ge [sflag:s2], $0x3E80  }
0x69: {  	[sflag:s2] =	ssyncset.done $0x0  }
0x6a: {  	[sflag:s2] =	ssyncadd.s32 $0xFFFFC180  }
0x6b: {  	_ =	swait.ge [sflag:s25], $0x3E80  }
0x6c: {  	[sflag:s25] =	ssyncset.done $0x0  }
0x6d: {  	s19 =	simm.s32 $0x200;
	[sflag:s25] =	ssyncadd.s32 $0xFFFFC180  }
0x6e: {  	[tilespmem:s23], [sflag:$0x1] =	stream.indirect.gather [hbm4b:s1+s26], $0x80, s19, s26, $0xb8;
	[tilespmem:$0x1E000] =	vst v63  }
0x6f: {  	s20 =	simm.s32 $0x1180  }
0x70: {  	[spmem:s3] =	stream.indirect.scatter.add.f32 [tilespmem:s0], [sflag:$0x4], $0x80, s20, s26, $0xb8;
	[tilespmem:$0x1E000] =	vst v63  }
0x71: {  	_ =	swait.ge [sflag:s2], $0x3E80  }
0x72: {  	[sflag:s2] =	ssyncset.done $0x0  }
0x73: {  	[sflag:s2] =	ssyncadd.s32 $0xFFFFC180  }
0x74: {  	_ =	swait.ge [sflag:s30], $0x3E80  }
0x75: {  	[sflag:s30] =	ssyncset.done $0x0  }
0x76: {  	s21 =	simm.s32 $0x280;
	[sflag:s30] =	ssyncadd.s32 $0xFFFFC180  }
0x77: {  	[tilespmem:s0], [sflag:$0x2] =	stream.indirect.gather [hbm4b:s1+s26], $0x80, s21, s26, $0xb8;
	[tilespmem:$0x1E000] =	vst v63  }
0x78: {  	s31 =	simm.s32 $0x1200  }
0x79: {  	[spmem:s3] =	stream.indirect.scatter.add.f32 [tilespmem:s23], [sflag:$0x4], $0x80, s31, s26, $0xb8;
	[tilespmem:$0x1E000] =	vst v63  }
0x7a: {  	_ =	swait.ge [sflag:s2], $0x3E80  }
0x7b: {  	[sflag:s2] =	ssyncset.done $0x0  }
0x7c: {  	[sflag:s2] =	ssyncadd.s32 $0xFFFFC180  }
0x7d: {  	_ =	swait.ge [sflag:s25], $0x3E80  }
0x7e: {  	[sflag:s25] =	ssyncset.done $0x0  }
0x7f: {  	s19 =	simm.s32 $0x300;
	[sflag:s25] =	ssyncadd.s32 $0xFFFFC180  }
0x80: {  	[tilespmem:s23], [sflag:$0x1] =	stream.indirect.gather [hbm4b:s1+s26], $0x80, s19, s26, $0xb8;
	[tilespmem:$0x1E000] =	vst v63  }
0x81: {  	s20 =	simm.s32 $0x1280  }
0x82: {  	[spmem:s3] =	stream.indirect.scatter.add.f32 [tilespmem:s0], [sflag:$0x4], $0x80, s20, s26, $0xb8;
	[tilespmem:$0x1E000] =	vst v63  }
0x83: {  	_ =	swait.ge [sflag:s2], $0x3E80  }
0x84: {  	[sflag:s2] =	ssyncset.done $0x0  }
0x85: {  	[sflag:s2] =	ssyncadd.s32 $0xFFFFC180  }
0x86: {  	_ =	swait.ge [sflag:s30], $0x3E80  }
0x87: {  	[sflag:s30] =	ssyncset.done $0x0  }
0x88: {  	s21 =	simm.s32 $0x380;
	[sflag:s30] =	ssyncadd.s32 $0xFFFFC180  }
0x89: {  	[tilespmem:s0], [sflag:$0x2] =	stream.indirect.gather [hbm4b:s1+s26], $0x80, s21, s26, $0xb8;
	[tilespmem:$0x1E000] =	vst v63  }
0x8a: {  	s31 =	simm.s32 $0x1300  }
0x8b: {  	[spmem:s3] =	stream.indirect.scatter.add.f32 [tilespmem:s23], [sflag:$0x4], $0x80, s31, s26, $0xb8;
	[tilespmem:$0x1E000] =	vst v63  }
0x8c: {  	_ =	swait.ge [sflag:s2], $0x3E80  }
0x8d: {  	[sflag:s2] =	ssyncset.done $0x0  }
0x8e: {  	[sflag:s2] =	ssyncadd.s32 $0xFFFFC180  }
0x8f: {  	_ =	swait.ge [sflag:s25], $0x3E80  }
0x90: {  	[sflag:s25] =	ssyncset.done $0x0  }
0x91: {  	s19 =	simm.s32 $0x400;
	[sflag:s25] =	ssyncadd.s32 $0xFFFFC180  }
0x92: {  	[tilespmem:s23], [sflag:$0x1] =	stream.indirect.gather [hbm4b:s1+s26], $0x80, s19, s26, $0xb8;
	[tilespmem:$0x1E000] =	vst v63  }
0x93: {  	s20 =	simm.s32 $0x1380  }
0x94: {  	[spmem:s3] =	stream.indirect.scatter.add.f32 [tilespmem:s0], [sflag:$0x4], $0x80, s20, s26, $0xb8;
	[tilespmem:$0x1E000] =	vst v63  }
0x95: {  	_ =	swait.ge [sflag:s2], $0x3E80  }
0x96: {  	[sflag:s2] =	ssyncset.done $0x0  }
0x97: {  	[sflag:s2] =	ssyncadd.s32 $0xFFFFC180  }
0x98: {  	_ =	swait.ge [sflag:s30], $0x3E80  }
0x99: {  	[sflag:s30] =	ssyncset.done $0x0  }
0x9a: {  	s21 =	simm.s32 $0x480;
	[sflag:s30] =	ssyncadd.s32 $0xFFFFC180  }
0x9b: {  	[tilespmem:s0], [sflag:$0x2] =	stream.indirect.gather [hbm4b:s1+s26], $0x80, s21, s26, $0xb8;
	[tilespmem:$0x1E000] =	vst v63  }
0x9c: {  	s31 =	simm.s32 $0x1400  }
0x9d: {  	[spmem:s3] =	stream.indirect.scatter.add.f32 [tilespmem:s23], [sflag:$0x4], $0x80, s31, s26, $0xb8;
	[tilespmem:$0x1E000] =	vst v63  }
0x9e: {  	_ =	swait.ge [sflag:s2], $0x3E80  }
0x9f: {  	[sflag:s2] =	ssyncset.done $0x0  }
0xa0: {  	[sflag:s2] =	ssyncadd.s32 $0xFFFFC180  }
0xa1: {  	_ =	swait.ge [sflag:s25], $0x3E80  }
0xa2: {  	[sflag:s25] =	ssyncset.done $0x0  }
0xa3: {  	s19 =	simm.s32 $0x500;
	[sflag:s25] =	ssyncadd.s32 $0xFFFFC180  }
0xa4: {  	[tilespmem:s23], [sflag:$0x1] =	stream.indirect.gather [hbm4b:s1+s26], $0x80, s19, s26, $0xb8;
	[tilespmem:$0x1E000] =	vst v63  }
0xa5: {  	s20 =	simm.s32 $0x1480  }
0xa6: {  	[spmem:s3] =	stream.indirect.scatter.add.f32 [tilespmem:s0], [sflag:$0x4], $0x80, s20, s26, $0xb8;
	[tilespmem:$0x1E000] =	vst v63  }
0xa7: {  	_ =	swait.ge [sflag:s2], $0x3E80  }
0xa8: {  	[sflag:s2] =	ssyncset.done $0x0  }
0xa9: {  	[sflag:s2] =	ssyncadd.s32 $0xFFFFC180  }
0xaa: {  	_ =	swait.ge [sflag:s30], $0x3E80  }
0xab: {  	[sflag:s30] =	ssyncset.done $0x0  }
0xac: {  	s21 =	simm.s32 $0x580;
	[sflag:s30] =	ssyncadd.s32 $0xFFFFC180  }
0xad: {  	[tilespmem:s0], [sflag:$0x2] =	stream.indirect.gather [hbm4b:s1+s26], $0x80, s21, s26, $0xb8;
	[tilespmem:$0x1E000] =	vst v63  }
0xae: {  	s31 =	simm.s32 $0x1500  }
0xaf: {  	[spmem:s3] =	stream.indirect.scatter.add.f32 [tilespmem:s23], [sflag:$0x4], $0x80, s31, s26, $0xb8;
	[tilespmem:$0x1E000] =	vst v63  }
0xb0: {  	_ =	swait.ge [sflag:s2], $0x3E80  }
0xb1: {  	[sflag:s2] =	ssyncset.done $0x0  }
0xb2: {  	[sflag:s2] =	ssyncadd.s32 $0xFFFFC180  }
0xb3: {  	_ =	swait.ge [sflag:s25], $0x3E80  }
0xb4: {  	[sflag:s25] =	ssyncset.done $0x0  }
0xb5: {  	s19 =	simm.s32 $0x600;
	[sflag:s25] =	ssyncadd.s32 $0xFFFFC180  }
0xb6: {  	[tilespmem:s23], [sflag:$0x1] =	stream.indirect.gather [hbm4b:s1+s26], $0x80, s19, s26, $0xb8;
	[tilespmem:$0x1E000] =	vst v63  }
0xb7: {  	s20 =	simm.s32 $0x1580  }
0xb8: {  	[spmem:s3] =	stream.indirect.scatter.add.f32 [tilespmem:s0], [sflag:$0x4], $0x80, s20, s26, $0xb8;
	[tilespmem:$0x1E000] =	vst v63  }
0xb9: {  	_ =	swait.ge [sflag:s2], $0x3E80  }
0xba: {  	[sflag:s2] =	ssyncset.done $0x0  }
0xbb: {  	[sflag:s2] =	ssyncadd.s32 $0xFFFFC180  }
0xbc: {  	_ =	swait.ge [sflag:s30], $0x3E80  }
0xbd: {  	[sflag:s30] =	ssyncset.done $0x0  }
0xbe: {  	s21 =	simm.s32 $0x680;
	[sflag:s30] =	ssyncadd.s32 $0xFFFFC180  }
0xbf: {  	[tilespmem:s0], [sflag:$0x2] =	stream.indirect.gather [hbm4b:s1+s26], $0x80, s21, s26, $0xb8;
	[tilespmem:$0x1E000] =	vst v63  }
0xc0: {  	s31 =	simm.s32 $0x1600  }
0xc1: {  	[spmem:s3] =	stream.indirect.scatter.add.f32 [tilespmem:s23], [sflag:$0x4], $0x80, s31, s26, $0xb8;
	[tilespmem:$0x1E000] =	vst v63  }
0xc2: {  	_ =	swait.ge [sflag:s2], $0x3E80  }
0xc3: {  	[sflag:s2] =	ssyncset.done $0x0  }
0xc4: {  	[sflag:s2] =	ssyncadd.s32 $0xFFFFC180  }
0xc5: {  	_ =	swait.ge [sflag:s25], $0x3E80  }
0xc6: {  	[sflag:s25] =	ssyncset.done $0x0  }
0xc7: {  	s19 =	simm.s32 $0x700;
	[sflag:s25] =	ssyncadd.s32 $0xFFFFC180  }
0xc8: {  	[tilespmem:s23], [sflag:$0x1] =	stream.indirect.gather [hbm4b:s1+s26], $0x80, s19, s26, $0xb8;
	[tilespmem:$0x1E000] =	vst v63  }
0xc9: {  	s20 =	simm.s32 $0x1680  }
0xca: {  	[spmem:s3] =	stream.indirect.scatter.add.f32 [tilespmem:s0], [sflag:$0x4], $0x80, s20, s26, $0xb8;
	[tilespmem:$0x1E000] =	vst v63  }
0xcb: {  	_ =	swait.ge [sflag:s2], $0x3E80  }
0xcc: {  	[sflag:s2] =	ssyncset.done $0x0  }
0xcd: {  	[sflag:s2] =	ssyncadd.s32 $0xFFFFC180  }
0xce: {  	_ =	swait.ge [sflag:s30], $0x3E80  }
0xcf: {  	[sflag:s30] =	ssyncset.done $0x0  }
0xd0: {  	s21 =	simm.s32 $0x780;
	[sflag:s30] =	ssyncadd.s32 $0xFFFFC180  }
0xd1: {  	[tilespmem:s0], [sflag:$0x2] =	stream.indirect.gather [hbm4b:s1+s26], $0x80, s21, s26, $0xb8;
	[tilespmem:$0x1E000] =	vst v63  }
0xd2: {  	s31 =	simm.s32 $0x1700  }
0xd3: {  	[spmem:s3] =	stream.indirect.scatter.add.f32 [tilespmem:s23], [sflag:$0x4], $0x80, s31, s26, $0xb8;
	[tilespmem:$0x1E000] =	vst v63  }
0xd4: {  	_ =	swait.ge [sflag:s2], $0x3E80  }
0xd5: {  	[sflag:s2] =	ssyncset.done $0x0  }
0xd6: {  	[sflag:s2] =	ssyncadd.s32 $0xFFFFC180  }
0xd7: {  	_ =	swait.ge [sflag:s25], $0x3E80  }
0xd8: {  	[sflag:s25] =	ssyncset.done $0x0  }
0xd9: {  	[sflag:s25] =	ssyncadd.s32 $0xFFFFC180  }
0xda: {  	_ =	swait.ge [sflag:s24], $0x800  }
0xdb: {  	[sflag:s24] =	ssyncset.done $0x0  }
0xdc: {  	[sflag:s24] =	ssyncadd.s32 $0xFFFFF800  }
0xdd: {  	_ =	swait.ge [sflag:s24], $0x800  }
0xde: {  	[sflag:s24] =	ssyncset.done $0x0  }
0xdf: {  	[sflag:s24] =	ssyncadd.s32 $0xFFFFF800  }
0xe0: {  	[tilespmem:s23], [sflag:$0x1] =	stream.indirect.gather [hbm4b:s1+s26], $0x80, s29, s26, $0xb8;
	[tilespmem:$0x1E000] =	vst v63  }
0xe1: {  	s19 =	simm.s32 $0x1780  }
0xe2: {  	[spmem:s3] =	stream.indirect.scatter.add.f32 [tilespmem:s0], [sflag:$0x4], $0x80, s19, s26, $0xb8;
	[tilespmem:$0x1E000] =	vst v63  }
0xe3: {  	_ =	swait.ge [sflag:s2], $0x3E80  }
0xe4: {  	[sflag:s2] =	ssyncset.done $0x0  }
0xe5: {  	s20 =	rddreg [dreg:$0xc];
	[sflag:s2] =	ssyncadd.s32 $0xFFFFC180  }
0xe6: {  	[tilespmem:s4], [sflag:$0x3] =	stream.linear.gather [hbm4b:s20+s4], $0x800, $0x38;
	[tilespmem:$0x1E000] =	vst v63  }
0xe7: {  	s21 =	rddreg [dreg:$0xd]  }
0xe8: {  	[tilespmem:s7], [sflag:$0x3] =	stream.linear.gather [hbm4b:s21+s4], $0x800, $0x38;
	[tilespmem:$0x1E000] =	vst v63  }
0xe9: {  	_ =	swait.ge [sflag:s30], $0x3E80  }
0xea: {  	[sflag:s30] =	ssyncset.done $0x0  }
0xeb: {  	[sflag:s30] =	ssyncadd.s32 $0xFFFFC180  }
0xec: {  	[tilespmem:s0], [sflag:$0x2] =	stream.indirect.gather [hbm4b:s1+s26], $0x80, s22, s26, $0xb8;
	[tilespmem:$0x1E000] =	vst v63  }
0xed: {  	_ = 	snop  }
0xee: {  	[spmem:s3] =	stream.indirect.scatter.add.f32 [tilespmem:s23], [sflag:$0x4], $0x80, s6, s26, $0xb8;
	[tilespmem:$0x1E000] =	vst v63  }
0xef: {  	_ =	swait.ge [sflag:s2], $0x3E80  }
0xf0: {  	[sflag:s2] =	ssyncset.done $0x0  }
0xf1: {  	[sflag:s2] =	ssyncadd.s32 $0xFFFFC180  }
0xf2: {  	_ =	swait.ge [sflag:s25], $0x3E80  }
0xf3: {  	[sflag:s25] =	ssyncset.done $0x0  }
0xf4: {  	[sflag:s25] =	ssyncadd.s32 $0xFFFFC180  }
0xf5: {  	[tilespmem:s23], [sflag:$0x1] =	stream.indirect.gather [hbm4b:s1+s26], $0x80, s8, s26, $0xb8;
	[tilespmem:$0x1E000] =	vst v63  }
0xf6: {  	_ = 	snop  }
0xf7: {  	[spmem:s3] =	stream.indirect.scatter.add.f32 [tilespmem:s0], [sflag:$0x4], $0x80, s9, s26, $0xb8;
	[tilespmem:$0x1E000] =	vst v63  }
0xf8: {  	_ =	swait.ge [sflag:s2], $0x3E80  }
0xf9: {  	[sflag:s2] =	ssyncset.done $0x0  }
0xfa: {  	[sflag:s2] =	ssyncadd.s32 $0xFFFFC180  }
0xfb: {  	_ =	swait.ge [sflag:s30], $0x3E80  }
0xfc: {  	[sflag:s30] =	ssyncset.done $0x0  }
0xfd: {  	[sflag:s30] =	ssyncadd.s32 $0xFFFFC180  }
0xfe: {  	[tilespmem:s0], [sflag:$0x2] =	stream.indirect.gather [hbm4b:s1+s26], $0x80, s10, s26, $0xb8;
	[tilespmem:$0x1E000] =	vst v63  }
0xff: {  	_ = 	snop  }
0x100: {  	[spmem:s3] =	stream.indirect.scatter.add.f32 [tilespmem:s23], [sflag:$0x4], $0x80, s11, s26, $0xb8;
	[tilespmem:$0x1E000] =	vst v63  }
0x101: {  	_ =	swait.ge [sflag:s2], $0x3E80  }
0x102: {  	[sflag:s2] =	ssyncset.done $0x0  }
0x103: {  	[sflag:s2] =	ssyncadd.s32 $0xFFFFC180  }
0x104: {  	_ =	swait.ge [sflag:s25], $0x3E80  }
0x105: {  	[sflag:s25] =	ssyncset.done $0x0  }
0x106: {  	[sflag:s25] =	ssyncadd.s32 $0xFFFFC180  }
0x107: {  	[tilespmem:s23], [sflag:$0x1] =	stream.indirect.gather [hbm4b:s1+s26], $0x80, s12, s26, $0xb8;
	[tilespmem:$0x1E000] =	vst v63  }
0x108: {  	_ = 	snop  }
0x109: {  	[spmem:s3] =	stream.indirect.scatter.add.f32 [tilespmem:s0], [sflag:$0x4], $0x80, s13, s26, $0xb8;
	[tilespmem:$0x1E000] =	vst v63  }
0x10a: {  	_ =	swait.ge [sflag:s2], $0x3E80  }
0x10b: {  	[sflag:s2] =	ssyncset.done $0x0  }
0x10c: {  	[sflag:s2] =	ssyncadd.s32 $0xFFFFC180  }
0x10d: {  	_ =	swait.ge [sflag:s30], $0x3E80  }
0x10e: {  	[sflag:s30] =	ssyncset.done $0x0  }
0x10f: {  	[sflag:s30] =	ssyncadd.s32 $0xFFFFC180  }
0x110: {  	[tilespmem:s0], [sflag:$0x2] =	stream.indirect.gather [hbm4b:s1+s26], $0x80, s14, s26, $0xb8;
	[tilespmem:$0x1E000] =	vst v63  }
0x111: {  	_ = 	snop  }
0x112: {  	[spmem:s3] =	stream.indirect.scatter.add.f32 [tilespmem:s23], [sflag:$0x4], $0x80, s15, s26, $0xb8;
	[tilespmem:$0x1E000] =	vst v63  }
0x113: {  	_ =	swait.ge [sflag:s2], $0x3E80  }
0x114: {  	[sflag:s2] =	ssyncset.done $0x0  }
0x115: {  	[sflag:s2] =	ssyncadd.s32 $0xFFFFC180  }
0x116: {  	_ =	swait.ge [sflag:s25], $0x3E80  }
0x117: {  	[sflag:s25] =	ssyncset.done $0x0  }
0x118: {  	[sflag:s25] =	ssyncadd.s32 $0xFFFFC180  }
0x119: {  	[tilespmem:s23], [sflag:$0x1] =	stream.indirect.gather [hbm4b:s1+s26], $0x80, s16, s26, $0xb8;
	[tilespmem:$0x1E000] =	vst v63  }
0x11a: {  	_ = 	snop  }
0x11b: {  	[spmem:s3] =	stream.indirect.scatter.add.f32 [tilespmem:s0], [sflag:$0x4], $0x80, s17, s26, $0xb8;
	[tilespmem:$0x1E000] =	vst v63  }
0x11c: {  	_ =	swait.ge [sflag:s2], $0x3E80  }
0x11d: {  	[sflag:s2] =	ssyncset.done $0x0  }
0x11e: {  	[sflag:s2] =	ssyncadd.s32 $0xFFFFC180  }
0x11f: {  	_ =	swait.ge [sflag:s30], $0x3E80  }
0x120: {  	[sflag:s30] =	ssyncset.done $0x0  }
0x121: {  	[sflag:s30] =	ssyncadd.s32 $0xFFFFC180  }
0x122: {  	[tilespmem:s0], [sflag:$0x2] =	stream.indirect.gather [hbm4b:s1+s26], $0x80, s28, s26, $0xb8;
	[tilespmem:$0x1E000] =	vst v63  }
0x123: {  	s7 =	simm.s32 $0x1B00  }
0x124: {  	[spmem:s3] =	stream.indirect.scatter.add.f32 [tilespmem:s23], [sflag:$0x4], $0x80, s7, s26, $0xb8;
	[tilespmem:$0x1E000] =	vst v63  }
0x125: {  	_ =	swait.ge [sflag:s2], $0x3E80  }
0x126: {  	[sflag:s2] =	ssyncset.done $0x0  }
0x127: {  	[sflag:s2] =	ssyncadd.s32 $0xFFFFC180  }
0x128: {  	_ =	swait.ge [sflag:s25], $0x3E80  }
0x129: {  	[sflag:s25] =	ssyncset.done $0x0  }
0x12a: {  	s20 =	simm.s32 $0xC00;
	[sflag:s25] =	ssyncadd.s32 $0xFFFFC180  }
0x12b: {  	[tilespmem:s23], [sflag:$0x1] =	stream.indirect.gather [hbm4b:s1+s26], $0x80, s20, s26, $0xb8;
	[tilespmem:$0x1E000] =	vst v63  }
0x12c: {  	s21 =	simm.s32 $0x1B80  }
0x12d: {  	[spmem:s3] =	stream.indirect.scatter.add.f32 [tilespmem:s0], [sflag:$0x4], $0x80, s21, s26, $0xb8;
	[tilespmem:$0x1E000] =	vst v63  }
0x12e: {  	_ =	swait.ge [sflag:s2], $0x3E80  }
0x12f: {  	[sflag:s2] =	ssyncset.done $0x0  }
0x130: {  	[sflag:s2] =	ssyncadd.s32 $0xFFFFC180  }
0x131: {  	_ =	swait.ge [sflag:s30], $0x3E80  }
0x132: {  	[sflag:s30] =	ssyncset.done $0x0  }
0x133: {  	s31 =	simm.s32 $0xC80;
	[sflag:s30] =	ssyncadd.s32 $0xFFFFC180  }
0x134: {  	[tilespmem:s0], [sflag:$0x2] =	stream.indirect.gather [hbm4b:s1+s26], $0x80, s31, s26, $0xb8;
	[tilespmem:$0x1E000] =	vst v63  }
0x135: {  	s19 =	simm.s32 $0x1C00  }
0x136: {  	[spmem:s3] =	stream.indirect.scatter.add.f32 [tilespmem:s23], [sflag:$0x4], $0x80, s19, s26, $0xb8;
	[tilespmem:$0x1E000] =	vst v63  }
0x137: {  	_ =	swait.ge [sflag:s2], $0x3E80  }
0x138: {  	[sflag:s2] =	ssyncset.done $0x0  }
0x139: {  	[sflag:s2] =	ssyncadd.s32 $0xFFFFC180  }
0x13a: {  	_ =	swait.ge [sflag:s25], $0x3E80  }
0x13b: {  	[sflag:s25] =	ssyncset.done $0x0  }
0x13c: {  	s19 =	simm.s32 $0xD00;
	[sflag:s25] =	ssyncadd.s32 $0xFFFFC180  }
0x13d: {  	[tilespmem:s23], [sflag:$0x1] =	stream.indirect.gather [hbm4b:s1+s26], $0x80, s19, s26, $0xb8;
	[tilespmem:$0x1E000] =	vst v63  }
0x13e: {  	s19 =	simm.s32 $0x1C80  }
0x13f: {  	[spmem:s3] =	stream.indirect.scatter.add.f32 [tilespmem:s0], [sflag:$0x4], $0x80, s19, s26, $0xb8;
	[tilespmem:$0x1E000] =	vst v63  }
0x140: {  	_ =	swait.ge [sflag:s2], $0x3E80  }
0x141: {  	[sflag:s2] =	ssyncset.done $0x0  }
0x142: {  	[sflag:s2] =	ssyncadd.s32 $0xFFFFC180  }
0x143: {  	_ =	swait.ge [sflag:s30], $0x3E80  }
0x144: {  	[sflag:s30] =	ssyncset.done $0x0  }
0x145: {  	s19 =	simm.s32 $0xD80;
	[sflag:s30] =	ssyncadd.s32 $0xFFFFC180  }
0x146: {  	[tilespmem:s0], [sflag:$0x2] =	stream.indirect.gather [hbm4b:s1+s26], $0x80, s19, s26, $0xb8;
	[tilespmem:$0x1E000] =	vst v63  }
0x147: {  	s19 =	simm.s32 $0x1D00  }
0x148: {  	[spmem:s3] =	stream.indirect.scatter.add.f32 [tilespmem:s23], [sflag:$0x4], $0x80, s19, s26, $0xb8;
	[tilespmem:$0x1E000] =	vst v63  }
0x149: {  	_ =	swait.ge [sflag:s2], $0x3E80  }
0x14a: {  	[sflag:s2] =	ssyncset.done $0x0  }
0x14b: {  	[sflag:s2] =	ssyncadd.s32 $0xFFFFC180  }
0x14c: {  	_ =	swait.ge [sflag:s25], $0x3E80  }
0x14d: {  	[sflag:s25] =	ssyncset.done $0x0  }
0x14e: {  	s19 =	simm.s32 $0xE00;
	[sflag:s25] =	ssyncadd.s32 $0xFFFFC180  }
0x14f: {  	[tilespmem:s23], [sflag:$0x1] =	stream.indirect.gather [hbm4b:s1+s26], $0x80, s19, s26, $0xb8;
	[tilespmem:$0x1E000] =	vst v63  }
0x150: {  	s19 =	simm.s32 $0x1D80  }
0x151: {  	[spmem:s3] =	stream.indirect.scatter.add.f32 [tilespmem:s0], [sflag:$0x4], $0x80, s19, s26, $0xb8;
	[tilespmem:$0x1E000] =	vst v63  }
0x152: {  	_ =	swait.ge [sflag:s2], $0x3E80  }
0x153: {  	[sflag:s2] =	ssyncset.done $0x0  }
0x154: {  	[sflag:s2] =	ssyncadd.s32 $0xFFFFC180  }
0x155: {  	_ =	swait.ge [sflag:s30], $0x3E80  }
0x156: {  	[sflag:s30] =	ssyncset.done $0x0  }
0x157: {  	s19 =	simm.s32 $0xE80;
	[sflag:s30] =	ssyncadd.s32 $0xFFFFC180  }
0x158: {  	[tilespmem:s0], [sflag:$0x2] =	stream.indirect.gather [hbm4b:s1+s26], $0x80, s19, s26, $0xb8;
	[tilespmem:$0x1E000] =	vst v63  }
0x159: {  	s19 =	simm.s32 $0x1E00  }
0x15a: {  	[spmem:s3] =	stream.indirect.scatter.add.f32 [tilespmem:s23], [sflag:$0x4], $0x80, s19, s26, $0xb8;
	[tilespmem:$0x1E000] =	vst v63  }
0x15b: {  	_ =	swait.ge [sflag:s2], $0x3E80  }
0x15c: {  	[sflag:s2] =	ssyncset.done $0x0  }
0x15d: {  	[sflag:s2] =	ssyncadd.s32 $0xFFFFC180  }
0x15e: {  	_ =	swait.ge [sflag:s25], $0x3E80  }
0x15f: {  	[sflag:s25] =	ssyncset.done $0x0  }
0x160: {  	s19 =	simm.s32 $0xF00;
	[sflag:s25] =	ssyncadd.s32 $0xFFFFC180  }
0x161: {  	[tilespmem:s23], [sflag:$0x1] =	stream.indirect.gather [hbm4b:s1+s26], $0x80, s19, s26, $0xb8;
	[tilespmem:$0x1E000] =	vst v63  }
0x162: {  	s19 =	simm.s32 $0x1E80  }
0x163: {  	[spmem:s3] =	stream.indirect.scatter.add.f32 [tilespmem:s0], [sflag:$0x4], $0x80, s19, s26, $0xb8;
	[tilespmem:$0x1E000] =	vst v63  }
0x164: {  	_ =	swait.ge [sflag:s2], $0x3E80  }
0x165: {  	[sflag:s2] =	ssyncset.done $0x0  }
0x166: {  	[sflag:s2] =	ssyncadd.s32 $0xFFFFC180  }
0x167: {  	_ =	swait.ge [sflag:s30], $0x3E80  }
0x168: {  	[sflag:s30] =	ssyncset.done $0x0  }
0x169: {  	s19 =	simm.s32 $0xF80;
	[sflag:s30] =	ssyncadd.s32 $0xFFFFC180  }
0x16a: {  	[tilespmem:s0], [sflag:$0x2] =	stream.indirect.gather [hbm4b:s1+s26], $0x80, s19, s26, $0xb8;
	[tilespmem:$0x1E000] =	vst v63  }
0x16b: {  	s19 =	simm.s32 $0x1F00  }
0x16c: {  	[spmem:s3] =	stream.indirect.scatter.add.f32 [tilespmem:s23], [sflag:$0x4], $0x80, s19, s26, $0xb8;
	[tilespmem:$0x1E000] =	vst v63  }
0x16d: {  	_ =	swait.ge [sflag:s2], $0x3E80  }
0x16e: {  	[sflag:s2] =	ssyncset.done $0x0  }
0x16f: {  	[sflag:s2] =	ssyncadd.s32 $0xFFFFC180  }
0x170: {  	_ =	swait.ge [sflag:s25], $0x3E80  }
0x171: {  	[sflag:s25] =	ssyncset.done $0x0  }
0x172: {  	[sflag:s25] =	ssyncadd.s32 $0xFFFFC180  }
0x173: {  	_ =	swait.ge [sflag:s24], $0x800  }
0x174: {  	[sflag:s24] =	ssyncset.done $0x0  }
0x175: {  	[sflag:s24] =	ssyncadd.s32 $0xFFFFF800  }
0x176: {  	_ =	swait.ge [sflag:s24], $0x800  }
0x177: {  	[sflag:s24] =	ssyncset.done $0x0  }
0x178: {  	[sflag:s24] =	ssyncadd.s32 $0xFFFFF800  }
0x179: {  	[tilespmem:s23], [sflag:$0x1] =	stream.indirect.gather [hbm4b:s1+s26], $0x80, s4, s26, $0xb8;
	[tilespmem:$0x1E000] =	vst v63  }
0x17a: {  	s19 =	simm.s32 $0x1F80  }
0x17b: {  	[spmem:s3] =	stream.indirect.scatter.add.f32 [tilespmem:s0], [sflag:$0x4], $0x80, s19, s26, $0xb8;
	[tilespmem:$0x1E000] =	vst v63  }
0x17c: {  	_ =	swait.ge [sflag:s2], $0x3E80  }
0x17d: {  	[sflag:s2] =	ssyncset.done $0x0  }
0x17e: {  	s19 =	rddreg [dreg:$0xe];
	[sflag:s2] =	ssyncadd.s32 $0xFFFFC180  }
0x17f: {  	[tilespmem:s29], [sflag:$0x3] =	stream.linear.gather [hbm4b:s19+s4], $0x800, $0x38;
	[tilespmem:$0x1E000] =	vst v63  }
0x180: {  	s19 =	rddreg [dreg:$0xf]  }
0x181: {  	[tilespmem:s6], [sflag:$0x3] =	stream.linear.gather [hbm4b:s19+s4], $0x800, $0x38;
	[tilespmem:$0x1E000] =	vst v63  }
0x182: {  	_ =	swait.ge [sflag:s30], $0x3E80  }
0x183: {  	[sflag:s30] =	ssyncset.done $0x0  }
0x184: {  	s19 =	simm.s32 $0x80;
	[sflag:s30] =	ssyncadd.s32 $0xFFFFC180  }
0x185: {  	[tilespmem:s0], [sflag:$0x2] =	stream.indirect.gather [hbm4b:s1+s26], $0x80, s19, s26, $0xb8;
	[tilespmem:$0x1E000] =	vst v63  }
0x186: {  	s5 =	simm.s32 $0x1000  }
0x187: {  	[spmem:s3] =	stream.indirect.scatter.add.f32 [tilespmem:s23], [sflag:$0x4], $0x80, s5, s26, $0xb8;
	[tilespmem:$0x1E000] =	vst v63  }
0x188: {  	_ =	swait.ge [sflag:s2], $0x3E80  }
0x189: {  	[sflag:s2] =	ssyncset.done $0x0  }
0x18a: {  	[sflag:s2] =	ssyncadd.s32 $0xFFFFC180  }
0x18b: {  	_ =	swait.ge [sflag:s25], $0x3E80  }
0x18c: {  	[sflag:s25] =	ssyncset.done $0x0  }
0x18d: {  	s19 =	simm.s32 $0x100;
	[sflag:s25] =	ssyncadd.s32 $0xFFFFC180  }
0x18e: {  	[tilespmem:s23], [sflag:$0x1] =	stream.indirect.gather [hbm4b:s1+s26], $0x80, s19, s26, $0xb8;
	[tilespmem:$0x1E000] =	vst v63  }
0x18f: {  	s19 =	simm.s32 $0x1080  }
0x190: {  	[spmem:s3] =	stream.indirect.scatter.add.f32 [tilespmem:s0], [sflag:$0x4], $0x80, s19, s26, $0xb8;
	[tilespmem:$0x1E000] =	vst v63  }
0x191: {  	_ =	swait.ge [sflag:s2], $0x3E80  }
0x192: {  	[sflag:s2] =	ssyncset.done $0x0  }
0x193: {  	[sflag:s2] =	ssyncadd.s32 $0xFFFFC180  }
0x194: {  	_ =	swait.ge [sflag:s30], $0x3E80  }
0x195: {  	[sflag:s30] =	ssyncset.done $0x0  }
0x196: {  	s19 =	simm.s32 $0x180;
	[sflag:s30] =	ssyncadd.s32 $0xFFFFC180  }
0x197: {  	[tilespmem:s0], [sflag:$0x2] =	stream.indirect.gather [hbm4b:s1+s26], $0x80, s19, s26, $0xb8;
	[tilespmem:$0x1E000] =	vst v63  }
0x198: {  	s19 =	simm.s32 $0x1100  }
0x199: {  	[spmem:s3] =	stream.indirect.scatter.add.f32 [tilespmem:s23], [sflag:$0x4], $0x80, s19, s26, $0xb8;
	[tilespmem:$0x1E000] =	vst v63  }
0x19a: {  	_ =	swait.ge [sflag:s2], $0x3E80  }
0x19b: {  	[sflag:s2] =	ssyncset.done $0x0  }
0x19c: {  	[sflag:s2] =	ssyncadd.s32 $0xFFFFC180  }
0x19d: {  	_ =	swait.ge [sflag:s25], $0x3E80  }
0x19e: {  	[sflag:s25] =	ssyncset.done $0x0  }
0x19f: {  	s19 =	simm.s32 $0x200;
	[sflag:s25] =	ssyncadd.s32 $0xFFFFC180  }
0x1a0: {  	[tilespmem:s23], [sflag:$0x1] =	stream.indirect.gather [hbm4b:s1+s26], $0x80, s19, s26, $0xb8;
	[tilespmem:$0x1E000] =	vst v63  }
0x1a1: {  	s19 =	simm.s32 $0x1180  }
0x1a2: {  	[spmem:s3] =	stream.indirect.scatter.add.f32 [tilespmem:s0], [sflag:$0x4], $0x80, s19, s26, $0xb8;
	[tilespmem:$0x1E000] =	vst v63  }
0x1a3: {  	_ =	swait.ge [sflag:s2], $0x3E80  }
0x1a4: {  	[sflag:s2] =	ssyncset.done $0x0  }
0x1a5: {  	[sflag:s2] =	ssyncadd.s32 $0xFFFFC180  }
0x1a6: {  	_ =	swait.ge [sflag:s30], $0x3E80  }
0x1a7: {  	[sflag:s30] =	ssyncset.done $0x0  }
0x1a8: {  	s19 =	simm.s32 $0x280;
	[sflag:s30] =	ssyncadd.s32 $0xFFFFC180  }
0x1a9: {  	[tilespmem:s0], [sflag:$0x2] =	stream.indirect.gather [hbm4b:s1+s26], $0x80, s19, s26, $0xb8;
	[tilespmem:$0x1E000] =	vst v63  }
0x1aa: {  	s19 =	simm.s32 $0x1200  }
0x1ab: {  	[spmem:s3] =	stream.indirect.scatter.add.f32 [tilespmem:s23], [sflag:$0x4], $0x80, s19, s26, $0xb8;
	[tilespmem:$0x1E000] =	vst v63  }
0x1ac: {  	_ =	swait.ge [sflag:s2], $0x3E80  }
0x1ad: {  	[sflag:s2] =	ssyncset.done $0x0  }
0x1ae: {  	[sflag:s2] =	ssyncadd.s32 $0xFFFFC180  }
0x1af: {  	_ =	swait.ge [sflag:s25], $0x3E80  }
0x1b0: {  	[sflag:s25] =	ssyncset.done $0x0  }
0x1b1: {  	s19 =	simm.s32 $0x300;
	[sflag:s25] =	ssyncadd.s32 $0xFFFFC180  }
0x1b2: {  	[tilespmem:s23], [sflag:$0x1] =	stream.indirect.gather [hbm4b:s1+s26], $0x80, s19, s26, $0xb8;
	[tilespmem:$0x1E000] =	vst v63  }
0x1b3: {  	s19 =	simm.s32 $0x1280  }
0x1b4: {  	[spmem:s3] =	stream.indirect.scatter.add.f32 [tilespmem:s0], [sflag:$0x4], $0x80, s19, s26, $0xb8;
	[tilespmem:$0x1E000] =	vst v63  }
0x1b5: {  	_ =	swait.ge [sflag:s2], $0x3E80  }
0x1b6: {  	[sflag:s2] =	ssyncset.done $0x0  }
0x1b7: {  	[sflag:s2] =	ssyncadd.s32 $0xFFFFC180  }
0x1b8: {  	_ =	swait.ge [sflag:s30], $0x3E80  }
0x1b9: {  	[sflag:s30] =	ssyncset.done $0x0  }
0x1ba: {  	s19 =	simm.s32 $0x380;
	[sflag:s30] =	ssyncadd.s32 $0xFFFFC180  }
0x1bb: {  	[tilespmem:s0], [sflag:$0x2] =	stream.indirect.gather [hbm4b:s1+s26], $0x80, s19, s26, $0xb8;
	[tilespmem:$0x1E000] =	vst v63  }
0x1bc: {  	s19 =	simm.s32 $0x1300  }
0x1bd: {  	[spmem:s3] =	stream.indirect.scatter.add.f32 [tilespmem:s23], [sflag:$0x4], $0x80, s19, s26, $0xb8;
	[tilespmem:$0x1E000] =	vst v63  }
0x1be: {  	_ =	swait.ge [sflag:s2], $0x3E80  }
0x1bf: {  	[sflag:s2] =	ssyncset.done $0x0  }
0x1c0: {  	[sflag:s2] =	ssyncadd.s32 $0xFFFFC180  }
0x1c1: {  	_ =	swait.ge [sflag:s25], $0x3E80  }
0x1c2: {  	[sflag:s25] =	ssyncset.done $0x0  }
0x1c3: {  	s19 =	simm.s32 $0x400;
	[sflag:s25] =	ssyncadd.s32 $0xFFFFC180  }
0x1c4: {  	[tilespmem:s23], [sflag:$0x1] =	stream.indirect.gather [hbm4b:s1+s26], $0x80, s19, s26, $0xb8;
	[tilespmem:$0x1E000] =	vst v63  }
0x1c5: {  	s19 =	simm.s32 $0x1380  }
0x1c6: {  	[spmem:s3] =	stream.indirect.scatter.add.f32 [tilespmem:s0], [sflag:$0x4], $0x80, s19, s26, $0xb8;
	[tilespmem:$0x1E000] =	vst v63  }
0x1c7: {  	_ =	swait.ge [sflag:s2], $0x3E80  }
0x1c8: {  	[sflag:s2] =	ssyncset.done $0x0  }
0x1c9: {  	[sflag:s2] =	ssyncadd.s32 $0xFFFFC180  }
0x1ca: {  	_ =	swait.ge [sflag:s30], $0x3E80  }
0x1cb: {  	[sflag:s30] =	ssyncset.done $0x0  }
0x1cc: {  	s19 =	simm.s32 $0x480;
	[sflag:s30] =	ssyncadd.s32 $0xFFFFC180  }
0x1cd: {  	[tilespmem:s0], [sflag:$0x2] =	stream.indirect.gather [hbm4b:s1+s26], $0x80, s19, s26, $0xb8;
	[tilespmem:$0x1E000] =	vst v63  }
0x1ce: {  	s19 =	simm.s32 $0x1400  }
0x1cf: {  	[spmem:s3] =	stream.indirect.scatter.add.f32 [tilespmem:s23], [sflag:$0x4], $0x80, s19, s26, $0xb8;
	[tilespmem:$0x1E000] =	vst v63  }
0x1d0: {  	_ =	swait.ge [sflag:s2], $0x3E80  }
0x1d1: {  	[sflag:s2] =	ssyncset.done $0x0  }
0x1d2: {  	[sflag:s2] =	ssyncadd.s32 $0xFFFFC180  }
0x1d3: {  	_ =	swait.ge [sflag:s25], $0x3E80  }
0x1d4: {  	[sflag:s25] =	ssyncset.done $0x0  }
0x1d5: {  	s19 =	simm.s32 $0x500;
	[sflag:s25] =	ssyncadd.s32 $0xFFFFC180  }
0x1d6: {  	[tilespmem:s23], [sflag:$0x1] =	stream.indirect.gather [hbm4b:s1+s26], $0x80, s19, s26, $0xb8;
	[tilespmem:$0x1E000] =	vst v63  }
0x1d7: {  	s19 =	simm.s32 $0x1480  }
0x1d8: {  	[spmem:s3] =	stream.indirect.scatter.add.f32 [tilespmem:s0], [sflag:$0x4], $0x80, s19, s26, $0xb8;
	[tilespmem:$0x1E000] =	vst v63  }
0x1d9: {  	_ =	swait.ge [sflag:s2], $0x3E80  }
0x1da: {  	[sflag:s2] =	ssyncset.done $0x0  }
0x1db: {  	[sflag:s2] =	ssyncadd.s32 $0xFFFFC180  }
0x1dc: {  	_ =	swait.ge [sflag:s30], $0x3E80  }
0x1dd: {  	[sflag:s30] =	ssyncset.done $0x0  }
0x1de: {  	s19 =	simm.s32 $0x580;
	[sflag:s30] =	ssyncadd.s32 $0xFFFFC180  }
0x1df: {  	[tilespmem:s0], [sflag:$0x2] =	stream.indirect.gather [hbm4b:s1+s26], $0x80, s19, s26, $0xb8;
	[tilespmem:$0x1E000] =	vst v63  }
0x1e0: {  	s19 =	simm.s32 $0x1500  }
0x1e1: {  	[spmem:s3] =	stream.indirect.scatter.add.f32 [tilespmem:s23], [sflag:$0x4], $0x80, s19, s26, $0xb8;
	[tilespmem:$0x1E000] =	vst v63  }
0x1e2: {  	_ =	swait.ge [sflag:s2], $0x3E80  }
0x1e3: {  	[sflag:s2] =	ssyncset.done $0x0  }
0x1e4: {  	[sflag:s2] =	ssyncadd.s32 $0xFFFFC180  }
0x1e5: {  	_ =	swait.ge [sflag:s25], $0x3E80  }
0x1e6: {  	[sflag:s25] =	ssyncset.done $0x0  }
0x1e7: {  	s19 =	simm.s32 $0x600;
	[sflag:s25] =	ssyncadd.s32 $0xFFFFC180  }
0x1e8: {  	[tilespmem:s23], [sflag:$0x1] =	stream.indirect.gather [hbm4b:s1+s26], $0x80, s19, s26, $0xb8;
	[tilespmem:$0x1E000] =	vst v63  }
0x1e9: {  	s19 =	simm.s32 $0x1580  }
0x1ea: {  	[spmem:s3] =	stream.indirect.scatter.add.f32 [tilespmem:s0], [sflag:$0x4], $0x80, s19, s26, $0xb8;
	[tilespmem:$0x1E000] =	vst v63  }
0x1eb: {  	_ =	swait.ge [sflag:s2], $0x3E80  }
0x1ec: {  	[sflag:s2] =	ssyncset.done $0x0  }
0x1ed: {  	[sflag:s2] =	ssyncadd.s32 $0xFFFFC180  }
0x1ee: {  	_ =	swait.ge [sflag:s30], $0x3E80  }
0x1ef: {  	[sflag:s30] =	ssyncset.done $0x0  }
0x1f0: {  	s19 =	simm.s32 $0x680;
	[sflag:s30] =	ssyncadd.s32 $0xFFFFC180  }
0x1f1: {  	[tilespmem:s0], [sflag:$0x2] =	stream.indirect.gather [hbm4b:s1+s26], $0x80, s19, s26, $0xb8;
	[tilespmem:$0x1E000] =	vst v63  }
0x1f2: {  	s19 =	simm.s32 $0x1600  }
0x1f3: {  	[spmem:s3] =	stream.indirect.scatter.add.f32 [tilespmem:s23], [sflag:$0x4], $0x80, s19, s26, $0xb8;
	[tilespmem:$0x1E000] =	vst v63  }
0x1f4: {  	_ =	swait.ge [sflag:s2], $0x3E80  }
0x1f5: {  	[sflag:s2] =	ssyncset.done $0x0  }
0x1f6: {  	[sflag:s2] =	ssyncadd.s32 $0xFFFFC180  }
0x1f7: {  	_ =	swait.ge [sflag:s25], $0x3E80  }
0x1f8: {  	[sflag:s25] =	ssyncset.done $0x0  }
0x1f9: {  	s19 =	simm.s32 $0x700;
	[sflag:s25] =	ssyncadd.s32 $0xFFFFC180  }
0x1fa: {  	[tilespmem:s23], [sflag:$0x1] =	stream.indirect.gather [hbm4b:s1+s26], $0x80, s19, s26, $0xb8;
	[tilespmem:$0x1E000] =	vst v63  }
0x1fb: {  	s19 =	simm.s32 $0x1680  }
0x1fc: {  	[spmem:s3] =	stream.indirect.scatter.add.f32 [tilespmem:s0], [sflag:$0x4], $0x80, s19, s26, $0xb8;
	[tilespmem:$0x1E000] =	vst v63  }
0x1fd: {  	_ =	swait.ge [sflag:s2], $0x3E80  }
0x1fe: {  	[sflag:s2] =	ssyncset.done $0x0  }
0x1ff: {  	[sflag:s2] =	ssyncadd.s32 $0xFFFFC180  }
0x200: {  	_ =	swait.ge [sflag:s30], $0x3E80  }
0x201: {  	[sflag:s30] =	ssyncset.done $0x0  }
0x202: {  	s19 =	simm.s32 $0x780;
	[sflag:s30] =	ssyncadd.s32 $0xFFFFC180  }
0x203: {  	[tilespmem:s0], [sflag:$0x2] =	stream.indirect.gather [hbm4b:s1+s26], $0x80, s19, s26, $0xb8;
	[tilespmem:$0x1E000] =	vst v63  }
0x204: {  	s19 =	simm.s32 $0x1700  }
0x205: {  	[spmem:s3] =	stream.indirect.scatter.add.f32 [tilespmem:s23], [sflag:$0x4], $0x80, s19, s26, $0xb8;
	[tilespmem:$0x1E000] =	vst v63  }
0x206: {  	_ =	swait.ge [sflag:s2], $0x3E80  }
0x207: {  	[sflag:s2] =	ssyncset.done $0x0  }
0x208: {  	[sflag:s2] =	ssyncadd.s32 $0xFFFFC180  }
0x209: {  	_ =	swait.ge [sflag:s25], $0x3E80  }
0x20a: {  	[sflag:s25] =	ssyncset.done $0x0  }
0x20b: {  	[sflag:s25] =	ssyncadd.s32 $0xFFFFC180  }
0x20c: {  	_ =	swait.ge [sflag:s24], $0x800  }
0x20d: {  	[sflag:s24] =	ssyncset.done $0x0  }
0x20e: {  	[sflag:s24] =	ssyncadd.s32 $0xFFFFF800  }
0x20f: {  	_ =	swait.ge [sflag:s24], $0x800  }
0x210: {  	[sflag:s24] =	ssyncset.done $0x0  }
0x211: {  	[sflag:s24] =	ssyncadd.s32 $0xFFFFF800  }
0x212: {  	[tilespmem:s23], [sflag:$0x1] =	stream.indirect.gather [hbm4b:s1+s26], $0x80, s29, s26, $0xb8;
	[tilespmem:$0x1E000] =	vst v63  }
0x213: {  	s29 =	simm.s32 $0x1780  }
0x214: {  	[spmem:s3] =	stream.indirect.scatter.add.f32 [tilespmem:s0], [sflag:$0x4], $0x80, s29, s26, $0xb8;
	[tilespmem:$0x1E000] =	vst v63  }
0x215: {  	_ =	swait.ge [sflag:s2], $0x3E80  }
0x216: {  	[sflag:s2] =	ssyncset.done $0x0  }
0x217: {  	s19 =	rddreg [dreg:$0x10];
	[sflag:s2] =	ssyncadd.s32 $0xFFFFC180  }
0x218: {  	[tilespmem:s4], [sflag:$0x3] =	stream.linear.gather [hbm4b:s19+s4], $0x800, $0x38;
	[tilespmem:$0x1E000] =	vst v63  }
0x219: {  	s19 =	rddreg [dreg:$0x11]  }
0x21a: {  	[tilespmem:s5], [sflag:$0x3] =	stream.linear.gather [hbm4b:s19+s4], $0x800, $0x38;
	[tilespmem:$0x1E000] =	vst v63  }
0x21b: {  	_ =	swait.ge [sflag:s30], $0x3E80  }
0x21c: {  	[sflag:s30] =	ssyncset.done $0x0  }
0x21d: {  	[sflag:s30] =	ssyncadd.s32 $0xFFFFC180  }
0x21e: {  	[tilespmem:s0], [sflag:$0x2] =	stream.indirect.gather [hbm4b:s1+s26], $0x80, s22, s26, $0xb8;
	[tilespmem:$0x1E000] =	vst v63  }
0x21f: {  	_ = 	snop  }
0x220: {  	[spmem:s3] =	stream.indirect.scatter.add.f32 [tilespmem:s23], [sflag:$0x4], $0x80, s6, s26, $0xb8;
	[tilespmem:$0x1E000] =	vst v63  }
0x221: {  	_ =	swait.ge [sflag:s2], $0x3E80  }
0x222: {  	[sflag:s2] =	ssyncset.done $0x0  }
0x223: {  	[sflag:s2] =	ssyncadd.s32 $0xFFFFC180  }
0x224: {  	_ =	swait.ge [sflag:s25], $0x3E80  }
0x225: {  	[sflag:s25] =	ssyncset.done $0x0  }
0x226: {  	[sflag:s25] =	ssyncadd.s32 $0xFFFFC180  }
0x227: {  	[tilespmem:s23], [sflag:$0x1] =	stream.indirect.gather [hbm4b:s1+s26], $0x80, s8, s26, $0xb8;
	[tilespmem:$0x1E000] =	vst v63  }
0x228: {  	_ = 	snop  }
0x229: {  	[spmem:s3] =	stream.indirect.scatter.add.f32 [tilespmem:s0], [sflag:$0x4], $0x80, s9, s26, $0xb8;
	[tilespmem:$0x1E000] =	vst v63  }
0x22a: {  	_ =	swait.ge [sflag:s2], $0x3E80  }
0x22b: {  	[sflag:s2] =	ssyncset.done $0x0  }
0x22c: {  	[sflag:s2] =	ssyncadd.s32 $0xFFFFC180  }
0x22d: {  	_ =	swait.ge [sflag:s30], $0x3E80  }
0x22e: {  	[sflag:s30] =	ssyncset.done $0x0  }
0x22f: {  	[sflag:s30] =	ssyncadd.s32 $0xFFFFC180  }
0x230: {  	[tilespmem:s0], [sflag:$0x2] =	stream.indirect.gather [hbm4b:s1+s26], $0x80, s10, s26, $0xb8;
	[tilespmem:$0x1E000] =	vst v63  }
0x231: {  	_ = 	snop  }
0x232: {  	[spmem:s3] =	stream.indirect.scatter.add.f32 [tilespmem:s23], [sflag:$0x4], $0x80, s11, s26, $0xb8;
	[tilespmem:$0x1E000] =	vst v63  }
0x233: {  	_ =	swait.ge [sflag:s2], $0x3E80  }
0x234: {  	[sflag:s2] =	ssyncset.done $0x0  }
0x235: {  	[sflag:s2] =	ssyncadd.s32 $0xFFFFC180  }
0x236: {  	_ =	swait.ge [sflag:s25], $0x3E80  }
0x237: {  	[sflag:s25] =	ssyncset.done $0x0  }
0x238: {  	[sflag:s25] =	ssyncadd.s32 $0xFFFFC180  }
0x239: {  	[tilespmem:s23], [sflag:$0x1] =	stream.indirect.gather [hbm4b:s1+s26], $0x80, s12, s26, $0xb8;
	[tilespmem:$0x1E000] =	vst v63  }
0x23a: {  	_ = 	snop  }
0x23b: {  	[spmem:s3] =	stream.indirect.scatter.add.f32 [tilespmem:s0], [sflag:$0x4], $0x80, s13, s26, $0xb8;
	[tilespmem:$0x1E000] =	vst v63  }
0x23c: {  	_ =	swait.ge [sflag:s2], $0x3E80  }
0x23d: {  	[sflag:s2] =	ssyncset.done $0x0  }
0x23e: {  	[sflag:s2] =	ssyncadd.s32 $0xFFFFC180  }
0x23f: {  	_ =	swait.ge [sflag:s30], $0x3E80  }
0x240: {  	[sflag:s30] =	ssyncset.done $0x0  }
0x241: {  	[sflag:s30] =	ssyncadd.s32 $0xFFFFC180  }
0x242: {  	[tilespmem:s0], [sflag:$0x2] =	stream.indirect.gather [hbm4b:s1+s26], $0x80, s14, s26, $0xb8;
	[tilespmem:$0x1E000] =	vst v63  }
0x243: {  	_ = 	snop  }
0x244: {  	[spmem:s3] =	stream.indirect.scatter.add.f32 [tilespmem:s23], [sflag:$0x4], $0x80, s15, s26, $0xb8;
	[tilespmem:$0x1E000] =	vst v63  }
0x245: {  	_ =	swait.ge [sflag:s2], $0x3E80  }
0x246: {  	[sflag:s2] =	ssyncset.done $0x0  }
0x247: {  	[sflag:s2] =	ssyncadd.s32 $0xFFFFC180  }
0x248: {  	_ =	swait.ge [sflag:s25], $0x3E80  }
0x249: {  	[sflag:s25] =	ssyncset.done $0x0  }
0x24a: {  	[sflag:s25] =	ssyncadd.s32 $0xFFFFC180  }
0x24b: {  	[tilespmem:s23], [sflag:$0x1] =	stream.indirect.gather [hbm4b:s1+s26], $0x80, s16, s26, $0xb8;
	[tilespmem:$0x1E000] =	vst v63  }
0x24c: {  	_ = 	snop  }
0x24d: {  	[spmem:s3] =	stream.indirect.scatter.add.f32 [tilespmem:s0], [sflag:$0x4], $0x80, s17, s26, $0xb8;
	[tilespmem:$0x1E000] =	vst v63  }
0x24e: {  	_ =	swait.ge [sflag:s2], $0x3E80  }
0x24f: {  	[sflag:s2] =	ssyncset.done $0x0  }
0x250: {  	[sflag:s2] =	ssyncadd.s32 $0xFFFFC180  }
0x251: {  	_ =	swait.ge [sflag:s30], $0x3E80  }
0x252: {  	[sflag:s30] =	ssyncset.done $0x0  }
0x253: {  	[sflag:s30] =	ssyncadd.s32 $0xFFFFC180  }
0x254: {  	[tilespmem:s0], [sflag:$0x2] =	stream.indirect.gather [hbm4b:s1+s26], $0x80, s28, s26, $0xb8;
	[tilespmem:$0x1E000] =	vst v63  }
0x255: {  	_ = 	snop  }
0x256: {  	[spmem:s3] =	stream.indirect.scatter.add.f32 [tilespmem:s23], [sflag:$0x4], $0x80, s7, s26, $0xb8;
	[tilespmem:$0x1E000] =	vst v63  }
0x257: {  	_ =	swait.ge [sflag:s2], $0x3E80  }
0x258: {  	[sflag:s2] =	ssyncset.done $0x0  }
0x259: {  	[sflag:s2] =	ssyncadd.s32 $0xFFFFC180  }
0x25a: {  	_ =	swait.ge [sflag:s25], $0x3E80  }
0x25b: {  	[sflag:s25] =	ssyncset.done $0x0  }
0x25c: {  	[sflag:s25] =	ssyncadd.s32 $0xFFFFC180  }
0x25d: {  	[tilespmem:s23], [sflag:$0x1] =	stream.indirect.gather [hbm4b:s1+s26], $0x80, s20, s26, $0xb8;
	[tilespmem:$0x1E000] =	vst v63  }
0x25e: {  	_ = 	snop  }
0x25f: {  	[spmem:s3] =	stream.indirect.scatter.add.f32 [tilespmem:s0], [sflag:$0x4], $0x80, s21, s26, $0xb8;
	[tilespmem:$0x1E000] =	vst v63  }
0x260: {  	_ =	swait.ge [sflag:s2], $0x3E80  }
0x261: {  	[sflag:s2] =	ssyncset.done $0x0  }
0x262: {  	[sflag:s2] =	ssyncadd.s32 $0xFFFFC180  }
0x263: {  	_ =	swait.ge [sflag:s30], $0x3E80  }
0x264: {  	[sflag:s30] =	ssyncset.done $0x0  }
0x265: {  	[sflag:s30] =	ssyncadd.s32 $0xFFFFC180  }
0x266: {  	[tilespmem:s0], [sflag:$0x2] =	stream.indirect.gather [hbm4b:s1+s26], $0x80, s31, s26, $0xb8;
	[tilespmem:$0x1E000] =	vst v63  }
0x267: {  	s20 =	simm.s32 $0x1C00  }
0x268: {  	[spmem:s3] =	stream.indirect.scatter.add.f32 [tilespmem:s23], [sflag:$0x4], $0x80, s20, s26, $0xb8;
	[tilespmem:$0x1E000] =	vst v63  }
0x269: {  	_ =	swait.ge [sflag:s2], $0x3E80  }
0x26a: {  	[sflag:s2] =	ssyncset.done $0x0  }
0x26b: {  	[sflag:s2] =	ssyncadd.s32 $0xFFFFC180  }
0x26c: {  	_ =	swait.ge [sflag:s25], $0x3E80  }
0x26d: {  	[sflag:s25] =	ssyncset.done $0x0  }
0x26e: {  	s21 =	simm.s32 $0xD00;
	[sflag:s25] =	ssyncadd.s32 $0xFFFFC180  }
0x26f: {  	[tilespmem:s23], [sflag:$0x1] =	stream.indirect.gather [hbm4b:s1+s26], $0x80, s21, s26, $0xb8;
	[tilespmem:$0x1E000] =	vst v63  }
0x270: {  	s31 =	simm.s32 $0x1C80  }
0x271: {  	[spmem:s3] =	stream.indirect.scatter.add.f32 [tilespmem:s0], [sflag:$0x4], $0x80, s31, s26, $0xb8;
	[tilespmem:$0x1E000] =	vst v63  }
0x272: {  	_ =	swait.ge [sflag:s2], $0x3E80  }
0x273: {  	[sflag:s2] =	ssyncset.done $0x0  }
0x274: {  	[sflag:s2] =	ssyncadd.s32 $0xFFFFC180  }
0x275: {  	_ =	swait.ge [sflag:s30], $0x3E80  }
0x276: {  	[sflag:s30] =	ssyncset.done $0x0  }
0x277: {  	s19 =	simm.s32 $0xD80;
	[sflag:s30] =	ssyncadd.s32 $0xFFFFC180  }
0x278: {  	[tilespmem:s0], [sflag:$0x2] =	stream.indirect.gather [hbm4b:s1+s26], $0x80, s19, s26, $0xb8;
	[tilespmem:$0x1E000] =	vst v63  }
0x279: {  	s20 =	simm.s32 $0x1D00  }
0x27a: {  	[spmem:s3] =	stream.indirect.scatter.add.f32 [tilespmem:s23], [sflag:$0x4], $0x80, s20, s26, $0xb8;
	[tilespmem:$0x1E000] =	vst v63  }
0x27b: {  	_ =	swait.ge [sflag:s2], $0x3E80  }
0x27c: {  	[sflag:s2] =	ssyncset.done $0x0  }
0x27d: {  	[sflag:s2] =	ssyncadd.s32 $0xFFFFC180  }
0x27e: {  	_ =	swait.ge [sflag:s25], $0x3E80  }
0x27f: {  	[sflag:s25] =	ssyncset.done $0x0  }
0x280: {  	s21 =	simm.s32 $0xE00;
	[sflag:s25] =	ssyncadd.s32 $0xFFFFC180  }
0x281: {  	[tilespmem:s23], [sflag:$0x1] =	stream.indirect.gather [hbm4b:s1+s26], $0x80, s21, s26, $0xb8;
	[tilespmem:$0x1E000] =	vst v63  }
0x282: {  	s31 =	simm.s32 $0x1D80  }
0x283: {  	[spmem:s3] =	stream.indirect.scatter.add.f32 [tilespmem:s0], [sflag:$0x4], $0x80, s31, s26, $0xb8;
	[tilespmem:$0x1E000] =	vst v63  }
0x284: {  	_ =	swait.ge [sflag:s2], $0x3E80  }
0x285: {  	[sflag:s2] =	ssyncset.done $0x0  }
0x286: {  	[sflag:s2] =	ssyncadd.s32 $0xFFFFC180  }
0x287: {  	_ =	swait.ge [sflag:s30], $0x3E80  }
0x288: {  	[sflag:s30] =	ssyncset.done $0x0  }
0x289: {  	s19 =	simm.s32 $0xE80;
	[sflag:s30] =	ssyncadd.s32 $0xFFFFC180  }
0x28a: {  	[tilespmem:s0], [sflag:$0x2] =	stream.indirect.gather [hbm4b:s1+s26], $0x80, s19, s26, $0xb8;
	[tilespmem:$0x1E000] =	vst v63  }
0x28b: {  	s20 =	simm.s32 $0x1E00  }
0x28c: {  	[spmem:s3] =	stream.indirect.scatter.add.f32 [tilespmem:s23], [sflag:$0x4], $0x80, s20, s26, $0xb8;
	[tilespmem:$0x1E000] =	vst v63  }
0x28d: {  	_ =	swait.ge [sflag:s2], $0x3E80  }
0x28e: {  	[sflag:s2] =	ssyncset.done $0x0  }
0x28f: {  	[sflag:s2] =	ssyncadd.s32 $0xFFFFC180  }
0x290: {  	_ =	swait.ge [sflag:s25], $0x3E80  }
0x291: {  	[sflag:s25] =	ssyncset.done $0x0  }
0x292: {  	s21 =	simm.s32 $0xF00;
	[sflag:s25] =	ssyncadd.s32 $0xFFFFC180  }
0x293: {  	[tilespmem:s23], [sflag:$0x1] =	stream.indirect.gather [hbm4b:s1+s26], $0x80, s21, s26, $0xb8;
	[tilespmem:$0x1E000] =	vst v63  }
0x294: {  	s31 =	simm.s32 $0x1E80  }
0x295: {  	[spmem:s3] =	stream.indirect.scatter.add.f32 [tilespmem:s0], [sflag:$0x4], $0x80, s31, s26, $0xb8;
	[tilespmem:$0x1E000] =	vst v63  }
0x296: {  	_ =	swait.ge [sflag:s2], $0x3E80  }
0x297: {  	[sflag:s2] =	ssyncset.done $0x0  }
0x298: {  	[sflag:s2] =	ssyncadd.s32 $0xFFFFC180  }
0x299: {  	_ =	swait.ge [sflag:s30], $0x3E80  }
0x29a: {  	[sflag:s30] =	ssyncset.done $0x0  }
0x29b: {  	s19 =	simm.s32 $0xF80;
	[sflag:s30] =	ssyncadd.s32 $0xFFFFC180  }
0x29c: {  	[tilespmem:s0], [sflag:$0x2] =	stream.indirect.gather [hbm4b:s1+s26], $0x80, s19, s26, $0xb8;
	[tilespmem:$0x1E000] =	vst v63  }
0x29d: {  	s20 =	simm.s32 $0x1F00  }
0x29e: {  	[spmem:s3] =	stream.indirect.scatter.add.f32 [tilespmem:s23], [sflag:$0x4], $0x80, s20, s26, $0xb8;
	[tilespmem:$0x1E000] =	vst v63  }
0x29f: {  	_ =	swait.ge [sflag:s2], $0x3E80  }
0x2a0: {  	[sflag:s2] =	ssyncset.done $0x0  }
0x2a1: {  	[sflag:s2] =	ssyncadd.s32 $0xFFFFC180  }
0x2a2: {  	_ =	swait.ge [sflag:s25], $0x3E80  }
0x2a3: {  	[sflag:s25] =	ssyncset.done $0x0  }
0x2a4: {  	[sflag:s25] =	ssyncadd.s32 $0xFFFFC180  }
0x2a5: {  	_ =	swait.ge [sflag:s24], $0x800  }
0x2a6: {  	[sflag:s24] =	ssyncset.done $0x0  }
0x2a7: {  	[sflag:s24] =	ssyncadd.s32 $0xFFFFF800  }
0x2a8: {  	_ =	swait.ge [sflag:s24], $0x800  }
0x2a9: {  	[sflag:s24] =	ssyncset.done $0x0  }
0x2aa: {  	[sflag:s24] =	ssyncadd.s32 $0xFFFFF800  }
0x2ab: {  	[tilespmem:s23], [sflag:$0x1] =	stream.indirect.gather [hbm4b:s1+s26], $0x80, s4, s26, $0xb8;
	[tilespmem:$0x1E000] =	vst v63  }
0x2ac: {  	s21 =	simm.s32 $0x1F80  }
0x2ad: {  	[spmem:s3] =	stream.indirect.scatter.add.f32 [tilespmem:s0], [sflag:$0x4], $0x80, s21, s26, $0xb8;
	[tilespmem:$0x1E000] =	vst v63  }
0x2ae: {  	_ =	swait.ge [sflag:s2], $0x3E80  }
0x2af: {  	[sflag:s2] =	ssyncset.done $0x0  }
0x2b0: {  	[sflag:s2] =	ssyncadd.s32 $0xFFFFC180  }
0x2b1: {  	_ =	swait.ge [sflag:s30], $0x3E80  }
0x2b2: {  	[sflag:s30] =	ssyncset.done $0x0  }
0x2b3: {  	s31 =	simm.s32 $0x80;
	[sflag:s30] =	ssyncadd.s32 $0xFFFFC180  }
0x2b4: {  	[tilespmem:s0], [sflag:$0x2] =	stream.indirect.gather [hbm4b:s1+s26], $0x80, s31, s26, $0xb8;
	[tilespmem:$0x1E000] =	vst v63  }
0x2b5: {  	s7 =	simm.s32 $0x1000  }
0x2b6: {  	[spmem:s3] =	stream.indirect.scatter.add.f32 [tilespmem:s23], [sflag:$0x4], $0x80, s7, s26, $0xb8;
	[tilespmem:$0x1E000] =	vst v63  }
0x2b7: {  	_ =	swait.ge [sflag:s2], $0x3E80  }
0x2b8: {  	[sflag:s2] =	ssyncset.done $0x0  }
0x2b9: {  	[sflag:s2] =	ssyncadd.s32 $0xFFFFC180  }
0x2ba: {  	_ =	swait.ge [sflag:s25], $0x3E80  }
0x2bb: {  	[sflag:s25] =	ssyncset.done $0x0  }
0x2bc: {  	s19 =	simm.s32 $0x100;
	[sflag:s25] =	ssyncadd.s32 $0xFFFFC180  }
0x2bd: {  	[tilespmem:s23], [sflag:$0x1] =	stream.indirect.gather [hbm4b:s1+s26], $0x80, s19, s26, $0xb8;
	[tilespmem:$0x1E000] =	vst v63  }
0x2be: {  	s20 =	simm.s32 $0x1080  }
0x2bf: {  	[spmem:s3] =	stream.indirect.scatter.add.f32 [tilespmem:s0], [sflag:$0x4], $0x80, s20, s26, $0xb8;
	[tilespmem:$0x1E000] =	vst v63  }
0x2c0: {  	_ =	swait.ge [sflag:s2], $0x3E80  }
0x2c1: {  	[sflag:s2] =	ssyncset.done $0x0  }
0x2c2: {  	[sflag:s2] =	ssyncadd.s32 $0xFFFFC180  }
0x2c3: {  	_ =	swait.ge [sflag:s30], $0x3E80  }
0x2c4: {  	[sflag:s30] =	ssyncset.done $0x0  }
0x2c5: {  	s21 =	simm.s32 $0x180;
	[sflag:s30] =	ssyncadd.s32 $0xFFFFC180  }
0x2c6: {  	[tilespmem:s0], [sflag:$0x2] =	stream.indirect.gather [hbm4b:s1+s26], $0x80, s21, s26, $0xb8;
	[tilespmem:$0x1E000] =	vst v63  }
0x2c7: {  	s31 =	simm.s32 $0x1100  }
0x2c8: {  	[spmem:s3] =	stream.indirect.scatter.add.f32 [tilespmem:s23], [sflag:$0x4], $0x80, s31, s26, $0xb8;
	[tilespmem:$0x1E000] =	vst v63  }
0x2c9: {  	_ =	swait.ge [sflag:s2], $0x3E80  }
0x2ca: {  	[sflag:s2] =	ssyncset.done $0x0  }
0x2cb: {  	[sflag:s2] =	ssyncadd.s32 $0xFFFFC180  }
0x2cc: {  	_ =	swait.ge [sflag:s25], $0x3E80  }
0x2cd: {  	[sflag:s25] =	ssyncset.done $0x0  }
0x2ce: {  	s19 =	simm.s32 $0x200;
	[sflag:s25] =	ssyncadd.s32 $0xFFFFC180  }
0x2cf: {  	[tilespmem:s23], [sflag:$0x1] =	stream.indirect.gather [hbm4b:s1+s26], $0x80, s19, s26, $0xb8;
	[tilespmem:$0x1E000] =	vst v63  }
0x2d0: {  	s20 =	simm.s32 $0x1180  }
0x2d1: {  	[spmem:s3] =	stream.indirect.scatter.add.f32 [tilespmem:s0], [sflag:$0x4], $0x80, s20, s26, $0xb8;
	[tilespmem:$0x1E000] =	vst v63  }
0x2d2: {  	_ =	swait.ge [sflag:s2], $0x3E80  }
0x2d3: {  	[sflag:s2] =	ssyncset.done $0x0  }
0x2d4: {  	[sflag:s2] =	ssyncadd.s32 $0xFFFFC180  }
0x2d5: {  	_ =	swait.ge [sflag:s30], $0x3E80  }
0x2d6: {  	[sflag:s30] =	ssyncset.done $0x0  }
0x2d7: {  	s21 =	simm.s32 $0x280;
	[sflag:s30] =	ssyncadd.s32 $0xFFFFC180  }
0x2d8: {  	[tilespmem:s0], [sflag:$0x2] =	stream.indirect.gather [hbm4b:s1+s26], $0x80, s21, s26, $0xb8;
	[tilespmem:$0x1E000] =	vst v63  }
0x2d9: {  	s31 =	simm.s32 $0x1200  }
0x2da: {  	[spmem:s3] =	stream.indirect.scatter.add.f32 [tilespmem:s23], [sflag:$0x4], $0x80, s31, s26, $0xb8;
	[tilespmem:$0x1E000] =	vst v63  }
0x2db: {  	_ =	swait.ge [sflag:s2], $0x3E80  }
0x2dc: {  	[sflag:s2] =	ssyncset.done $0x0  }
0x2dd: {  	[sflag:s2] =	ssyncadd.s32 $0xFFFFC180  }
0x2de: {  	_ =	swait.ge [sflag:s25], $0x3E80  }
0x2df: {  	[sflag:s25] =	ssyncset.done $0x0  }
0x2e0: {  	s19 =	simm.s32 $0x300;
	[sflag:s25] =	ssyncadd.s32 $0xFFFFC180  }
0x2e1: {  	[tilespmem:s23], [sflag:$0x1] =	stream.indirect.gather [hbm4b:s1+s26], $0x80, s19, s26, $0xb8;
	[tilespmem:$0x1E000] =	vst v63  }
0x2e2: {  	s20 =	simm.s32 $0x1280  }
0x2e3: {  	[spmem:s3] =	stream.indirect.scatter.add.f32 [tilespmem:s0], [sflag:$0x4], $0x80, s20, s26, $0xb8;
	[tilespmem:$0x1E000] =	vst v63  }
0x2e4: {  	_ =	swait.ge [sflag:s2], $0x3E80  }
0x2e5: {  	[sflag:s2] =	ssyncset.done $0x0  }
0x2e6: {  	[sflag:s2] =	ssyncadd.s32 $0xFFFFC180  }
0x2e7: {  	_ =	swait.ge [sflag:s30], $0x3E80  }
0x2e8: {  	[sflag:s30] =	ssyncset.done $0x0  }
0x2e9: {  	s21 =	simm.s32 $0x380;
	[sflag:s30] =	ssyncadd.s32 $0xFFFFC180  }
0x2ea: {  	[tilespmem:s0], [sflag:$0x2] =	stream.indirect.gather [hbm4b:s1+s26], $0x80, s21, s26, $0xb8;
	[tilespmem:$0x1E000] =	vst v63  }
0x2eb: {  	s31 =	simm.s32 $0x1300  }
0x2ec: {  	[spmem:s3] =	stream.indirect.scatter.add.f32 [tilespmem:s23], [sflag:$0x4], $0x80, s31, s26, $0xb8;
	[tilespmem:$0x1E000] =	vst v63  }
0x2ed: {  	_ =	swait.ge [sflag:s2], $0x3E80  }
0x2ee: {  	[sflag:s2] =	ssyncset.done $0x0  }
0x2ef: {  	[sflag:s2] =	ssyncadd.s32 $0xFFFFC180  }
0x2f0: {  	_ =	swait.ge [sflag:s25], $0x3E80  }
0x2f1: {  	[sflag:s25] =	ssyncset.done $0x0  }
0x2f2: {  	s19 =	simm.s32 $0x400;
	[sflag:s25] =	ssyncadd.s32 $0xFFFFC180  }
0x2f3: {  	[tilespmem:s23], [sflag:$0x1] =	stream.indirect.gather [hbm4b:s1+s26], $0x80, s19, s26, $0xb8;
	[tilespmem:$0x1E000] =	vst v63  }
0x2f4: {  	s20 =	simm.s32 $0x1380  }
0x2f5: {  	[spmem:s3] =	stream.indirect.scatter.add.f32 [tilespmem:s0], [sflag:$0x4], $0x80, s20, s26, $0xb8;
	[tilespmem:$0x1E000] =	vst v63  }
0x2f6: {  	_ =	swait.ge [sflag:s2], $0x3E80  }
0x2f7: {  	[sflag:s2] =	ssyncset.done $0x0  }
0x2f8: {  	[sflag:s2] =	ssyncadd.s32 $0xFFFFC180  }
0x2f9: {  	_ =	swait.ge [sflag:s30], $0x3E80  }
0x2fa: {  	[sflag:s30] =	ssyncset.done $0x0  }
0x2fb: {  	s21 =	simm.s32 $0x480;
	[sflag:s30] =	ssyncadd.s32 $0xFFFFC180  }
0x2fc: {  	[tilespmem:s0], [sflag:$0x2] =	stream.indirect.gather [hbm4b:s1+s26], $0x80, s21, s26, $0xb8;
	[tilespmem:$0x1E000] =	vst v63  }
0x2fd: {  	s31 =	simm.s32 $0x1400  }
0x2fe: {  	[spmem:s3] =	stream.indirect.scatter.add.f32 [tilespmem:s23], [sflag:$0x4], $0x80, s31, s26, $0xb8;
	[tilespmem:$0x1E000] =	vst v63  }
0x2ff: {  	_ =	swait.ge [sflag:s2], $0x3E80  }
0x300: {  	[sflag:s2] =	ssyncset.done $0x0  }
0x301: {  	[sflag:s2] =	ssyncadd.s32 $0xFFFFC180  }
0x302: {  	_ =	swait.ge [sflag:s25], $0x3E80  }
0x303: {  	[sflag:s25] =	ssyncset.done $0x0  }
0x304: {  	s19 =	simm.s32 $0x500;
	[sflag:s25] =	ssyncadd.s32 $0xFFFFC180  }
0x305: {  	[tilespmem:s23], [sflag:$0x1] =	stream.indirect.gather [hbm4b:s1+s26], $0x80, s19, s26, $0xb8;
	[tilespmem:$0x1E000] =	vst v63  }
0x306: {  	s20 =	simm.s32 $0x1480  }
0x307: {  	[spmem:s3] =	stream.indirect.scatter.add.f32 [tilespmem:s0], [sflag:$0x4], $0x80, s20, s26, $0xb8;
	[tilespmem:$0x1E000] =	vst v63  }
0x308: {  	_ =	swait.ge [sflag:s2], $0x3E80  }
0x309: {  	[sflag:s2] =	ssyncset.done $0x0  }
0x30a: {  	[sflag:s2] =	ssyncadd.s32 $0xFFFFC180  }
0x30b: {  	_ =	swait.ge [sflag:s30], $0x3E80  }
0x30c: {  	[sflag:s30] =	ssyncset.done $0x0  }
0x30d: {  	s21 =	simm.s32 $0x580;
	[sflag:s30] =	ssyncadd.s32 $0xFFFFC180  }
0x30e: {  	[tilespmem:s0], [sflag:$0x2] =	stream.indirect.gather [hbm4b:s1+s26], $0x80, s21, s26, $0xb8;
	[tilespmem:$0x1E000] =	vst v63  }
0x30f: {  	s31 =	simm.s32 $0x1500  }
0x310: {  	[spmem:s3] =	stream.indirect.scatter.add.f32 [tilespmem:s23], [sflag:$0x4], $0x80, s31, s26, $0xb8;
	[tilespmem:$0x1E000] =	vst v63  }
0x311: {  	_ =	swait.ge [sflag:s2], $0x3E80  }
0x312: {  	[sflag:s2] =	ssyncset.done $0x0  }
0x313: {  	[sflag:s2] =	ssyncadd.s32 $0xFFFFC180  }
0x314: {  	_ =	swait.ge [sflag:s25], $0x3E80  }
0x315: {  	[sflag:s25] =	ssyncset.done $0x0  }
0x316: {  	s19 =	simm.s32 $0x600;
	[sflag:s25] =	ssyncadd.s32 $0xFFFFC180  }
0x317: {  	[tilespmem:s23], [sflag:$0x1] =	stream.indirect.gather [hbm4b:s1+s26], $0x80, s19, s26, $0xb8;
	[tilespmem:$0x1E000] =	vst v63  }
0x318: {  	s20 =	simm.s32 $0x1580  }
0x319: {  	[spmem:s3] =	stream.indirect.scatter.add.f32 [tilespmem:s0], [sflag:$0x4], $0x80, s20, s26, $0xb8;
	[tilespmem:$0x1E000] =	vst v63  }
0x31a: {  	_ =	swait.ge [sflag:s2], $0x3E80  }
0x31b: {  	[sflag:s2] =	ssyncset.done $0x0  }
0x31c: {  	[sflag:s2] =	ssyncadd.s32 $0xFFFFC180  }
0x31d: {  	_ =	swait.ge [sflag:s30], $0x3E80  }
0x31e: {  	[sflag:s30] =	ssyncset.done $0x0  }
0x31f: {  	s21 =	simm.s32 $0x680;
	[sflag:s30] =	ssyncadd.s32 $0xFFFFC180  }
0x320: {  	[tilespmem:s0], [sflag:$0x2] =	stream.indirect.gather [hbm4b:s1+s26], $0x80, s21, s26, $0xb8;
	[tilespmem:$0x1E000] =	vst v63  }
0x321: {  	s31 =	simm.s32 $0x1600  }
0x322: {  	[spmem:s3] =	stream.indirect.scatter.add.f32 [tilespmem:s23], [sflag:$0x4], $0x80, s31, s26, $0xb8;
	[tilespmem:$0x1E000] =	vst v63  }
0x323: {  	_ =	swait.ge [sflag:s2], $0x3E80  }
0x324: {  	[sflag:s2] =	ssyncset.done $0x0  }
0x325: {  	[sflag:s2] =	ssyncadd.s32 $0xFFFFC180  }
0x326: {  	_ =	swait.ge [sflag:s25], $0x3E80  }
0x327: {  	[sflag:s25] =	ssyncset.done $0x0  }
0x328: {  	s19 =	simm.s32 $0x700;
	[sflag:s25] =	ssyncadd.s32 $0xFFFFC180  }
0x329: {  	[tilespmem:s23], [sflag:$0x1] =	stream.indirect.gather [hbm4b:s1+s26], $0x80, s19, s26, $0xb8;
	[tilespmem:$0x1E000] =	vst v63  }
0x32a: {  	s20 =	simm.s32 $0x1680  }
0x32b: {  	[spmem:s3] =	stream.indirect.scatter.add.f32 [tilespmem:s0], [sflag:$0x4], $0x80, s20, s26, $0xb8;
	[tilespmem:$0x1E000] =	vst v63  }
0x32c: {  	_ =	swait.ge [sflag:s2], $0x3E80  }
0x32d: {  	[sflag:s2] =	ssyncset.done $0x0  }
0x32e: {  	[sflag:s2] =	ssyncadd.s32 $0xFFFFC180  }
0x32f: {  	_ =	swait.ge [sflag:s30], $0x3E80  }
0x330: {  	[sflag:s30] =	ssyncset.done $0x0  }
0x331: {  	s21 =	simm.s32 $0x780;
	[sflag:s30] =	ssyncadd.s32 $0xFFFFC180  }
0x332: {  	[tilespmem:s0], [sflag:$0x2] =	stream.indirect.gather [hbm4b:s1+s26], $0x80, s21, s26, $0xb8;
	[tilespmem:$0x1E000] =	vst v63  }
0x333: {  	s31 =	simm.s32 $0x1700  }
0x334: {  	[spmem:s3] =	stream.indirect.scatter.add.f32 [tilespmem:s23], [sflag:$0x4], $0x80, s31, s26, $0xb8;
	[tilespmem:$0x1E000] =	vst v63  }
0x335: {  	_ =	swait.ge [sflag:s2], $0x3E80  }
0x336: {  	[sflag:s2] =	ssyncset.done $0x0  }
0x337: {  	[sflag:s2] =	ssyncadd.s32 $0xFFFFC180  }
0x338: {  	_ =	swait.ge [sflag:s25], $0x3E80  }
0x339: {  	[sflag:s25] =	ssyncset.done $0x0  }
0x33a: {  	s29 =	simm.s32 $0x1780;
	[sflag:s25] =	ssyncadd.s32 $0xFFFFC180  }
0x33b: {  	[spmem:s3] =	stream.indirect.scatter.add.f32 [tilespmem:s0], [sflag:$0x4], $0x80, s29, s26, $0xb8;
	[tilespmem:$0x1E000] =	vst v63  }
0x33c: {  	_ =	swait.ge [sflag:s2], $0x3E80  }
0x33d: {  	[sflag:s2] =	ssyncset.done $0x0  }
0x33e: {  	[sflag:s2] =	ssyncadd.s32 $0xFFFFC180  }
0x33f: {  	s5 =	stileid.u32;
	[bflag:$0x0] =	sbarrier.arrive $0xFFFF  }
0x340: {  	s19 =	sshll.u32 s5, $0x6;
	s20 =	rddreg [dreg:$0x14]  }
0x341: {  	s19 =	sor.u32 $0x1C04, s19;
	s29 =	rddreg [dreg:$0x12];
	s21 =	sshrl.u32 s20, $0x3  }
0x342: {  	[hbm:s29], [sflag:s19] =	dma.local [spmem:s21], $0x2800  }
0x343: {  	_ =	swait.ge [sflag:s2], $0x2800  }
0x344: {  	s18 =	sadd.s32 $0x1, s18;
	s31 =	rddreg [dreg:$0x13]  }
0x345: {  	p0 =	sne.s32 s18, s31  }
.Ltmp1:
0x346: {  	_ = 	snop;
	(pc) =	sbr.rel @p0 .LBB2_1-.Ltmp1, $3  }
0x347: {  	_ =	sdelay $0x1  }
0x348: {  	[sflag:s2] =	ssyncset.done $0x0  }
0x349: {  	[sflag:s2] =	ssyncadd.s32 $0xFFFFD800  }
0x34a: {  	_ =	sfence.sel $0x180000  }
0x34b: {  	[bflag:$0x0] =	sbarrier.arrive $0xFFFF  }
0x34c: {  	_ =	strace $0x9000004A  }
0x34d: {  	s0 =	stileid.u32;
	[bflag:$0x2] =	sbarrier.arrive $0xFFFF  }
0x34e: {  	p0 =	sne.s32 s0, $0x0;
	s0 =	rddreg [dreg:$0x3]  }
0x34f: {  	s0 =	sadd.s32 @!p0 $0x100000, s0  }
0x350: {  	[sflag:s0] =	ssyncadd.tile.s32 @!p0 $0x1;
	_ =	shalt  }
.Lfunc_end2:
_tile_overlayer_lowered:
.L_overlay_start_2:
0x351: {  	(tag) =	ssettag $0x2  }
0x352: {  	s0 =	rddreg [dreg:$0x0];
	s2 =	stileid.u32  }
0x353: {  	s1 =	rddreg [dreg:$0x1];
	p0 =	sne.s32 s2, $0x0  }
0x354: {  	s3 =	rddreg [dreg:$0x2];
	[bflag:$0x3] =	sbarrier.arrive $0xFFFF;
	s2 =	simm.s32 @!p0 $0x1C04  }
0x355: {  	[timem:s3], [sflag:s2] =	dma.local @!p0 [hbm:s0], s1  }
0x356: {  	s0 =	simm.s32 @!p0 $0x4  }
0x357: {  	_ =	swait.ge @!p0 [sflag:s0], s1  }
0x358: {  	s1 =	ssub.s32 @!p0 $0x0, s1;
	[sflag:s0] =	ssyncset.done @!p0 $0x0  }
0x359: {  	[sflag:s0] =	ssyncadd.s32 @!p0 s1  }
0x35a: {  	[bflag:$0x3] =	sbarrier.arrive $0xFFFF  }
0x35b: {  	_ =	shalt  }

</sc_bundles>
